<compile_context>
chip_gen: v7x
topology: tpu7x:2x2x1
jax: 0.10.2.dev20260603
libtpu: 0.0.44.dev20260713+nightly
codegen_flags: <defaults>
</compile_context>

<pallas_src>
import functools

import jax
import jax.numpy as jnp
from jax import lax
from jax.experimental import pallas as pl
from jax.experimental.pallas import tpu as pltpu
from jax.experimental.pallas import tpu_sc as plsc

N = 10000
E = 320000
D = 128

NC = 2
NS = 16
NW = NC * NS
NPAD = 10240
EC = 128
NCHUNK = 80
EPW = EC * NCHUNK
EPAD = NW * EPW
RPT = NPAD // NS

CH0 = 156
CH1 = 4
TOTC = NS * (CH0 + CH1)

_sc_mesh = plsc.VectorSubcoreMesh(
    core_axis_name="c", subcore_axis_name="s", num_cores=NC, num_subcores=NS)


@functools.partial(
    pl.kernel,
    out_type=jax.ShapeDtypeStruct((NC * NPAD,), jnp.float32),
    mesh=_sc_mesh,
    scratch_types=[
        pltpu.VMEM((NCHUNK, EC), jnp.int32),
        pltpu.VMEM((EC,), jnp.float32),
        pltpu.VMEM_SHARED((NPAD,), jnp.float32),
        pltpu.SemaphoreType.DMA,
    ],
)
def _sc_degs(dst_hbm, zer_hbm, ones_hbm, out_hbm, didx_t, ones_v, acc_sh, sem):
    c = lax.axis_index("c")
    s = lax.axis_index("s")
    wid = s * NC + c
    pltpu.sync_copy(zer_hbm, acc_sh.at[pl.ds(s * RPT, RPT)])
    pltpu.sync_copy(ones_hbm, ones_v)
    pltpu.sync_copy(dst_hbm.at[wid], didx_t)
    plsc.subcore_barrier()

    def body(j, carry):
        descs = [
            pltpu.async_copy(ones_v, acc_sh.at[didx_t.at[j * 8 + t]], sem,
                             add=True)
            for t in range(8)
        ]
        for d in descs:
            d.wait()
        return carry

    lax.fori_loop(0, NCHUNK // 8, body, 0)
    plsc.subcore_barrier()
    pltpu.sync_copy(acc_sh.at[pl.ds(s * RPT, RPT)],
                    out_hbm.at[pl.ds(c * NPAD + s * RPT, RPT)])


@functools.partial(
    pl.kernel,
    out_type=jax.ShapeDtypeStruct((NC * NPAD, D), jnp.float32),
    mesh=_sc_mesh,
    scratch_types=(
        [pltpu.VMEM((2, EC), jnp.int32)] * 4
        + [pltpu.VMEM((EC, D), jnp.float32)] * 2
        + [pltpu.VMEM_SHARED((NPAD, D), jnp.float32)]
        + [pltpu.SemaphoreType.DMA] * 8
    ),
)
def _sc_prop(g_hbm, eidx_hbm, zrows_hbm, out_hbm, *rest):
    ebuf = rest[0:4]
    rows = rest[4:6]
    acc_sh = rest[6]
    isem = rest[7:11]
    gsem = rest[11:13]
    ssem = rest[13:15]
    c = lax.axis_index("c")
    s = lax.axis_index("s")
    pltpu.sync_copy(zrows_hbm, acc_sh.at[pl.ds(s * RPT, RPT)])
    plsc.subcore_barrier()

    def _pipeline(nch, base):
        pltpu.sync_copy(eidx_hbm.at[base], ebuf[0])
        pltpu.async_copy(eidx_hbm.at[base + 1], ebuf[1], isem[1])
        pltpu.async_copy(g_hbm.at[ebuf[0].at[0]], rows[0], gsem[0])

        def body(j, carry):
            for t in range(4):
                i = j * 4 + t
                bg, bs = t % 2, (t - 1) % 2
                pltpu.make_async_copy(g_hbm.at[ebuf[t].at[0]], rows[bg],
                                      gsem[bg]).wait()
                if t < 2:
                    pltpu.async_copy(eidx_hbm.at[base + i + 2], ebuf[t + 2],
                                     isem[t + 2])
                else:
                    @pl.when(j < nch // 4 - 1)
                    def _():
                        pltpu.async_copy(eidx_hbm.at[base + i + 2],
                                         ebuf[t - 2], isem[t - 2])
                if t == 0:
                    @pl.when(j > 0)
                    def _():
                        pltpu.make_async_copy(rows[bs],
                                              acc_sh.at[ebuf[3].at[1]],
                                              ssem[bs]).wait()
                else:
                    pltpu.make_async_copy(rows[bs],
                                          acc_sh.at[ebuf[t - 1].at[1]],
                                          ssem[bs]).wait()
                def _start_gather(tn):
                    pltpu.make_async_copy(eidx_hbm.at[base + i + 1], ebuf[tn],
                                          isem[tn]).wait()
                    pltpu.async_copy(g_hbm.at[ebuf[tn].at[0]], rows[bs],
                                     gsem[bs])
                if t < 3:
                    _start_gather(t + 1)
                else:
                    @pl.when(j < nch // 4 - 1)
                    def _():
                        _start_gather(0)
                pltpu.async_copy(rows[bg], acc_sh.at[ebuf[t].at[1]], ssem[bg],
                                 add=True)
            return carry

        lax.fori_loop(0, nch // 4, body, 0)
        pltpu.make_async_copy(rows[1], acc_sh.at[ebuf[3].at[1]],
                              ssem[1]).wait()

    @pl.when(c == 0)
    def _():
        _pipeline(CH0, s * CH0)

    if CH1 > 0:
        @pl.when(c == 1)
        def _():
            _pipeline(CH1, NS * CH0 + s * CH1)

    plsc.subcore_barrier()
    pltpu.sync_copy(acc_sh.at[pl.ds(s * RPT, RPT)],
                    out_hbm.at[pl.ds(c * NPAD + s * RPT, RPT)])


_BM = 1280


def _tc_prep_body(x_ref, w_ref, d0_ref, d1_ref, g0_ref, ri_ref):
    deg = jnp.maximum(d0_ref[...] + d1_ref[...], 1.0)
    norm = lax.rsqrt(deg)
    h0 = lax.dot_general(x_ref[...], w_ref[...],
                         (((1,), (1,)), ((), ())),
                         preferred_element_type=jnp.float32)
    g0_ref[...] = h0 * norm
    ri_ref[...] = h0 * (norm * norm)


_tc_prep = pl.pallas_call(
    _tc_prep_body,
    grid=(NPAD // _BM,),
    in_specs=[
        pl.BlockSpec((_BM, D), lambda i: (i, 0)),
        pl.BlockSpec((D, D), lambda i: (0, 0)),
        pl.BlockSpec((_BM, 1), lambda i: (i, 0)),
        pl.BlockSpec((_BM, 1), lambda i: (i, 0)),
    ],
    out_specs=[
        pl.BlockSpec((_BM, D), lambda i: (i, 0)),
        pl.BlockSpec((_BM, D), lambda i: (i, 0)),
    ],
    out_shape=[
        jax.ShapeDtypeStruct((NPAD, D), jnp.float32),
        jax.ShapeDtypeStruct((NPAD, D), jnp.float32),
    ],
)


def _tc_comb_body(p0_ref, p1_ref, ri_ref, d0_ref, d1_ref, h_ref, g_ref):
    deg = jnp.maximum(d0_ref[...] + d1_ref[...], 1.0)
    norm = lax.rsqrt(deg)
    h = norm * (p0_ref[...] + p1_ref[...]) + ri_ref[...]
    h_ref[...] = h
    g_ref[...] = h * norm


_tc_comb = pl.pallas_call(
    _tc_comb_body,
    grid=(NPAD // _BM,),
    in_specs=[
        pl.BlockSpec((_BM, D), lambda i: (i, 0)),
        pl.BlockSpec((_BM, D), lambda i: (i, 0)),
        pl.BlockSpec((_BM, D), lambda i: (i, 0)),
        pl.BlockSpec((_BM, 1), lambda i: (i, 0)),
        pl.BlockSpec((_BM, 1), lambda i: (i, 0)),
    ],
    out_specs=[
        pl.BlockSpec((_BM, D), lambda i: (i, 0)),
        pl.BlockSpec((_BM, D), lambda i: (i, 0)),
    ],
    out_shape=[
        jax.ShapeDtypeStruct((NPAD, D), jnp.float32),
        jax.ShapeDtypeStruct((NPAD, D), jnp.float32),
    ],
)


def kernel(features, edge_index, W):
    src = edge_index[0].astype(jnp.int32)
    dst = edge_index[1].astype(jnp.int32)
    pad_e = EPAD - E
    pad_idx = jnp.full((pad_e,), NPAD - 1, dtype=jnp.int32)
    srcp = jnp.concatenate([src, pad_idx]).reshape(TOTC, 1, EC)
    dstp = jnp.concatenate([dst, pad_idx]).reshape(TOTC, 1, EC)
    eidx = jnp.concatenate([srcp, dstp], axis=1)
    xp = jnp.zeros((NPAD, D), jnp.float32).at[:N].set(features)
    zer1 = jnp.zeros((RPT,), jnp.float32)
    ones1 = jnp.ones((EC,), jnp.float32)
    zrows = jnp.zeros((RPT, D), jnp.float32)

    degs = _sc_degs(dstp.reshape(NW, NCHUNK, EC), zer1, ones1)
    degs = degs.reshape(NC, NPAD, 1)
    g0, ri = _tc_prep(xp, W, degs[0], degs[1])
    p = _sc_prop(g0, eidx, zrows).reshape(NC, NPAD, D)
    h1, g1 = _tc_comb(p[0], p[1], ri, degs[0], degs[1])
    p2 = _sc_prop(g1, eidx, zrows).reshape(NC, NPAD, D)
    h2, _ = _tc_comb(p2[0], p2[1], ri, degs[0], degs[1])
    return h2[:N]

# --- scband reference (transcript-rebuilt; emitter-appended) ---
"""Pipeline reference for scband-vsgclayer-26834955666033 (READ-ONLY COPY).

The authoritative reference and input builder live on the scoring server;
editing this copy changes nothing except your own understanding.
"""

import jax, jax.numpy as jnp
import numpy as np

N = 10000
E = 320000
D_IN = 128
D_OUT = 128
K = 2
ALPHA = 1.0


def setup_inputs(seed: int = 0) -> dict:
    key = jax.random.key(seed)
    k1, k2, k3 = jax.random.split(key, 3)
    features = jax.random.normal(k1, (N, D_IN), dtype=jnp.float32)
    edge_index = jax.random.randint(k2, (2, E), 0, N)
    # Linear weight, xavier_uniform init, shape (out_dim, in_dim), no bias
    limit = float(np.sqrt(6.0 / (D_IN + D_OUT)))
    W = jax.random.uniform(k3, (D_OUT, D_IN), dtype=jnp.float32, minval=-limit, maxval=limit)
    return {"features": features, "edge_index": edge_index, "W": W}


def reference(features, edge_index, W):
    src = edge_index[0]
    dst = edge_index[1]
    # in-degrees of destination nodes, clamped to min 1
    degs = jax.ops.segment_sum(jnp.ones((E,), dtype=jnp.float32), dst, num_segments=N)
    degs = jnp.clip(degs, 1.0)
    norm = jnp.power(degs, -0.5)[:, None]  # [N, 1]
    # h = Linear(features) (no bias)
    h = features @ W.T
    h_pre = h
    ri = h * norm * norm
    for _ in range(K):
        h = h * norm
        # copy_u -> sum into destination: h_new[v] = sum_{(u->v)} h[u]
        h = jax.ops.segment_sum(h[src], dst, num_segments=N)
        h = h * norm
        h = ALPHA * h + ALPHA * ri + (1.0 - ALPHA) * h_pre
        h_pre = h
    return h

if __name__ == "__main__":
    import jax
    _d = setup_inputs()
    print(jax.jit(kernel)(*tuple(_d.values())))

</pallas_src>

<mosaic_0001>
#map = affine_map<(d0, d1) -> (0, 0)>
#map1 = affine_map<(d0, d1) -> (0, 0, 0)>
module attributes {stable_mosaic.version = 14 : i64} {
  func.func @_sc_prop(%arg0: i32, %arg1: i32, %arg2: memref<10240x128xf32, #tpu.memory_space<hbm>>, %arg3: memref<2560x2x128xi32, #tpu.memory_space<hbm>>, %arg4: memref<640x128xf32, #tpu.memory_space<hbm>>, %arg5: memref<20480x128xf32, #tpu.memory_space<hbm>>, %arg6: memref<2x128xi32, #tpu.memory_space<vmem>>, %arg7: memref<2x128xi32, #tpu.memory_space<vmem>>, %arg8: memref<2x128xi32, #tpu.memory_space<vmem>>, %arg9: memref<2x128xi32, #tpu.memory_space<vmem>>, %arg10: memref<128x128xf32, #tpu.memory_space<vmem>>, %arg11: memref<128x128xf32, #tpu.memory_space<vmem>>, %arg12: memref<10240x128xf32, #tpu.memory_space<vmem_shared>>, %arg13: memref<!tpu.dma_semaphore, #tpu.memory_space<semaphore_mem>>, %arg14: memref<!tpu.dma_semaphore, #tpu.memory_space<semaphore_mem>>, %arg15: memref<!tpu.dma_semaphore, #tpu.memory_space<semaphore_mem>>, %arg16: memref<!tpu.dma_semaphore, #tpu.memory_space<semaphore_mem>>, %arg17: memref<!tpu.dma_semaphore, #tpu.memory_space<semaphore_mem>>, %arg18: memref<!tpu.dma_semaphore, #tpu.memory_space<semaphore_mem>>, %arg19: memref<!tpu.dma_semaphore, #tpu.memory_space<semaphore_mem>>, %arg20: memref<!tpu.dma_semaphore, #tpu.memory_space<semaphore_mem>>) attributes {dimension_semantics = [#tpu.dimension_semantics<core_parallel>, #tpu.dimension_semantics<subcore_parallel>], iteration_bounds = array<i64: 2, 16>, scalar_prefetch = 0 : i64, scratch_operands = 15 : i64, tpu.core_type = #tpu.core_type<sc_vector_subcore>, window_params = [{transform_indices = #map}, {transform_indices = #map1}, {transform_indices = #map}, {transform_indices = #map}]} {
    %mul3A = arith.constant 640 : i32
    %mul3A_0 = arith.muli %arg1, %mul3A : i32
    "tpu.region"() ({
      %run_scoped3A = tpu.sem_alloc : memref<!tpu.dma_semaphore, #tpu.memory_space<semaphore_mem>>
      %dma_start3A = arith.constant 0 : i32
      %dma_start3A_15 = tpu.memref_slice %arg12[%mul3A_0, %dma_start3A] : memref<10240x128xf32, #tpu.memory_space<vmem_shared>> -> memref<640x128xf32, #tpu.memory_space<vmem_shared>>
      tpu.enqueue_dma source(%arg4 : memref<640x128xf32, #tpu.memory_space<hbm>>) target(%dma_start3A_15 : memref<640x128xf32, #tpu.memory_space<vmem_shared>>) target_semaphore(%run_scoped3A : memref<!tpu.dma_semaphore, #tpu.memory_space<semaphore_mem>>)
      %dma_wait3A = arith.constant 0 : i32
      %dma_wait3A_16 = tpu.memref_slice %arg12[%mul3A_0, %dma_wait3A] : memref<10240x128xf32, #tpu.memory_space<vmem_shared>> -> memref<640x128xf32, #tpu.memory_space<vmem_shared>>
      tpu.wait_dma2 semaphore(%run_scoped3A : memref<!tpu.dma_semaphore, #tpu.memory_space<semaphore_mem>>) src(%arg4 : memref<640x128xf32, #tpu.memory_space<hbm>>) dst(%dma_wait3A_16 : memref<640x128xf32, #tpu.memory_space<vmem_shared>>)
      tpu.yield
    }) : () -> ()
    %barrier3A = arith.constant 0 : index
    tpu.barrier barrier_id(%barrier3A)
    %eq3A = arith.constant 0 : i32
    %eq3A_1 = arith.cmpi eq, %arg0, %eq3A : i32
    %convert_element_type3A = arith.extui %eq3A_1 : i1 to i32
    %cond3A = arith.constant 0 : i32
    %cond3A_2 = arith.cmpi ne, %convert_element_type3A, %cond3A : i32
    scf.if %cond3A_2 {
      %mul3A_15 = arith.constant 156 : i32
      %mul3A_16 = arith.muli %arg1, %mul3A_15 : i32
      "tpu.region"() ({
        %run_scoped3A = tpu.sem_alloc : memref<!tpu.dma_semaphore, #tpu.memory_space<semaphore_mem>>
        %dma_start3A_44 = arith.constant 0 : i32
        %dma_start3A_45 = arith.constant 0 : i32
        %dma_start3A_46 = tpu.memref_slice %arg3[%mul3A_16, %dma_start3A_44, %dma_start3A_45] : memref<2560x2x128xi32, #tpu.memory_space<hbm>> -> memref<1x2x128xi32, #tpu.memory_space<hbm>>
        %dma_start3A_47 = tpu.memref_squeeze %dma_start3A_46 : memref<1x2x128xi32, #tpu.memory_space<hbm>> -> memref<2x128xi32, #tpu.memory_space<hbm>>
        %dma_start3A_48 = arith.constant 0 : i32
        %dma_start3A_49 = arith.constant 0 : i32
        %dma_start3A_50 = tpu.memref_slice %arg3[%mul3A_16, %dma_start3A_48, %dma_start3A_49] : memref<2560x2x128xi32, #tpu.memory_space<hbm>> -> memref<1x2x128xi32, #tpu.memory_space<hbm>>
        %dma_start3A_51 = tpu.memref_squeeze %dma_start3A_50 : memref<1x2x128xi32, #tpu.memory_space<hbm>> -> memref<2x128xi32, #tpu.memory_space<hbm>>
        tpu.enqueue_dma source(%dma_start3A_51 : memref<2x128xi32, #tpu.memory_space<hbm>>) target(%arg6 : memref<2x128xi32, #tpu.memory_space<vmem>>) target_semaphore(%run_scoped3A : memref<!tpu.dma_semaphore, #tpu.memory_space<semaphore_mem>>)
        %dma_wait3A_52 = arith.constant 0 : i32
        %dma_wait3A_53 = arith.constant 0 : i32
        %dma_wait3A_54 = tpu.memref_slice %arg3[%mul3A_16, %dma_wait3A_52, %dma_wait3A_53] : memref<2560x2x128xi32, #tpu.memory_space<hbm>> -> memref<1x2x128xi32, #tpu.memory_space<hbm>>
        %dma_wait3A_55 = tpu.memref_squeeze %dma_wait3A_54 : memref<1x2x128xi32, #tpu.memory_space<hbm>> -> memref<2x128xi32, #tpu.memory_space<hbm>>
        %dma_wait3A_56 = arith.constant 0 : i32
        %dma_wait3A_57 = arith.constant 0 : i32
        %dma_wait3A_58 = tpu.memref_slice %arg3[%mul3A_16, %dma_wait3A_56, %dma_wait3A_57] : memref<2560x2x128xi32, #tpu.memory_space<hbm>> -> memref<1x2x128xi32, #tpu.memory_space<hbm>>
        %dma_wait3A_59 = tpu.memref_squeeze %dma_wait3A_58 : memref<1x2x128xi32, #tpu.memory_space<hbm>> -> memref<2x128xi32, #tpu.memory_space<hbm>>
        tpu.wait_dma2 semaphore(%run_scoped3A : memref<!tpu.dma_semaphore, #tpu.memory_space<semaphore_mem>>) src(%dma_wait3A_59 : memref<2x128xi32, #tpu.memory_space<hbm>>) dst(%arg6 : memref<2x128xi32, #tpu.memory_space<vmem>>)
        tpu.yield
      }) : () -> ()
      %add3A_17 = arith.constant 1 : i32
      %add3A_18 = arith.addi %mul3A_16, %add3A_17 : i32
      %dma_start3A = arith.constant 0 : i32
      %dma_start3A_19 = arith.constant 0 : i32
      %dma_start3A_20 = tpu.memref_slice %arg3[%add3A_18, %dma_start3A, %dma_start3A_19] : memref<2560x2x128xi32, #tpu.memory_space<hbm>> -> memref<1x2x128xi32, #tpu.memory_space<hbm>>
      %dma_start3A_21 = tpu.memref_squeeze %dma_start3A_20 : memref<1x2x128xi32, #tpu.memory_space<hbm>> -> memref<2x128xi32, #tpu.memory_space<hbm>>
      %dma_start3A_22 = arith.constant 0 : i32
      %dma_start3A_23 = arith.constant 0 : i32
      %dma_start3A_24 = tpu.memref_slice %arg3[%add3A_18, %dma_start3A_22, %dma_start3A_23] : memref<2560x2x128xi32, #tpu.memory_space<hbm>> -> memref<1x2x128xi32, #tpu.memory_space<hbm>>
      %dma_start3A_25 = tpu.memref_squeeze %dma_start3A_24 : memref<1x2x128xi32, #tpu.memory_space<hbm>> -> memref<2x128xi32, #tpu.memory_space<hbm>>
      tpu.enqueue_dma source(%dma_start3A_25 : memref<2x128xi32, #tpu.memory_space<hbm>>) target(%arg7 : memref<2x128xi32, #tpu.memory_space<vmem>>) target_semaphore(%arg14 : memref<!tpu.dma_semaphore, #tpu.memory_space<semaphore_mem>>)
      %dma_start3A_26 = arith.constant 0 : i32
      %dma_start3A_27 = arith.constant 0 : i32
      %dma_start3A_28 = tpu.memref_slice %arg6[%dma_start3A_26, %dma_start3A_27] : memref<2x128xi32, #tpu.memory_space<vmem>> -> memref<1x128xi32, #tpu.memory_space<vmem>>
      %dma_start3A_29 = tpu.memref_squeeze %dma_start3A_28 : memref<1x128xi32, #tpu.memory_space<vmem>> -> memref<128xi32, #tpu.memory_space<vmem>>
      %dma_start3A_30 = arith.constant 0 : i32
      %dma_start3A_31 = arith.constant 0 : i32
      %dma_start3A_32 = tpu.memref_slice %arg2[%dma_start3A_30, %dma_start3A_31] : memref<10240x128xf32, #tpu.memory_space<hbm>> -> memref<10240x128xf32, #tpu.memory_space<hbm>>
      tpu.enqueue_indirect_dma source(%dma_start3A_32 : memref<10240x128xf32, #tpu.memory_space<hbm>>) target(%arg10 : memref<128x128xf32, #tpu.memory_space<vmem>>) offsets(%dma_start3A_29 : memref<128xi32, #tpu.memory_space<vmem>>) semaphore(%arg17 : memref<!tpu.dma_semaphore, #tpu.memory_space<semaphore_mem>>)
      %scan3A = arith.constant 0 : i32
      %scan3A_33 = arith.constant 0 : i32
      %scan3A_34 = arith.constant 39 : i32
      %scan3A_35 = arith.addi %scan3A_33, %scan3A_34 : i32
      %scan3A_36 = arith.constant 1 : i32
      scf.for %scan3A_44 = %scan3A_33 to %scan3A_35 step %scan3A_36  : i32 {
        %mul3A_45 = arith.constant 4 : i32
        %mul3A_46 = arith.muli %scan3A_44, %mul3A_45 : i32
        %add3A_47 = arith.constant 0 : i32
        %add3A_48 = arith.addi %mul3A_46, %add3A_47 : i32
        %dma_wait3A_49 = arith.constant 0 : i32
        %dma_wait3A_50 = arith.constant 0 : i32
        %dma_wait3A_51 = tpu.memref_slice %arg6[%dma_wait3A_49, %dma_wait3A_50] : memref<2x128xi32, #tpu.memory_space<vmem>> -> memref<1x128xi32, #tpu.memory_space<vmem>>
        %dma_wait3A_52 = tpu.memref_squeeze %dma_wait3A_51 : memref<1x128xi32, #tpu.memory_space<vmem>> -> memref<128xi32, #tpu.memory_space<vmem>>
        %dma_wait3A_53 = arith.constant 0 : i32
        %dma_wait3A_54 = arith.constant 0 : i32
        %dma_wait3A_55 = tpu.memref_slice %arg2[%dma_wait3A_53, %dma_wait3A_54] : memref<10240x128xf32, #tpu.memory_space<hbm>> -> memref<10240x128xf32, #tpu.memory_space<hbm>>
        tpu.wait_indirect_dma semaphore(%arg17 : memref<!tpu.dma_semaphore, #tpu.memory_space<semaphore_mem>>) src(%dma_wait3A_55 : memref<10240x128xf32, #tpu.memory_space<hbm>>) dst(%arg10 : memref<128x128xf32, #tpu.memory_space<vmem>>)
        %add3A_56 = arith.addi %mul3A_16, %add3A_48 : i32
        %add3A_57 = arith.constant 2 : i32
        %add3A_58 = arith.addi %add3A_56, %add3A_57 : i32
        %dma_start3A_59 = arith.constant 0 : i32
        %dma_start3A_60 = arith.constant 0 : i32
        %dma_start3A_61 = tpu.memref_slice %arg3[%add3A_58, %dma_start3A_59, %dma_start3A_60] : memref<2560x2x128xi32, #tpu.memory_space<hbm>> -> memref<1x2x128xi32, #tpu.memory_space<hbm>>
        %dma_start3A_62 = tpu.memref_squeeze %dma_start3A_61 : memref<1x2x128xi32, #tpu.memory_space<hbm>> -> memref<2x128xi32, #tpu.memory_space<hbm>>
        %dma_start3A_63 = arith.constant 0 : i32
        %dma_start3A_64 = arith.constant 0 : i32
        %dma_start3A_65 = tpu.memref_slice %arg3[%add3A_58, %dma_start3A_63, %dma_start3A_64] : memref<2560x2x128xi32, #tpu.memory_space<hbm>> -> memref<1x2x128xi32, #tpu.memory_space<hbm>>
        %dma_start3A_66 = tpu.memref_squeeze %dma_start3A_65 : memref<1x2x128xi32, #tpu.memory_space<hbm>> -> memref<2x128xi32, #tpu.memory_space<hbm>>
        tpu.enqueue_dma source(%dma_start3A_66 : memref<2x128xi32, #tpu.memory_space<hbm>>) target(%arg8 : memref<2x128xi32, #tpu.memory_space<vmem>>) target_semaphore(%arg15 : memref<!tpu.dma_semaphore, #tpu.memory_space<semaphore_mem>>)
        %gt3A = arith.constant 0 : i32
        %gt3A_67 = arith.cmpi sgt, %scan3A_44, %gt3A : i32
        %convert_element_type3A_68 = arith.extui %gt3A_67 : i1 to i32
        %cond3A_69 = arith.constant 0 : i32
        %cond3A_70 = arith.cmpi ne, %convert_element_type3A_68, %cond3A_69 : i32
        scf.if %cond3A_70 {
          %dma_wait3A_232 = arith.constant 1 : i32
          %dma_wait3A_233 = arith.constant 0 : i32
          %dma_wait3A_234 = tpu.memref_slice %arg9[%dma_wait3A_232, %dma_wait3A_233] : memref<2x128xi32, #tpu.memory_space<vmem>> -> memref<1x128xi32, #tpu.memory_space<vmem>>
          %dma_wait3A_235 = tpu.memref_squeeze %dma_wait3A_234 : memref<1x128xi32, #tpu.memory_space<vmem>> -> memref<128xi32, #tpu.memory_space<vmem>>
          %dma_wait3A_236 = arith.constant 0 : i32
          %dma_wait3A_237 = arith.constant 0 : i32
          %dma_wait3A_238 = tpu.memref_slice %arg12[%dma_wait3A_236, %dma_wait3A_237] : memref<10240x128xf32, #tpu.memory_space<vmem_shared>> -> memref<10240x128xf32, #tpu.memory_space<vmem_shared>>
          tpu.wait_indirect_dma semaphore(%arg20 : memref<!tpu.dma_semaphore, #tpu.memory_space<semaphore_mem>>) src(%arg11 : memref<128x128xf32, #tpu.memory_space<vmem>>) dst(%dma_wait3A_238 : memref<10240x128xf32, #tpu.memory_space<vmem_shared>>)
        } else {
        }
        %add3A_71 = arith.addi %mul3A_16, %add3A_48 : i32
        %add3A_72 = arith.constant 1 : i32
        %add3A_73 = arith.addi %add3A_71, %add3A_72 : i32
        %dma_wait3A_74 = arith.constant 0 : i32
        %dma_wait3A_75 = arith.constant 0 : i32
        %dma_wait3A_76 = tpu.memref_slice %arg3[%add3A_73, %dma_wait3A_74, %dma_wait3A_75] : memref<2560x2x128xi32, #tpu.memory_space<hbm>> -> memref<1x2x128xi32, #tpu.memory_space<hbm>>
        %dma_wait3A_77 = tpu.memref_squeeze %dma_wait3A_76 : memref<1x2x128xi32, #tpu.memory_space<hbm>> -> memref<2x128xi32, #tpu.memory_space<hbm>>
        %dma_wait3A_78 = arith.constant 0 : i32
        %dma_wait3A_79 = arith.constant 0 : i32
        %dma_wait3A_80 = tpu.memref_slice %arg3[%add3A_73, %dma_wait3A_78, %dma_wait3A_79] : memref<2560x2x128xi32, #tpu.memory_space<hbm>> -> memref<1x2x128xi32, #tpu.memory_space<hbm>>
        %dma_wait3A_81 = tpu.memref_squeeze %dma_wait3A_80 : memref<1x2x128xi32, #tpu.memory_space<hbm>> -> memref<2x128xi32, #tpu.memory_space<hbm>>
        tpu.wait_dma2 semaphore(%arg14 : memref<!tpu.dma_semaphore, #tpu.memory_space<semaphore_mem>>) src(%dma_wait3A_81 : memref<2x128xi32, #tpu.memory_space<hbm>>) dst(%arg7 : memref<2x128xi32, #tpu.memory_space<vmem>>)
        %dma_start3A_82 = arith.constant 0 : i32
        %dma_start3A_83 = arith.constant 0 : i32
        %dma_start3A_84 = tpu.memref_slice %arg7[%dma_start3A_82, %dma_start3A_83] : memref<2x128xi32, #tpu.memory_space<vmem>> -> memref<1x128xi32, #tpu.memory_space<vmem>>
        %dma_start3A_85 = tpu.memref_squeeze %dma_start3A_84 : memref<1x128xi32, #tpu.memory_space<vmem>> -> memref<128xi32, #tpu.memory_space<vmem>>
        %dma_start3A_86 = arith.constant 0 : i32
        %dma_start3A_87 = arith.constant 0 : i32
        %dma_start3A_88 = tpu.memref_slice %arg2[%dma_start3A_86, %dma_start3A_87] : memref<10240x128xf32, #tpu.memory_space<hbm>> -> memref<10240x128xf32, #tpu.memory_space<hbm>>
        tpu.enqueue_indirect_dma source(%dma_start3A_88 : memref<10240x128xf32, #tpu.memory_space<hbm>>) target(%arg11 : memref<128x128xf32, #tpu.memory_space<vmem>>) offsets(%dma_start3A_85 : memref<128xi32, #tpu.memory_space<vmem>>) semaphore(%arg18 : memref<!tpu.dma_semaphore, #tpu.memory_space<semaphore_mem>>)
        %dma_start3A_89 = arith.constant 1 : i32
        %dma_start3A_90 = arith.constant 0 : i32
        %dma_start3A_91 = tpu.memref_slice %arg6[%dma_start3A_89, %dma_start3A_90] : memref<2x128xi32, #tpu.memory_space<vmem>> -> memref<1x128xi32, #tpu.memory_space<vmem>>
        %dma_start3A_92 = tpu.memref_squeeze %dma_start3A_91 : memref<1x128xi32, #tpu.memory_space<vmem>> -> memref<128xi32, #tpu.memory_space<vmem>>
        %dma_start3A_93 = arith.constant 0 : i32
        %dma_start3A_94 = arith.constant 0 : i32
        %dma_start3A_95 = tpu.memref_slice %arg12[%dma_start3A_93, %dma_start3A_94] : memref<10240x128xf32, #tpu.memory_space<vmem_shared>> -> memref<10240x128xf32, #tpu.memory_space<vmem_shared>>
        tpu.enqueue_indirect_dma source(%arg10 : memref<128x128xf32, #tpu.memory_space<vmem>>) target(%dma_start3A_95 : memref<10240x128xf32, #tpu.memory_space<vmem_shared>>) offsets(%dma_start3A_92 : memref<128xi32, #tpu.memory_space<vmem>>) semaphore(%arg19 : memref<!tpu.dma_semaphore, #tpu.memory_space<semaphore_mem>>) {add = true}
        %mul3A_96 = arith.constant 4 : i32
        %mul3A_97 = arith.muli %scan3A_44, %mul3A_96 : i32
        %add3A_98 = arith.constant 1 : i32
        %add3A_99 = arith.addi %mul3A_97, %add3A_98 : i32
        %dma_wait3A_100 = arith.constant 0 : i32
        %dma_wait3A_101 = arith.constant 0 : i32
        %dma_wait3A_102 = tpu.memref_slice %arg7[%dma_wait3A_100, %dma_wait3A_101] : memref<2x128xi32, #tpu.memory_space<vmem>> -> memref<1x128xi32, #tpu.memory_space<vmem>>
        %dma_wait3A_103 = tpu.memref_squeeze %dma_wait3A_102 : memref<1x128xi32, #tpu.memory_space<vmem>> -> memref<128xi32, #tpu.memory_space<vmem>>
        %dma_wait3A_104 = arith.constant 0 : i32
        %dma_wait3A_105 = arith.constant 0 : i32
        %dma_wait3A_106 = tpu.memref_slice %arg2[%dma_wait3A_104, %dma_wait3A_105] : memref<10240x128xf32, #tpu.memory_space<hbm>> -> memref<10240x128xf32, #tpu.memory_space<hbm>>
        tpu.wait_indirect_dma semaphore(%arg18 : memref<!tpu.dma_semaphore, #tpu.memory_space<semaphore_mem>>) src(%dma_wait3A_106 : memref<10240x128xf32, #tpu.memory_space<hbm>>) dst(%arg11 : memref<128x128xf32, #tpu.memory_space<vmem>>)
        %add3A_107 = arith.addi %mul3A_16, %add3A_99 : i32
        %add3A_108 = arith.constant 2 : i32
        %add3A_109 = arith.addi %add3A_107, %add3A_108 : i32
        %dma_start3A_110 = arith.constant 0 : i32
        %dma_start3A_111 = arith.constant 0 : i32
        %dma_start3A_112 = tpu.memref_slice %arg3[%add3A_109, %dma_start3A_110, %dma_start3A_111] : memref<2560x2x128xi32, #tpu.memory_space<hbm>> -> memref<1x2x128xi32, #tpu.memory_space<hbm>>
        %dma_start3A_113 = tpu.memref_squeeze %dma_start3A_112 : memref<1x2x128xi32, #tpu.memory_space<hbm>> -> memref<2x128xi32, #tpu.memory_space<hbm>>
        %dma_start3A_114 = arith.constant 0 : i32
        %dma_start3A_115 = arith.constant 0 : i32
        %dma_start3A_116 = tpu.memref_slice %arg3[%add3A_109, %dma_start3A_114, %dma_start3A_115] : memref<2560x2x128xi32, #tpu.memory_space<hbm>> -> memref<1x2x128xi32, #tpu.memory_space<hbm>>
        %dma_start3A_117 = tpu.memref_squeeze %dma_start3A_116 : memref<1x2x128xi32, #tpu.memory_space<hbm>> -> memref<2x128xi32, #tpu.memory_space<hbm>>
        tpu.enqueue_dma source(%dma_start3A_117 : memref<2x128xi32, #tpu.memory_space<hbm>>) target(%arg9 : memref<2x128xi32, #tpu.memory_space<vmem>>) target_semaphore(%arg16 : memref<!tpu.dma_semaphore, #tpu.memory_space<semaphore_mem>>)
        %dma_wait3A_118 = arith.constant 1 : i32
        %dma_wait3A_119 = arith.constant 0 : i32
        %dma_wait3A_120 = tpu.memref_slice %arg6[%dma_wait3A_118, %dma_wait3A_119] : memref<2x128xi32, #tpu.memory_space<vmem>> -> memref<1x128xi32, #tpu.memory_space<vmem>>
        %dma_wait3A_121 = tpu.memref_squeeze %dma_wait3A_120 : memref<1x128xi32, #tpu.memory_space<vmem>> -> memref<128xi32, #tpu.memory_space<vmem>>
        %dma_wait3A_122 = arith.constant 0 : i32
        %dma_wait3A_123 = arith.constant 0 : i32
        %dma_wait3A_124 = tpu.memref_slice %arg12[%dma_wait3A_122, %dma_wait3A_123] : memref<10240x128xf32, #tpu.memory_space<vmem_shared>> -> memref<10240x128xf32, #tpu.memory_space<vmem_shared>>
        tpu.wait_indirect_dma semaphore(%arg19 : memref<!tpu.dma_semaphore, #tpu.memory_space<semaphore_mem>>) src(%arg10 : memref<128x128xf32, #tpu.memory_space<vmem>>) dst(%dma_wait3A_124 : memref<10240x128xf32, #tpu.memory_space<vmem_shared>>)
        %add3A_125 = arith.addi %mul3A_16, %add3A_99 : i32
        %add3A_126 = arith.constant 1 : i32
        %add3A_127 = arith.addi %add3A_125, %add3A_126 : i32
        %dma_wait3A_128 = arith.constant 0 : i32
        %dma_wait3A_129 = arith.constant 0 : i32
        %dma_wait3A_130 = tpu.memref_slice %arg3[%add3A_127, %dma_wait3A_128, %dma_wait3A_129] : memref<2560x2x128xi32, #tpu.memory_space<hbm>> -> memref<1x2x128xi32, #tpu.memory_space<hbm>>
        %dma_wait3A_131 = tpu.memref_squeeze %dma_wait3A_130 : memref<1x2x128xi32, #tpu.memory_space<hbm>> -> memref<2x128xi32, #tpu.memory_space<hbm>>
        %dma_wait3A_132 = arith.constant 0 : i32
        %dma_wait3A_133 = arith.constant 0 : i32
        %dma_wait3A_134 = tpu.memref_slice %arg3[%add3A_127, %dma_wait3A_132, %dma_wait3A_133] : memref<2560x2x128xi32, #tpu.memory_space<hbm>> -> memref<1x2x128xi32, #tpu.memory_space<hbm>>
        %dma_wait3A_135 = tpu.memref_squeeze %dma_wait3A_134 : memref<1x2x128xi32, #tpu.memory_space<hbm>> -> memref<2x128xi32, #tpu.memory_space<hbm>>
        tpu.wait_dma2 semaphore(%arg15 : memref<!tpu.dma_semaphore, #tpu.memory_space<semaphore_mem>>) src(%dma_wait3A_135 : memref<2x128xi32, #tpu.memory_space<hbm>>) dst(%arg8 : memref<2x128xi32, #tpu.memory_space<vmem>>)
        %dma_start3A_136 = arith.constant 0 : i32
        %dma_start3A_137 = arith.constant 0 : i32
        %dma_start3A_138 = tpu.memref_slice %arg8[%dma_start3A_136, %dma_start3A_137] : memref<2x128xi32, #tpu.memory_space<vmem>> -> memref<1x128xi32, #tpu.memory_space<vmem>>
        %dma_start3A_139 = tpu.memref_squeeze %dma_start3A_138 : memref<1x128xi32, #tpu.memory_space<vmem>> -> memref<128xi32, #tpu.memory_space<vmem>>
        %dma_start3A_140 = arith.constant 0 : i32
        %dma_start3A_141 = arith.constant 0 : i32
        %dma_start3A_142 = tpu.memref_slice %arg2[%dma_start3A_140, %dma_start3A_141] : memref<10240x128xf32, #tpu.memory_space<hbm>> -> memref<10240x128xf32, #tpu.memory_space<hbm>>
        tpu.enqueue_indirect_dma source(%dma_start3A_142 : memref<10240x128xf32, #tpu.memory_space<hbm>>) target(%arg10 : memref<128x128xf32, #tpu.memory_space<vmem>>) offsets(%dma_start3A_139 : memref<128xi32, #tpu.memory_space<vmem>>) semaphore(%arg17 : memref<!tpu.dma_semaphore, #tpu.memory_space<semaphore_mem>>)
        %dma_start3A_143 = arith.constant 1 : i32
        %dma_start3A_144 = arith.constant 0 : i32
        %dma_start3A_145 = tpu.memref_slice %arg7[%dma_start3A_143, %dma_start3A_144] : memref<2x128xi32, #tpu.memory_space<vmem>> -> memref<1x128xi32, #tpu.memory_space<vmem>>
        %dma_start3A_146 = tpu.memref_squeeze %dma_start3A_145 : memref<1x128xi32, #tpu.memory_space<vmem>> -> memref<128xi32, #tpu.memory_space<vmem>>
        %dma_start3A_147 = arith.constant 0 : i32
        %dma_start3A_148 = arith.constant 0 : i32
        %dma_start3A_149 = tpu.memref_slice %arg12[%dma_start3A_147, %dma_start3A_148] : memref<10240x128xf32, #tpu.memory_space<vmem_shared>> -> memref<10240x128xf32, #tpu.memory_space<vmem_shared>>
        tpu.enqueue_indirect_dma source(%arg11 : memref<128x128xf32, #tpu.memory_space<vmem>>) target(%dma_start3A_149 : memref<10240x128xf32, #tpu.memory_space<vmem_shared>>) offsets(%dma_start3A_146 : memref<128xi32, #tpu.memory_space<vmem>>) semaphore(%arg20 : memref<!tpu.dma_semaphore, #tpu.memory_space<semaphore_mem>>) {add = true}
        %mul3A_150 = arith.constant 4 : i32
        %mul3A_151 = arith.muli %scan3A_44, %mul3A_150 : i32
        %add3A_152 = arith.constant 2 : i32
        %add3A_153 = arith.addi %mul3A_151, %add3A_152 : i32
        %dma_wait3A_154 = arith.constant 0 : i32
        %dma_wait3A_155 = arith.constant 0 : i32
        %dma_wait3A_156 = tpu.memref_slice %arg8[%dma_wait3A_154, %dma_wait3A_155] : memref<2x128xi32, #tpu.memory_space<vmem>> -> memref<1x128xi32, #tpu.memory_space<vmem>>
        %dma_wait3A_157 = tpu.memref_squeeze %dma_wait3A_156 : memref<1x128xi32, #tpu.memory_space<vmem>> -> memref<128xi32, #tpu.memory_space<vmem>>
        %dma_wait3A_158 = arith.constant 0 : i32
        %dma_wait3A_159 = arith.constant 0 : i32
        %dma_wait3A_160 = tpu.memref_slice %arg2[%dma_wait3A_158, %dma_wait3A_159] : memref<10240x128xf32, #tpu.memory_space<hbm>> -> memref<10240x128xf32, #tpu.memory_space<hbm>>
        tpu.wait_indirect_dma semaphore(%arg17 : memref<!tpu.dma_semaphore, #tpu.memory_space<semaphore_mem>>) src(%dma_wait3A_160 : memref<10240x128xf32, #tpu.memory_space<hbm>>) dst(%arg10 : memref<128x128xf32, #tpu.memory_space<vmem>>)
        %lt3A = arith.constant 38 : i32
        %lt3A_161 = arith.cmpi slt, %scan3A_44, %lt3A : i32
        %convert_element_type3A_162 = arith.extui %lt3A_161 : i1 to i32
        %cond3A_163 = arith.constant 0 : i32
        %cond3A_164 = arith.cmpi ne, %convert_element_type3A_162, %cond3A_163 : i32
        scf.if %cond3A_164 {
          %add3A_232 = arith.addi %mul3A_16, %add3A_153 : i32
          %add3A_233 = arith.constant 2 : i32
          %add3A_234 = arith.addi %add3A_232, %add3A_233 : i32
          %dma_start3A_235 = arith.constant 0 : i32
          %dma_start3A_236 = arith.constant 0 : i32
          %dma_start3A_237 = tpu.memref_slice %arg3[%add3A_234, %dma_start3A_235, %dma_start3A_236] : memref<2560x2x128xi32, #tpu.memory_space<hbm>> -> memref<1x2x128xi32, #tpu.memory_space<hbm>>
          %dma_start3A_238 = tpu.memref_squeeze %dma_start3A_237 : memref<1x2x128xi32, #tpu.memory_space<hbm>> -> memref<2x128xi32, #tpu.memory_space<hbm>>
          %dma_start3A_239 = arith.constant 0 : i32
          %dma_start3A_240 = arith.constant 0 : i32
          %dma_start3A_241 = tpu.memref_slice %arg3[%add3A_234, %dma_start3A_239, %dma_start3A_240] : memref<2560x2x128xi32, #tpu.memory_space<hbm>> -> memref<1x2x128xi32, #tpu.memory_space<hbm>>
          %dma_start3A_242 = tpu.memref_squeeze %dma_start3A_241 : memref<1x2x128xi32, #tpu.memory_space<hbm>> -> memref<2x128xi32, #tpu.memory_space<hbm>>
          tpu.enqueue_dma source(%dma_start3A_242 : memref<2x128xi32, #tpu.memory_space<hbm>>) target(%arg6 : memref<2x128xi32, #tpu.memory_space<vmem>>) target_semaphore(%arg13 : memref<!tpu.dma_semaphore, #tpu.memory_space<semaphore_mem>>)
        } else {
        }
        %dma_wait3A_165 = arith.constant 1 : i32
        %dma_wait3A_166 = arith.constant 0 : i32
        %dma_wait3A_167 = tpu.memref_slice %arg7[%dma_wait3A_165, %dma_wait3A_166] : memref<2x128xi32, #tpu.memory_space<vmem>> -> memref<1x128xi32, #tpu.memory_space<vmem>>
        %dma_wait3A_168 = tpu.memref_squeeze %dma_wait3A_167 : memref<1x128xi32, #tpu.memory_space<vmem>> -> memref<128xi32, #tpu.memory_space<vmem>>
        %dma_wait3A_169 = arith.constant 0 : i32
        %dma_wait3A_170 = arith.constant 0 : i32
        %dma_wait3A_171 = tpu.memref_slice %arg12[%dma_wait3A_169, %dma_wait3A_170] : memref<10240x128xf32, #tpu.memory_space<vmem_shared>> -> memref<10240x128xf32, #tpu.memory_space<vmem_shared>>
        tpu.wait_indirect_dma semaphore(%arg20 : memref<!tpu.dma_semaphore, #tpu.memory_space<semaphore_mem>>) src(%arg11 : memref<128x128xf32, #tpu.memory_space<vmem>>) dst(%dma_wait3A_171 : memref<10240x128xf32, #tpu.memory_space<vmem_shared>>)
        %add3A_172 = arith.addi %mul3A_16, %add3A_153 : i32
        %add3A_173 = arith.constant 1 : i32
        %add3A_174 = arith.addi %add3A_172, %add3A_173 : i32
        %dma_wait3A_175 = arith.constant 0 : i32
        %dma_wait3A_176 = arith.constant 0 : i32
        %dma_wait3A_177 = tpu.memref_slice %arg3[%add3A_174, %dma_wait3A_175, %dma_wait3A_176] : memref<2560x2x128xi32, #tpu.memory_space<hbm>> -> memref<1x2x128xi32, #tpu.memory_space<hbm>>
        %dma_wait3A_178 = tpu.memref_squeeze %dma_wait3A_177 : memref<1x2x128xi32, #tpu.memory_space<hbm>> -> memref<2x128xi32, #tpu.memory_space<hbm>>
        %dma_wait3A_179 = arith.constant 0 : i32
        %dma_wait3A_180 = arith.constant 0 : i32
        %dma_wait3A_181 = tpu.memref_slice %arg3[%add3A_174, %dma_wait3A_179, %dma_wait3A_180] : memref<2560x2x128xi32, #tpu.memory_space<hbm>> -> memref<1x2x128xi32, #tpu.memory_space<hbm>>
        %dma_wait3A_182 = tpu.memref_squeeze %dma_wait3A_181 : memref<1x2x128xi32, #tpu.memory_space<hbm>> -> memref<2x128xi32, #tpu.memory_space<hbm>>
        tpu.wait_dma2 semaphore(%arg16 : memref<!tpu.dma_semaphore, #tpu.memory_space<semaphore_mem>>) src(%dma_wait3A_182 : memref<2x128xi32, #tpu.memory_space<hbm>>) dst(%arg9 : memref<2x128xi32, #tpu.memory_space<vmem>>)
        %dma_start3A_183 = arith.constant 0 : i32
        %dma_start3A_184 = arith.constant 0 : i32
        %dma_start3A_185 = tpu.memref_slice %arg9[%dma_start3A_183, %dma_start3A_184] : memref<2x128xi32, #tpu.memory_space<vmem>> -> memref<1x128xi32, #tpu.memory_space<vmem>>
        %dma_start3A_186 = tpu.memref_squeeze %dma_start3A_185 : memref<1x128xi32, #tpu.memory_space<vmem>> -> memref<128xi32, #tpu.memory_space<vmem>>
        %dma_start3A_187 = arith.constant 0 : i32
        %dma_start3A_188 = arith.constant 0 : i32
        %dma_start3A_189 = tpu.memref_slice %arg2[%dma_start3A_187, %dma_start3A_188] : memref<10240x128xf32, #tpu.memory_space<hbm>> -> memref<10240x128xf32, #tpu.memory_space<hbm>>
        tpu.enqueue_indirect_dma source(%dma_start3A_189 : memref<10240x128xf32, #tpu.memory_space<hbm>>) target(%arg11 : memref<128x128xf32, #tpu.memory_space<vmem>>) offsets(%dma_start3A_186 : memref<128xi32, #tpu.memory_space<vmem>>) semaphore(%arg18 : memref<!tpu.dma_semaphore, #tpu.memory_space<semaphore_mem>>)
        %dma_start3A_190 = arith.constant 1 : i32
        %dma_start3A_191 = arith.constant 0 : i32
        %dma_start3A_192 = tpu.memref_slice %arg8[%dma_start3A_190, %dma_start3A_191] : memref<2x128xi32, #tpu.memory_space<vmem>> -> memref<1x128xi32, #tpu.memory_space<vmem>>
        %dma_start3A_193 = tpu.memref_squeeze %dma_start3A_192 : memref<1x128xi32, #tpu.memory_space<vmem>> -> memref<128xi32, #tpu.memory_space<vmem>>
        %dma_start3A_194 = arith.constant 0 : i32
        %dma_start3A_195 = arith.constant 0 : i32
        %dma_start3A_196 = tpu.memref_slice %arg12[%dma_start3A_194, %dma_start3A_195] : memref<10240x128xf32, #tpu.memory_space<vmem_shared>> -> memref<10240x128xf32, #tpu.memory_space<vmem_shared>>
        tpu.enqueue_indirect_dma source(%arg10 : memref<128x128xf32, #tpu.memory_space<vmem>>) target(%dma_start3A_196 : memref<10240x128xf32, #tpu.memory_space<vmem_shared>>) offsets(%dma_start3A_193 : memref<128xi32, #tpu.memory_space<vmem>>) semaphore(%arg19 : memref<!tpu.dma_semaphore, #tpu.memory_space<semaphore_mem>>) {add = true}
        %mul3A_197 = arith.constant 4 : i32
        %mul3A_198 = arith.muli %scan3A_44, %mul3A_197 : i32
        %add3A_199 = arith.constant 3 : i32
        %add3A_200 = arith.addi %mul3A_198, %add3A_199 : i32
        %dma_wait3A_201 = arith.constant 0 : i32
        %dma_wait3A_202 = arith.constant 0 : i32
        %dma_wait3A_203 = tpu.memref_slice %arg9[%dma_wait3A_201, %dma_wait3A_202] : memref<2x128xi32, #tpu.memory_space<vmem>> -> memref<1x128xi32, #tpu.memory_space<vmem>>
        %dma_wait3A_204 = tpu.memref_squeeze %dma_wait3A_203 : memref<1x128xi32, #tpu.memory_space<vmem>> -> memref<128xi32, #tpu.memory_space<vmem>>
        %dma_wait3A_205 = arith.constant 0 : i32
        %dma_wait3A_206 = arith.constant 0 : i32
        %dma_wait3A_207 = tpu.memref_slice %arg2[%dma_wait3A_205, %dma_wait3A_206] : memref<10240x128xf32, #tpu.memory_space<hbm>> -> memref<10240x128xf32, #tpu.memory_space<hbm>>
        tpu.wait_indirect_dma semaphore(%arg18 : memref<!tpu.dma_semaphore, #tpu.memory_space<semaphore_mem>>) src(%dma_wait3A_207 : memref<10240x128xf32, #tpu.memory_space<hbm>>) dst(%arg11 : memref<128x128xf32, #tpu.memory_space<vmem>>)
        %lt3A_208 = arith.constant 38 : i32
        %lt3A_209 = arith.cmpi slt, %scan3A_44, %lt3A_208 : i32
        %convert_element_type3A_210 = arith.extui %lt3A_209 : i1 to i32
        %cond3A_211 = arith.constant 0 : i32
        %cond3A_212 = arith.cmpi ne, %convert_element_type3A_210, %cond3A_211 : i32
        scf.if %cond3A_212 {
          %add3A_232 = arith.addi %mul3A_16, %add3A_200 : i32
          %add3A_233 = arith.constant 2 : i32
          %add3A_234 = arith.addi %add3A_232, %add3A_233 : i32
          %dma_start3A_235 = arith.constant 0 : i32
          %dma_start3A_236 = arith.constant 0 : i32
          %dma_start3A_237 = tpu.memref_slice %arg3[%add3A_234, %dma_start3A_235, %dma_start3A_236] : memref<2560x2x128xi32, #tpu.memory_space<hbm>> -> memref<1x2x128xi32, #tpu.memory_space<hbm>>
          %dma_start3A_238 = tpu.memref_squeeze %dma_start3A_237 : memref<1x2x128xi32, #tpu.memory_space<hbm>> -> memref<2x128xi32, #tpu.memory_space<hbm>>
          %dma_start3A_239 = arith.constant 0 : i32
          %dma_start3A_240 = arith.constant 0 : i32
          %dma_start3A_241 = tpu.memref_slice %arg3[%add3A_234, %dma_start3A_239, %dma_start3A_240] : memref<2560x2x128xi32, #tpu.memory_space<hbm>> -> memref<1x2x128xi32, #tpu.memory_space<hbm>>
          %dma_start3A_242 = tpu.memref_squeeze %dma_start3A_241 : memref<1x2x128xi32, #tpu.memory_space<hbm>> -> memref<2x128xi32, #tpu.memory_space<hbm>>
          tpu.enqueue_dma source(%dma_start3A_242 : memref<2x128xi32, #tpu.memory_space<hbm>>) target(%arg7 : memref<2x128xi32, #tpu.memory_space<vmem>>) target_semaphore(%arg14 : memref<!tpu.dma_semaphore, #tpu.memory_space<semaphore_mem>>)
        } else {
        }
        %dma_wait3A_213 = arith.constant 1 : i32
        %dma_wait3A_214 = arith.constant 0 : i32
        %dma_wait3A_215 = tpu.memref_slice %arg8[%dma_wait3A_213, %dma_wait3A_214] : memref<2x128xi32, #tpu.memory_space<vmem>> -> memref<1x128xi32, #tpu.memory_space<vmem>>
        %dma_wait3A_216 = tpu.memref_squeeze %dma_wait3A_215 : memref<1x128xi32, #tpu.memory_space<vmem>> -> memref<128xi32, #tpu.memory_space<vmem>>
        %dma_wait3A_217 = arith.constant 0 : i32
        %dma_wait3A_218 = arith.constant 0 : i32
        %dma_wait3A_219 = tpu.memref_slice %arg12[%dma_wait3A_217, %dma_wait3A_218] : memref<10240x128xf32, #tpu.memory_space<vmem_shared>> -> memref<10240x128xf32, #tpu.memory_space<vmem_shared>>
        tpu.wait_indirect_dma semaphore(%arg19 : memref<!tpu.dma_semaphore, #tpu.memory_space<semaphore_mem>>) src(%arg10 : memref<128x128xf32, #tpu.memory_space<vmem>>) dst(%dma_wait3A_219 : memref<10240x128xf32, #tpu.memory_space<vmem_shared>>)
        %lt3A_220 = arith.constant 38 : i32
        %lt3A_221 = arith.cmpi slt, %scan3A_44, %lt3A_220 : i32
        %convert_element_type3A_222 = arith.extui %lt3A_221 : i1 to i32
        %cond3A_223 = arith.constant 0 : i32
        %cond3A_224 = arith.cmpi ne, %convert_element_type3A_222, %cond3A_223 : i32
        scf.if %cond3A_224 {
          %add3A_232 = arith.addi %mul3A_16, %add3A_200 : i32
          %add3A_233 = arith.constant 1 : i32
          %add3A_234 = arith.addi %add3A_232, %add3A_233 : i32
          %dma_wait3A_235 = arith.constant 0 : i32
          %dma_wait3A_236 = arith.constant 0 : i32
          %dma_wait3A_237 = tpu.memref_slice %arg3[%add3A_234, %dma_wait3A_235, %dma_wait3A_236] : memref<2560x2x128xi32, #tpu.memory_space<hbm>> -> memref<1x2x128xi32, #tpu.memory_space<hbm>>
          %dma_wait3A_238 = tpu.memref_squeeze %dma_wait3A_237 : memref<1x2x128xi32, #tpu.memory_space<hbm>> -> memref<2x128xi32, #tpu.memory_space<hbm>>
          %dma_wait3A_239 = arith.constant 0 : i32
          %dma_wait3A_240 = arith.constant 0 : i32
          %dma_wait3A_241 = tpu.memref_slice %arg3[%add3A_234, %dma_wait3A_239, %dma_wait3A_240] : memref<2560x2x128xi32, #tpu.memory_space<hbm>> -> memref<1x2x128xi32, #tpu.memory_space<hbm>>
          %dma_wait3A_242 = tpu.memref_squeeze %dma_wait3A_241 : memref<1x2x128xi32, #tpu.memory_space<hbm>> -> memref<2x128xi32, #tpu.memory_space<hbm>>
          tpu.wait_dma2 semaphore(%arg13 : memref<!tpu.dma_semaphore, #tpu.memory_space<semaphore_mem>>) src(%dma_wait3A_242 : memref<2x128xi32, #tpu.memory_space<hbm>>) dst(%arg6 : memref<2x128xi32, #tpu.memory_space<vmem>>)
          %dma_start3A_243 = arith.constant 0 : i32
          %dma_start3A_244 = arith.constant 0 : i32
          %dma_start3A_245 = tpu.memref_slice %arg6[%dma_start3A_243, %dma_start3A_244] : memref<2x128xi32, #tpu.memory_space<vmem>> -> memref<1x128xi32, #tpu.memory_space<vmem>>
          %dma_start3A_246 = tpu.memref_squeeze %dma_start3A_245 : memref<1x128xi32, #tpu.memory_space<vmem>> -> memref<128xi32, #tpu.memory_space<vmem>>
          %dma_start3A_247 = arith.constant 0 : i32
          %dma_start3A_248 = arith.constant 0 : i32
          %dma_start3A_249 = tpu.memref_slice %arg2[%dma_start3A_247, %dma_start3A_248] : memref<10240x128xf32, #tpu.memory_space<hbm>> -> memref<10240x128xf32, #tpu.memory_space<hbm>>
          tpu.enqueue_indirect_dma source(%dma_start3A_249 : memref<10240x128xf32, #tpu.memory_space<hbm>>) target(%arg10 : memref<128x128xf32, #tpu.memory_space<vmem>>) offsets(%dma_start3A_246 : memref<128xi32, #tpu.memory_space<vmem>>) semaphore(%arg17 : memref<!tpu.dma_semaphore, #tpu.memory_space<semaphore_mem>>)
        } else {
        }
        %dma_start3A_225 = arith.constant 1 : i32
        %dma_start3A_226 = arith.constant 0 : i32
        %dma_start3A_227 = tpu.memref_slice %arg9[%dma_start3A_225, %dma_start3A_226] : memref<2x128xi32, #tpu.memory_space<vmem>> -> memref<1x128xi32, #tpu.memory_space<vmem>>
        %dma_start3A_228 = tpu.memref_squeeze %dma_start3A_227 : memref<1x128xi32, #tpu.memory_space<vmem>> -> memref<128xi32, #tpu.memory_space<vmem>>
        %dma_start3A_229 = arith.constant 0 : i32
        %dma_start3A_230 = arith.constant 0 : i32
        %dma_start3A_231 = tpu.memref_slice %arg12[%dma_start3A_229, %dma_start3A_230] : memref<10240x128xf32, #tpu.memory_space<vmem_shared>> -> memref<10240x128xf32, #tpu.memory_space<vmem_shared>>
        tpu.enqueue_indirect_dma source(%arg11 : memref<128x128xf32, #tpu.memory_space<vmem>>) target(%dma_start3A_231 : memref<10240x128xf32, #tpu.memory_space<vmem_shared>>) offsets(%dma_start3A_228 : memref<128xi32, #tpu.memory_space<vmem>>) semaphore(%arg20 : memref<!tpu.dma_semaphore, #tpu.memory_space<semaphore_mem>>) {add = true}
      }
      %scan3A_37 = arith.constant 39 : i32
      %dma_wait3A = arith.constant 1 : i32
      %dma_wait3A_38 = arith.constant 0 : i32
      %dma_wait3A_39 = tpu.memref_slice %arg9[%dma_wait3A, %dma_wait3A_38] : memref<2x128xi32, #tpu.memory_space<vmem>> -> memref<1x128xi32, #tpu.memory_space<vmem>>
      %dma_wait3A_40 = tpu.memref_squeeze %dma_wait3A_39 : memref<1x128xi32, #tpu.memory_space<vmem>> -> memref<128xi32, #tpu.memory_space<vmem>>
      %dma_wait3A_41 = arith.constant 0 : i32
      %dma_wait3A_42 = arith.constant 0 : i32
      %dma_wait3A_43 = tpu.memref_slice %arg12[%dma_wait3A_41, %dma_wait3A_42] : memref<10240x128xf32, #tpu.memory_space<vmem_shared>> -> memref<10240x128xf32, #tpu.memory_space<vmem_shared>>
      tpu.wait_indirect_dma semaphore(%arg20 : memref<!tpu.dma_semaphore, #tpu.memory_space<semaphore_mem>>) src(%arg11 : memref<128x128xf32, #tpu.memory_space<vmem>>) dst(%dma_wait3A_43 : memref<10240x128xf32, #tpu.memory_space<vmem_shared>>)
    } else {
    }
    %eq3A_3 = arith.constant 1 : i32
    %eq3A_4 = arith.cmpi eq, %arg0, %eq3A_3 : i32
    %convert_element_type3A_5 = arith.extui %eq3A_4 : i1 to i32
    %cond3A_6 = arith.constant 0 : i32
    %cond3A_7 = arith.cmpi ne, %convert_element_type3A_5, %cond3A_6 : i32
    scf.if %cond3A_7 {
      %mul3A_15 = arith.constant 4 : i32
      %mul3A_16 = arith.muli %arg1, %mul3A_15 : i32
      %add3A_17 = arith.constant 2496 : i32
      %add3A_18 = arith.addi %add3A_17, %mul3A_16 : i32
      "tpu.region"() ({
        %run_scoped3A = tpu.sem_alloc : memref<!tpu.dma_semaphore, #tpu.memory_space<semaphore_mem>>
        %dma_start3A_230 = arith.constant 0 : i32
        %dma_start3A_231 = arith.constant 0 : i32
        %dma_start3A_232 = tpu.memref_slice %arg3[%add3A_18, %dma_start3A_230, %dma_start3A_231] : memref<2560x2x128xi32, #tpu.memory_space<hbm>> -> memref<1x2x128xi32, #tpu.memory_space<hbm>>
        %dma_start3A_233 = tpu.memref_squeeze %dma_start3A_232 : memref<1x2x128xi32, #tpu.memory_space<hbm>> -> memref<2x128xi32, #tpu.memory_space<hbm>>
        %dma_start3A_234 = arith.constant 0 : i32
        %dma_start3A_235 = arith.constant 0 : i32
        %dma_start3A_236 = tpu.memref_slice %arg3[%add3A_18, %dma_start3A_234, %dma_start3A_235] : memref<2560x2x128xi32, #tpu.memory_space<hbm>> -> memref<1x2x128xi32, #tpu.memory_space<hbm>>
        %dma_start3A_237 = tpu.memref_squeeze %dma_start3A_236 : memref<1x2x128xi32, #tpu.memory_space<hbm>> -> memref<2x128xi32, #tpu.memory_space<hbm>>
        tpu.enqueue_dma source(%dma_start3A_237 : memref<2x128xi32, #tpu.memory_space<hbm>>) target(%arg6 : memref<2x128xi32, #tpu.memory_space<vmem>>) target_semaphore(%run_scoped3A : memref<!tpu.dma_semaphore, #tpu.memory_space<semaphore_mem>>)
        %dma_wait3A_238 = arith.constant 0 : i32
        %dma_wait3A_239 = arith.constant 0 : i32
        %dma_wait3A_240 = tpu.memref_slice %arg3[%add3A_18, %dma_wait3A_238, %dma_wait3A_239] : memref<2560x2x128xi32, #tpu.memory_space<hbm>> -> memref<1x2x128xi32, #tpu.memory_space<hbm>>
        %dma_wait3A_241 = tpu.memref_squeeze %dma_wait3A_240 : memref<1x2x128xi32, #tpu.memory_space<hbm>> -> memref<2x128xi32, #tpu.memory_space<hbm>>
        %dma_wait3A_242 = arith.constant 0 : i32
        %dma_wait3A_243 = arith.constant 0 : i32
        %dma_wait3A_244 = tpu.memref_slice %arg3[%add3A_18, %dma_wait3A_242, %dma_wait3A_243] : memref<2560x2x128xi32, #tpu.memory_space<hbm>> -> memref<1x2x128xi32, #tpu.memory_space<hbm>>
        %dma_wait3A_245 = tpu.memref_squeeze %dma_wait3A_244 : memref<1x2x128xi32, #tpu.memory_space<hbm>> -> memref<2x128xi32, #tpu.memory_space<hbm>>
        tpu.wait_dma2 semaphore(%run_scoped3A : memref<!tpu.dma_semaphore, #tpu.memory_space<semaphore_mem>>) src(%dma_wait3A_245 : memref<2x128xi32, #tpu.memory_space<hbm>>) dst(%arg6 : memref<2x128xi32, #tpu.memory_space<vmem>>)
        tpu.yield
      }) : () -> ()
      %add3A_19 = arith.constant 1 : i32
      %add3A_20 = arith.addi %add3A_18, %add3A_19 : i32
      %dma_start3A = arith.constant 0 : i32
      %dma_start3A_21 = arith.constant 0 : i32
      %dma_start3A_22 = tpu.memref_slice %arg3[%add3A_20, %dma_start3A, %dma_start3A_21] : memref<2560x2x128xi32, #tpu.memory_space<hbm>> -> memref<1x2x128xi32, #tpu.memory_space<hbm>>
      %dma_start3A_23 = tpu.memref_squeeze %dma_start3A_22 : memref<1x2x128xi32, #tpu.memory_space<hbm>> -> memref<2x128xi32, #tpu.memory_space<hbm>>
      %dma_start3A_24 = arith.constant 0 : i32
      %dma_start3A_25 = arith.constant 0 : i32
      %dma_start3A_26 = tpu.memref_slice %arg3[%add3A_20, %dma_start3A_24, %dma_start3A_25] : memref<2560x2x128xi32, #tpu.memory_space<hbm>> -> memref<1x2x128xi32, #tpu.memory_space<hbm>>
      %dma_start3A_27 = tpu.memref_squeeze %dma_start3A_26 : memref<1x2x128xi32, #tpu.memory_space<hbm>> -> memref<2x128xi32, #tpu.memory_space<hbm>>
      tpu.enqueue_dma source(%dma_start3A_27 : memref<2x128xi32, #tpu.memory_space<hbm>>) target(%arg7 : memref<2x128xi32, #tpu.memory_space<vmem>>) target_semaphore(%arg14 : memref<!tpu.dma_semaphore, #tpu.memory_space<semaphore_mem>>)
      %dma_start3A_28 = arith.constant 0 : i32
      %dma_start3A_29 = arith.constant 0 : i32
      %dma_start3A_30 = tpu.memref_slice %arg6[%dma_start3A_28, %dma_start3A_29] : memref<2x128xi32, #tpu.memory_space<vmem>> -> memref<1x128xi32, #tpu.memory_space<vmem>>
      %dma_start3A_31 = tpu.memref_squeeze %dma_start3A_30 : memref<1x128xi32, #tpu.memory_space<vmem>> -> memref<128xi32, #tpu.memory_space<vmem>>
      %dma_start3A_32 = arith.constant 0 : i32
      %dma_start3A_33 = arith.constant 0 : i32
      %dma_start3A_34 = tpu.memref_slice %arg2[%dma_start3A_32, %dma_start3A_33] : memref<10240x128xf32, #tpu.memory_space<hbm>> -> memref<10240x128xf32, #tpu.memory_space<hbm>>
      tpu.enqueue_indirect_dma source(%dma_start3A_34 : memref<10240x128xf32, #tpu.memory_space<hbm>>) target(%arg10 : memref<128x128xf32, #tpu.memory_space<vmem>>) offsets(%dma_start3A_31 : memref<128xi32, #tpu.memory_space<vmem>>) semaphore(%arg17 : memref<!tpu.dma_semaphore, #tpu.memory_space<semaphore_mem>>)
      %scan3A = arith.constant 0 : i32
      %scan3A_35 = arith.constant 0 : i32
      %mul3A_36 = arith.constant 4 : i32
      %mul3A_37 = arith.muli %scan3A_35, %mul3A_36 : i32
      %add3A_38 = arith.constant 0 : i32
      %add3A_39 = arith.addi %mul3A_37, %add3A_38 : i32
      %dma_wait3A = arith.constant 0 : i32
      %dma_wait3A_40 = arith.constant 0 : i32
      %dma_wait3A_41 = tpu.memref_slice %arg6[%dma_wait3A, %dma_wait3A_40] : memref<2x128xi32, #tpu.memory_space<vmem>> -> memref<1x128xi32, #tpu.memory_space<vmem>>
      %dma_wait3A_42 = tpu.memref_squeeze %dma_wait3A_41 : memref<1x128xi32, #tpu.memory_space<vmem>> -> memref<128xi32, #tpu.memory_space<vmem>>
      %dma_wait3A_43 = arith.constant 0 : i32
      %dma_wait3A_44 = arith.constant 0 : i32
      %dma_wait3A_45 = tpu.memref_slice %arg2[%dma_wait3A_43, %dma_wait3A_44] : memref<10240x128xf32, #tpu.memory_space<hbm>> -> memref<10240x128xf32, #tpu.memory_space<hbm>>
      tpu.wait_indirect_dma semaphore(%arg17 : memref<!tpu.dma_semaphore, #tpu.memory_space<semaphore_mem>>) src(%dma_wait3A_45 : memref<10240x128xf32, #tpu.memory_space<hbm>>) dst(%arg10 : memref<128x128xf32, #tpu.memory_space<vmem>>)
      %add3A_46 = arith.addi %add3A_18, %add3A_39 : i32
      %add3A_47 = arith.constant 2 : i32
      %add3A_48 = arith.addi %add3A_46, %add3A_47 : i32
      %dma_start3A_49 = arith.constant 0 : i32
      %dma_start3A_50 = arith.constant 0 : i32
      %dma_start3A_51 = tpu.memref_slice %arg3[%add3A_48, %dma_start3A_49, %dma_start3A_50] : memref<2560x2x128xi32, #tpu.memory_space<hbm>> -> memref<1x2x128xi32, #tpu.memory_space<hbm>>
      %dma_start3A_52 = tpu.memref_squeeze %dma_start3A_51 : memref<1x2x128xi32, #tpu.memory_space<hbm>> -> memref<2x128xi32, #tpu.memory_space<hbm>>
      %dma_start3A_53 = arith.constant 0 : i32
      %dma_start3A_54 = arith.constant 0 : i32
      %dma_start3A_55 = tpu.memref_slice %arg3[%add3A_48, %dma_start3A_53, %dma_start3A_54] : memref<2560x2x128xi32, #tpu.memory_space<hbm>> -> memref<1x2x128xi32, #tpu.memory_space<hbm>>
      %dma_start3A_56 = tpu.memref_squeeze %dma_start3A_55 : memref<1x2x128xi32, #tpu.memory_space<hbm>> -> memref<2x128xi32, #tpu.memory_space<hbm>>
      tpu.enqueue_dma source(%dma_start3A_56 : memref<2x128xi32, #tpu.memory_space<hbm>>) target(%arg8 : memref<2x128xi32, #tpu.memory_space<vmem>>) target_semaphore(%arg15 : memref<!tpu.dma_semaphore, #tpu.memory_space<semaphore_mem>>)
      %gt3A = arith.constant 0 : i32
      %gt3A_57 = arith.cmpi sgt, %scan3A_35, %gt3A : i32
      %convert_element_type3A_58 = arith.extui %gt3A_57 : i1 to i32
      %cond3A_59 = arith.constant 0 : i32
      %cond3A_60 = arith.cmpi ne, %convert_element_type3A_58, %cond3A_59 : i32
      scf.if %cond3A_60 {
        %dma_wait3A_230 = arith.constant 1 : i32
        %dma_wait3A_231 = arith.constant 0 : i32
        %dma_wait3A_232 = tpu.memref_slice %arg9[%dma_wait3A_230, %dma_wait3A_231] : memref<2x128xi32, #tpu.memory_space<vmem>> -> memref<1x128xi32, #tpu.memory_space<vmem>>
        %dma_wait3A_233 = tpu.memref_squeeze %dma_wait3A_232 : memref<1x128xi32, #tpu.memory_space<vmem>> -> memref<128xi32, #tpu.memory_space<vmem>>
        %dma_wait3A_234 = arith.constant 0 : i32
        %dma_wait3A_235 = arith.constant 0 : i32
        %dma_wait3A_236 = tpu.memref_slice %arg12[%dma_wait3A_234, %dma_wait3A_235] : memref<10240x128xf32, #tpu.memory_space<vmem_shared>> -> memref<10240x128xf32, #tpu.memory_space<vmem_shared>>
        tpu.wait_indirect_dma semaphore(%arg20 : memref<!tpu.dma_semaphore, #tpu.memory_space<semaphore_mem>>) src(%arg11 : memref<128x128xf32, #tpu.memory_space<vmem>>) dst(%dma_wait3A_236 : memref<10240x128xf32, #tpu.memory_space<vmem_shared>>)
      } else {
      }
      %add3A_61 = arith.addi %add3A_18, %add3A_39 : i32
      %add3A_62 = arith.constant 1 : i32
      %add3A_63 = arith.addi %add3A_61, %add3A_62 : i32
      %dma_wait3A_64 = arith.constant 0 : i32
      %dma_wait3A_65 = arith.constant 0 : i32
      %dma_wait3A_66 = tpu.memref_slice %arg3[%add3A_63, %dma_wait3A_64, %dma_wait3A_65] : memref<2560x2x128xi32, #tpu.memory_space<hbm>> -> memref<1x2x128xi32, #tpu.memory_space<hbm>>
      %dma_wait3A_67 = tpu.memref_squeeze %dma_wait3A_66 : memref<1x2x128xi32, #tpu.memory_space<hbm>> -> memref<2x128xi32, #tpu.memory_space<hbm>>
      %dma_wait3A_68 = arith.constant 0 : i32
      %dma_wait3A_69 = arith.constant 0 : i32
      %dma_wait3A_70 = tpu.memref_slice %arg3[%add3A_63, %dma_wait3A_68, %dma_wait3A_69] : memref<2560x2x128xi32, #tpu.memory_space<hbm>> -> memref<1x2x128xi32, #tpu.memory_space<hbm>>
      %dma_wait3A_71 = tpu.memref_squeeze %dma_wait3A_70 : memref<1x2x128xi32, #tpu.memory_space<hbm>> -> memref<2x128xi32, #tpu.memory_space<hbm>>
      tpu.wait_dma2 semaphore(%arg14 : memref<!tpu.dma_semaphore, #tpu.memory_space<semaphore_mem>>) src(%dma_wait3A_71 : memref<2x128xi32, #tpu.memory_space<hbm>>) dst(%arg7 : memref<2x128xi32, #tpu.memory_space<vmem>>)
      %dma_start3A_72 = arith.constant 0 : i32
      %dma_start3A_73 = arith.constant 0 : i32
      %dma_start3A_74 = tpu.memref_slice %arg7[%dma_start3A_72, %dma_start3A_73] : memref<2x128xi32, #tpu.memory_space<vmem>> -> memref<1x128xi32, #tpu.memory_space<vmem>>
      %dma_start3A_75 = tpu.memref_squeeze %dma_start3A_74 : memref<1x128xi32, #tpu.memory_space<vmem>> -> memref<128xi32, #tpu.memory_space<vmem>>
      %dma_start3A_76 = arith.constant 0 : i32
      %dma_start3A_77 = arith.constant 0 : i32
      %dma_start3A_78 = tpu.memref_slice %arg2[%dma_start3A_76, %dma_start3A_77] : memref<10240x128xf32, #tpu.memory_space<hbm>> -> memref<10240x128xf32, #tpu.memory_space<hbm>>
      tpu.enqueue_indirect_dma source(%dma_start3A_78 : memref<10240x128xf32, #tpu.memory_space<hbm>>) target(%arg11 : memref<128x128xf32, #tpu.memory_space<vmem>>) offsets(%dma_start3A_75 : memref<128xi32, #tpu.memory_space<vmem>>) semaphore(%arg18 : memref<!tpu.dma_semaphore, #tpu.memory_space<semaphore_mem>>)
      %dma_start3A_79 = arith.constant 1 : i32
      %dma_start3A_80 = arith.constant 0 : i32
      %dma_start3A_81 = tpu.memref_slice %arg6[%dma_start3A_79, %dma_start3A_80] : memref<2x128xi32, #tpu.memory_space<vmem>> -> memref<1x128xi32, #tpu.memory_space<vmem>>
      %dma_start3A_82 = tpu.memref_squeeze %dma_start3A_81 : memref<1x128xi32, #tpu.memory_space<vmem>> -> memref<128xi32, #tpu.memory_space<vmem>>
      %dma_start3A_83 = arith.constant 0 : i32
      %dma_start3A_84 = arith.constant 0 : i32
      %dma_start3A_85 = tpu.memref_slice %arg12[%dma_start3A_83, %dma_start3A_84] : memref<10240x128xf32, #tpu.memory_space<vmem_shared>> -> memref<10240x128xf32, #tpu.memory_space<vmem_shared>>
      tpu.enqueue_indirect_dma source(%arg10 : memref<128x128xf32, #tpu.memory_space<vmem>>) target(%dma_start3A_85 : memref<10240x128xf32, #tpu.memory_space<vmem_shared>>) offsets(%dma_start3A_82 : memref<128xi32, #tpu.memory_space<vmem>>) semaphore(%arg19 : memref<!tpu.dma_semaphore, #tpu.memory_space<semaphore_mem>>) {add = true}
      %mul3A_86 = arith.constant 4 : i32
      %mul3A_87 = arith.muli %scan3A_35, %mul3A_86 : i32
      %add3A_88 = arith.constant 1 : i32
      %add3A_89 = arith.addi %mul3A_87, %add3A_88 : i32
      %dma_wait3A_90 = arith.constant 0 : i32
      %dma_wait3A_91 = arith.constant 0 : i32
      %dma_wait3A_92 = tpu.memref_slice %arg7[%dma_wait3A_90, %dma_wait3A_91] : memref<2x128xi32, #tpu.memory_space<vmem>> -> memref<1x128xi32, #tpu.memory_space<vmem>>
      %dma_wait3A_93 = tpu.memref_squeeze %dma_wait3A_92 : memref<1x128xi32, #tpu.memory_space<vmem>> -> memref<128xi32, #tpu.memory_space<vmem>>
      %dma_wait3A_94 = arith.constant 0 : i32
      %dma_wait3A_95 = arith.constant 0 : i32
      %dma_wait3A_96 = tpu.memref_slice %arg2[%dma_wait3A_94, %dma_wait3A_95] : memref<10240x128xf32, #tpu.memory_space<hbm>> -> memref<10240x128xf32, #tpu.memory_space<hbm>>
      tpu.wait_indirect_dma semaphore(%arg18 : memref<!tpu.dma_semaphore, #tpu.memory_space<semaphore_mem>>) src(%dma_wait3A_96 : memref<10240x128xf32, #tpu.memory_space<hbm>>) dst(%arg11 : memref<128x128xf32, #tpu.memory_space<vmem>>)
      %add3A_97 = arith.addi %add3A_18, %add3A_89 : i32
      %add3A_98 = arith.constant 2 : i32
      %add3A_99 = arith.addi %add3A_97, %add3A_98 : i32
      %dma_start3A_100 = arith.constant 0 : i32
      %dma_start3A_101 = arith.constant 0 : i32
      %dma_start3A_102 = tpu.memref_slice %arg3[%add3A_99, %dma_start3A_100, %dma_start3A_101] : memref<2560x2x128xi32, #tpu.memory_space<hbm>> -> memref<1x2x128xi32, #tpu.memory_space<hbm>>
      %dma_start3A_103 = tpu.memref_squeeze %dma_start3A_102 : memref<1x2x128xi32, #tpu.memory_space<hbm>> -> memref<2x128xi32, #tpu.memory_space<hbm>>
      %dma_start3A_104 = arith.constant 0 : i32
      %dma_start3A_105 = arith.constant 0 : i32
      %dma_start3A_106 = tpu.memref_slice %arg3[%add3A_99, %dma_start3A_104, %dma_start3A_105] : memref<2560x2x128xi32, #tpu.memory_space<hbm>> -> memref<1x2x128xi32, #tpu.memory_space<hbm>>
      %dma_start3A_107 = tpu.memref_squeeze %dma_start3A_106 : memref<1x2x128xi32, #tpu.memory_space<hbm>> -> memref<2x128xi32, #tpu.memory_space<hbm>>
      tpu.enqueue_dma source(%dma_start3A_107 : memref<2x128xi32, #tpu.memory_space<hbm>>) target(%arg9 : memref<2x128xi32, #tpu.memory_space<vmem>>) target_semaphore(%arg16 : memref<!tpu.dma_semaphore, #tpu.memory_space<semaphore_mem>>)
      %dma_wait3A_108 = arith.constant 1 : i32
      %dma_wait3A_109 = arith.constant 0 : i32
      %dma_wait3A_110 = tpu.memref_slice %arg6[%dma_wait3A_108, %dma_wait3A_109] : memref<2x128xi32, #tpu.memory_space<vmem>> -> memref<1x128xi32, #tpu.memory_space<vmem>>
      %dma_wait3A_111 = tpu.memref_squeeze %dma_wait3A_110 : memref<1x128xi32, #tpu.memory_space<vmem>> -> memref<128xi32, #tpu.memory_space<vmem>>
      %dma_wait3A_112 = arith.constant 0 : i32
      %dma_wait3A_113 = arith.constant 0 : i32
      %dma_wait3A_114 = tpu.memref_slice %arg12[%dma_wait3A_112, %dma_wait3A_113] : memref<10240x128xf32, #tpu.memory_space<vmem_shared>> -> memref<10240x128xf32, #tpu.memory_space<vmem_shared>>
      tpu.wait_indirect_dma semaphore(%arg19 : memref<!tpu.dma_semaphore, #tpu.memory_space<semaphore_mem>>) src(%arg10 : memref<128x128xf32, #tpu.memory_space<vmem>>) dst(%dma_wait3A_114 : memref<10240x128xf32, #tpu.memory_space<vmem_shared>>)
      %add3A_115 = arith.addi %add3A_18, %add3A_89 : i32
      %add3A_116 = arith.constant 1 : i32
      %add3A_117 = arith.addi %add3A_115, %add3A_116 : i32
      %dma_wait3A_118 = arith.constant 0 : i32
      %dma_wait3A_119 = arith.constant 0 : i32
      %dma_wait3A_120 = tpu.memref_slice %arg3[%add3A_117, %dma_wait3A_118, %dma_wait3A_119] : memref<2560x2x128xi32, #tpu.memory_space<hbm>> -> memref<1x2x128xi32, #tpu.memory_space<hbm>>
      %dma_wait3A_121 = tpu.memref_squeeze %dma_wait3A_120 : memref<1x2x128xi32, #tpu.memory_space<hbm>> -> memref<2x128xi32, #tpu.memory_space<hbm>>
      %dma_wait3A_122 = arith.constant 0 : i32
      %dma_wait3A_123 = arith.constant 0 : i32
      %dma_wait3A_124 = tpu.memref_slice %arg3[%add3A_117, %dma_wait3A_122, %dma_wait3A_123] : memref<2560x2x128xi32, #tpu.memory_space<hbm>> -> memref<1x2x128xi32, #tpu.memory_space<hbm>>
      %dma_wait3A_125 = tpu.memref_squeeze %dma_wait3A_124 : memref<1x2x128xi32, #tpu.memory_space<hbm>> -> memref<2x128xi32, #tpu.memory_space<hbm>>
      tpu.wait_dma2 semaphore(%arg15 : memref<!tpu.dma_semaphore, #tpu.memory_space<semaphore_mem>>) src(%dma_wait3A_125 : memref<2x128xi32, #tpu.memory_space<hbm>>) dst(%arg8 : memref<2x128xi32, #tpu.memory_space<vmem>>)
      %dma_start3A_126 = arith.constant 0 : i32
      %dma_start3A_127 = arith.constant 0 : i32
      %dma_start3A_128 = tpu.memref_slice %arg8[%dma_start3A_126, %dma_start3A_127] : memref<2x128xi32, #tpu.memory_space<vmem>> -> memref<1x128xi32, #tpu.memory_space<vmem>>
      %dma_start3A_129 = tpu.memref_squeeze %dma_start3A_128 : memref<1x128xi32, #tpu.memory_space<vmem>> -> memref<128xi32, #tpu.memory_space<vmem>>
      %dma_start3A_130 = arith.constant 0 : i32
      %dma_start3A_131 = arith.constant 0 : i32
      %dma_start3A_132 = tpu.memref_slice %arg2[%dma_start3A_130, %dma_start3A_131] : memref<10240x128xf32, #tpu.memory_space<hbm>> -> memref<10240x128xf32, #tpu.memory_space<hbm>>
      tpu.enqueue_indirect_dma source(%dma_start3A_132 : memref<10240x128xf32, #tpu.memory_space<hbm>>) target(%arg10 : memref<128x128xf32, #tpu.memory_space<vmem>>) offsets(%dma_start3A_129 : memref<128xi32, #tpu.memory_space<vmem>>) semaphore(%arg17 : memref<!tpu.dma_semaphore, #tpu.memory_space<semaphore_mem>>)
      %dma_start3A_133 = arith.constant 1 : i32
      %dma_start3A_134 = arith.constant 0 : i32
      %dma_start3A_135 = tpu.memref_slice %arg7[%dma_start3A_133, %dma_start3A_134] : memref<2x128xi32, #tpu.memory_space<vmem>> -> memref<1x128xi32, #tpu.memory_space<vmem>>
      %dma_start3A_136 = tpu.memref_squeeze %dma_start3A_135 : memref<1x128xi32, #tpu.memory_space<vmem>> -> memref<128xi32, #tpu.memory_space<vmem>>
      %dma_start3A_137 = arith.constant 0 : i32
      %dma_start3A_138 = arith.constant 0 : i32
      %dma_start3A_139 = tpu.memref_slice %arg12[%dma_start3A_137, %dma_start3A_138] : memref<10240x128xf32, #tpu.memory_space<vmem_shared>> -> memref<10240x128xf32, #tpu.memory_space<vmem_shared>>
      tpu.enqueue_indirect_dma source(%arg11 : memref<128x128xf32, #tpu.memory_space<vmem>>) target(%dma_start3A_139 : memref<10240x128xf32, #tpu.memory_space<vmem_shared>>) offsets(%dma_start3A_136 : memref<128xi32, #tpu.memory_space<vmem>>) semaphore(%arg20 : memref<!tpu.dma_semaphore, #tpu.memory_space<semaphore_mem>>) {add = true}
      %mul3A_140 = arith.constant 4 : i32
      %mul3A_141 = arith.muli %scan3A_35, %mul3A_140 : i32
      %add3A_142 = arith.constant 2 : i32
      %add3A_143 = arith.addi %mul3A_141, %add3A_142 : i32
      %dma_wait3A_144 = arith.constant 0 : i32
      %dma_wait3A_145 = arith.constant 0 : i32
      %dma_wait3A_146 = tpu.memref_slice %arg8[%dma_wait3A_144, %dma_wait3A_145] : memref<2x128xi32, #tpu.memory_space<vmem>> -> memref<1x128xi32, #tpu.memory_space<vmem>>
      %dma_wait3A_147 = tpu.memref_squeeze %dma_wait3A_146 : memref<1x128xi32, #tpu.memory_space<vmem>> -> memref<128xi32, #tpu.memory_space<vmem>>
      %dma_wait3A_148 = arith.constant 0 : i32
      %dma_wait3A_149 = arith.constant 0 : i32
      %dma_wait3A_150 = tpu.memref_slice %arg2[%dma_wait3A_148, %dma_wait3A_149] : memref<10240x128xf32, #tpu.memory_space<hbm>> -> memref<10240x128xf32, #tpu.memory_space<hbm>>
      tpu.wait_indirect_dma semaphore(%arg17 : memref<!tpu.dma_semaphore, #tpu.memory_space<semaphore_mem>>) src(%dma_wait3A_150 : memref<10240x128xf32, #tpu.memory_space<hbm>>) dst(%arg10 : memref<128x128xf32, #tpu.memory_space<vmem>>)
      %lt3A = arith.constant 0 : i32
      %lt3A_151 = arith.cmpi slt, %scan3A_35, %lt3A : i32
      %convert_element_type3A_152 = arith.extui %lt3A_151 : i1 to i32
      %cond3A_153 = arith.constant 0 : i32
      %cond3A_154 = arith.cmpi ne, %convert_element_type3A_152, %cond3A_153 : i32
      scf.if %cond3A_154 {
        %add3A_230 = arith.addi %add3A_18, %add3A_143 : i32
        %add3A_231 = arith.constant 2 : i32
        %add3A_232 = arith.addi %add3A_230, %add3A_231 : i32
        %dma_start3A_233 = arith.constant 0 : i32
        %dma_start3A_234 = arith.constant 0 : i32
        %dma_start3A_235 = tpu.memref_slice %arg3[%add3A_232, %dma_start3A_233, %dma_start3A_234] : memref<2560x2x128xi32, #tpu.memory_space<hbm>> -> memref<1x2x128xi32, #tpu.memory_space<hbm>>
        %dma_start3A_236 = tpu.memref_squeeze %dma_start3A_235 : memref<1x2x128xi32, #tpu.memory_space<hbm>> -> memref<2x128xi32, #tpu.memory_space<hbm>>
        %dma_start3A_237 = arith.constant 0 : i32
        %dma_start3A_238 = arith.constant 0 : i32
        %dma_start3A_239 = tpu.memref_slice %arg3[%add3A_232, %dma_start3A_237, %dma_start3A_238] : memref<2560x2x128xi32, #tpu.memory_space<hbm>> -> memref<1x2x128xi32, #tpu.memory_space<hbm>>
        %dma_start3A_240 = tpu.memref_squeeze %dma_start3A_239 : memref<1x2x128xi32, #tpu.memory_space<hbm>> -> memref<2x128xi32, #tpu.memory_space<hbm>>
        tpu.enqueue_dma source(%dma_start3A_240 : memref<2x128xi32, #tpu.memory_space<hbm>>) target(%arg6 : memref<2x128xi32, #tpu.memory_space<vmem>>) target_semaphore(%arg13 : memref<!tpu.dma_semaphore, #tpu.memory_space<semaphore_mem>>)
      } else {
      }
      %dma_wait3A_155 = arith.constant 1 : i32
      %dma_wait3A_156 = arith.constant 0 : i32
      %dma_wait3A_157 = tpu.memref_slice %arg7[%dma_wait3A_155, %dma_wait3A_156] : memref<2x128xi32, #tpu.memory_space<vmem>> -> memref<1x128xi32, #tpu.memory_space<vmem>>
      %dma_wait3A_158 = tpu.memref_squeeze %dma_wait3A_157 : memref<1x128xi32, #tpu.memory_space<vmem>> -> memref<128xi32, #tpu.memory_space<vmem>>
      %dma_wait3A_159 = arith.constant 0 : i32
      %dma_wait3A_160 = arith.constant 0 : i32
      %dma_wait3A_161 = tpu.memref_slice %arg12[%dma_wait3A_159, %dma_wait3A_160] : memref<10240x128xf32, #tpu.memory_space<vmem_shared>> -> memref<10240x128xf32, #tpu.memory_space<vmem_shared>>
      tpu.wait_indirect_dma semaphore(%arg20 : memref<!tpu.dma_semaphore, #tpu.memory_space<semaphore_mem>>) src(%arg11 : memref<128x128xf32, #tpu.memory_space<vmem>>) dst(%dma_wait3A_161 : memref<10240x128xf32, #tpu.memory_space<vmem_shared>>)
      %add3A_162 = arith.addi %add3A_18, %add3A_143 : i32
      %add3A_163 = arith.constant 1 : i32
      %add3A_164 = arith.addi %add3A_162, %add3A_163 : i32
      %dma_wait3A_165 = arith.constant 0 : i32
      %dma_wait3A_166 = arith.constant 0 : i32
      %dma_wait3A_167 = tpu.memref_slice %arg3[%add3A_164, %dma_wait3A_165, %dma_wait3A_166] : memref<2560x2x128xi32, #tpu.memory_space<hbm>> -> memref<1x2x128xi32, #tpu.memory_space<hbm>>
      %dma_wait3A_168 = tpu.memref_squeeze %dma_wait3A_167 : memref<1x2x128xi32, #tpu.memory_space<hbm>> -> memref<2x128xi32, #tpu.memory_space<hbm>>
      %dma_wait3A_169 = arith.constant 0 : i32
      %dma_wait3A_170 = arith.constant 0 : i32
      %dma_wait3A_171 = tpu.memref_slice %arg3[%add3A_164, %dma_wait3A_169, %dma_wait3A_170] : memref<2560x2x128xi32, #tpu.memory_space<hbm>> -> memref<1x2x128xi32, #tpu.memory_space<hbm>>
      %dma_wait3A_172 = tpu.memref_squeeze %dma_wait3A_171 : memref<1x2x128xi32, #tpu.memory_space<hbm>> -> memref<2x128xi32, #tpu.memory_space<hbm>>
      tpu.wait_dma2 semaphore(%arg16 : memref<!tpu.dma_semaphore, #tpu.memory_space<semaphore_mem>>) src(%dma_wait3A_172 : memref<2x128xi32, #tpu.memory_space<hbm>>) dst(%arg9 : memref<2x128xi32, #tpu.memory_space<vmem>>)
      %dma_start3A_173 = arith.constant 0 : i32
      %dma_start3A_174 = arith.constant 0 : i32
      %dma_start3A_175 = tpu.memref_slice %arg9[%dma_start3A_173, %dma_start3A_174] : memref<2x128xi32, #tpu.memory_space<vmem>> -> memref<1x128xi32, #tpu.memory_space<vmem>>
      %dma_start3A_176 = tpu.memref_squeeze %dma_start3A_175 : memref<1x128xi32, #tpu.memory_space<vmem>> -> memref<128xi32, #tpu.memory_space<vmem>>
      %dma_start3A_177 = arith.constant 0 : i32
      %dma_start3A_178 = arith.constant 0 : i32
      %dma_start3A_179 = tpu.memref_slice %arg2[%dma_start3A_177, %dma_start3A_178] : memref<10240x128xf32, #tpu.memory_space<hbm>> -> memref<10240x128xf32, #tpu.memory_space<hbm>>
      tpu.enqueue_indirect_dma source(%dma_start3A_179 : memref<10240x128xf32, #tpu.memory_space<hbm>>) target(%arg11 : memref<128x128xf32, #tpu.memory_space<vmem>>) offsets(%dma_start3A_176 : memref<128xi32, #tpu.memory_space<vmem>>) semaphore(%arg18 : memref<!tpu.dma_semaphore, #tpu.memory_space<semaphore_mem>>)
      %dma_start3A_180 = arith.constant 1 : i32
      %dma_start3A_181 = arith.constant 0 : i32
      %dma_start3A_182 = tpu.memref_slice %arg8[%dma_start3A_180, %dma_start3A_181] : memref<2x128xi32, #tpu.memory_space<vmem>> -> memref<1x128xi32, #tpu.memory_space<vmem>>
      %dma_start3A_183 = tpu.memref_squeeze %dma_start3A_182 : memref<1x128xi32, #tpu.memory_space<vmem>> -> memref<128xi32, #tpu.memory_space<vmem>>
      %dma_start3A_184 = arith.constant 0 : i32
      %dma_start3A_185 = arith.constant 0 : i32
      %dma_start3A_186 = tpu.memref_slice %arg12[%dma_start3A_184, %dma_start3A_185] : memref<10240x128xf32, #tpu.memory_space<vmem_shared>> -> memref<10240x128xf32, #tpu.memory_space<vmem_shared>>
      tpu.enqueue_indirect_dma source(%arg10 : memref<128x128xf32, #tpu.memory_space<vmem>>) target(%dma_start3A_186 : memref<10240x128xf32, #tpu.memory_space<vmem_shared>>) offsets(%dma_start3A_183 : memref<128xi32, #tpu.memory_space<vmem>>) semaphore(%arg19 : memref<!tpu.dma_semaphore, #tpu.memory_space<semaphore_mem>>) {add = true}
      %mul3A_187 = arith.constant 4 : i32
      %mul3A_188 = arith.muli %scan3A_35, %mul3A_187 : i32
      %add3A_189 = arith.constant 3 : i32
      %add3A_190 = arith.addi %mul3A_188, %add3A_189 : i32
      %dma_wait3A_191 = arith.constant 0 : i32
      %dma_wait3A_192 = arith.constant 0 : i32
      %dma_wait3A_193 = tpu.memref_slice %arg9[%dma_wait3A_191, %dma_wait3A_192] : memref<2x128xi32, #tpu.memory_space<vmem>> -> memref<1x128xi32, #tpu.memory_space<vmem>>
      %dma_wait3A_194 = tpu.memref_squeeze %dma_wait3A_193 : memref<1x128xi32, #tpu.memory_space<vmem>> -> memref<128xi32, #tpu.memory_space<vmem>>
      %dma_wait3A_195 = arith.constant 0 : i32
      %dma_wait3A_196 = arith.constant 0 : i32
      %dma_wait3A_197 = tpu.memref_slice %arg2[%dma_wait3A_195, %dma_wait3A_196] : memref<10240x128xf32, #tpu.memory_space<hbm>> -> memref<10240x128xf32, #tpu.memory_space<hbm>>
      tpu.wait_indirect_dma semaphore(%arg18 : memref<!tpu.dma_semaphore, #tpu.memory_space<semaphore_mem>>) src(%dma_wait3A_197 : memref<10240x128xf32, #tpu.memory_space<hbm>>) dst(%arg11 : memref<128x128xf32, #tpu.memory_space<vmem>>)
      %lt3A_198 = arith.constant 0 : i32
      %lt3A_199 = arith.cmpi slt, %scan3A_35, %lt3A_198 : i32
      %convert_element_type3A_200 = arith.extui %lt3A_199 : i1 to i32
      %cond3A_201 = arith.constant 0 : i32
      %cond3A_202 = arith.cmpi ne, %convert_element_type3A_200, %cond3A_201 : i32
      scf.if %cond3A_202 {
        %add3A_230 = arith.addi %add3A_18, %add3A_190 : i32
        %add3A_231 = arith.constant 2 : i32
        %add3A_232 = arith.addi %add3A_230, %add3A_231 : i32
        %dma_start3A_233 = arith.constant 0 : i32
        %dma_start3A_234 = arith.constant 0 : i32
        %dma_start3A_235 = tpu.memref_slice %arg3[%add3A_232, %dma_start3A_233, %dma_start3A_234] : memref<2560x2x128xi32, #tpu.memory_space<hbm>> -> memref<1x2x128xi32, #tpu.memory_space<hbm>>
        %dma_start3A_236 = tpu.memref_squeeze %dma_start3A_235 : memref<1x2x128xi32, #tpu.memory_space<hbm>> -> memref<2x128xi32, #tpu.memory_space<hbm>>
        %dma_start3A_237 = arith.constant 0 : i32
        %dma_start3A_238 = arith.constant 0 : i32
        %dma_start3A_239 = tpu.memref_slice %arg3[%add3A_232, %dma_start3A_237, %dma_start3A_238] : memref<2560x2x128xi32, #tpu.memory_space<hbm>> -> memref<1x2x128xi32, #tpu.memory_space<hbm>>
        %dma_start3A_240 = tpu.memref_squeeze %dma_start3A_239 : memref<1x2x128xi32, #tpu.memory_space<hbm>> -> memref<2x128xi32, #tpu.memory_space<hbm>>
        tpu.enqueue_dma source(%dma_start3A_240 : memref<2x128xi32, #tpu.memory_space<hbm>>) target(%arg7 : memref<2x128xi32, #tpu.memory_space<vmem>>) target_semaphore(%arg14 : memref<!tpu.dma_semaphore, #tpu.memory_space<semaphore_mem>>)
      } else {
      }
      %dma_wait3A_203 = arith.constant 1 : i32
      %dma_wait3A_204 = arith.constant 0 : i32
      %dma_wait3A_205 = tpu.memref_slice %arg8[%dma_wait3A_203, %dma_wait3A_204] : memref<2x128xi32, #tpu.memory_space<vmem>> -> memref<1x128xi32, #tpu.memory_space<vmem>>
      %dma_wait3A_206 = tpu.memref_squeeze %dma_wait3A_205 : memref<1x128xi32, #tpu.memory_space<vmem>> -> memref<128xi32, #tpu.memory_space<vmem>>
      %dma_wait3A_207 = arith.constant 0 : i32
      %dma_wait3A_208 = arith.constant 0 : i32
      %dma_wait3A_209 = tpu.memref_slice %arg12[%dma_wait3A_207, %dma_wait3A_208] : memref<10240x128xf32, #tpu.memory_space<vmem_shared>> -> memref<10240x128xf32, #tpu.memory_space<vmem_shared>>
      tpu.wait_indirect_dma semaphore(%arg19 : memref<!tpu.dma_semaphore, #tpu.memory_space<semaphore_mem>>) src(%arg10 : memref<128x128xf32, #tpu.memory_space<vmem>>) dst(%dma_wait3A_209 : memref<10240x128xf32, #tpu.memory_space<vmem_shared>>)
      %lt3A_210 = arith.constant 0 : i32
      %lt3A_211 = arith.cmpi slt, %scan3A_35, %lt3A_210 : i32
      %convert_element_type3A_212 = arith.extui %lt3A_211 : i1 to i32
      %cond3A_213 = arith.constant 0 : i32
      %cond3A_214 = arith.cmpi ne, %convert_element_type3A_212, %cond3A_213 : i32
      scf.if %cond3A_214 {
        %add3A_230 = arith.addi %add3A_18, %add3A_190 : i32
        %add3A_231 = arith.constant 1 : i32
        %add3A_232 = arith.addi %add3A_230, %add3A_231 : i32
        %dma_wait3A_233 = arith.constant 0 : i32
        %dma_wait3A_234 = arith.constant 0 : i32
        %dma_wait3A_235 = tpu.memref_slice %arg3[%add3A_232, %dma_wait3A_233, %dma_wait3A_234] : memref<2560x2x128xi32, #tpu.memory_space<hbm>> -> memref<1x2x128xi32, #tpu.memory_space<hbm>>
        %dma_wait3A_236 = tpu.memref_squeeze %dma_wait3A_235 : memref<1x2x128xi32, #tpu.memory_space<hbm>> -> memref<2x128xi32, #tpu.memory_space<hbm>>
        %dma_wait3A_237 = arith.constant 0 : i32
        %dma_wait3A_238 = arith.constant 0 : i32
        %dma_wait3A_239 = tpu.memref_slice %arg3[%add3A_232, %dma_wait3A_237, %dma_wait3A_238] : memref<2560x2x128xi32, #tpu.memory_space<hbm>> -> memref<1x2x128xi32, #tpu.memory_space<hbm>>
        %dma_wait3A_240 = tpu.memref_squeeze %dma_wait3A_239 : memref<1x2x128xi32, #tpu.memory_space<hbm>> -> memref<2x128xi32, #tpu.memory_space<hbm>>
        tpu.wait_dma2 semaphore(%arg13 : memref<!tpu.dma_semaphore, #tpu.memory_space<semaphore_mem>>) src(%dma_wait3A_240 : memref<2x128xi32, #tpu.memory_space<hbm>>) dst(%arg6 : memref<2x128xi32, #tpu.memory_space<vmem>>)
        %dma_start3A_241 = arith.constant 0 : i32
        %dma_start3A_242 = arith.constant 0 : i32
        %dma_start3A_243 = tpu.memref_slice %arg6[%dma_start3A_241, %dma_start3A_242] : memref<2x128xi32, #tpu.memory_space<vmem>> -> memref<1x128xi32, #tpu.memory_space<vmem>>
        %dma_start3A_244 = tpu.memref_squeeze %dma_start3A_243 : memref<1x128xi32, #tpu.memory_space<vmem>> -> memref<128xi32, #tpu.memory_space<vmem>>
        %dma_start3A_245 = arith.constant 0 : i32
        %dma_start3A_246 = arith.constant 0 : i32
        %dma_start3A_247 = tpu.memref_slice %arg2[%dma_start3A_245, %dma_start3A_246] : memref<10240x128xf32, #tpu.memory_space<hbm>> -> memref<10240x128xf32, #tpu.memory_space<hbm>>
        tpu.enqueue_indirect_dma source(%dma_start3A_247 : memref<10240x128xf32, #tpu.memory_space<hbm>>) target(%arg10 : memref<128x128xf32, #tpu.memory_space<vmem>>) offsets(%dma_start3A_244 : memref<128xi32, #tpu.memory_space<vmem>>) semaphore(%arg17 : memref<!tpu.dma_semaphore, #tpu.memory_space<semaphore_mem>>)
      } else {
      }
      %dma_start3A_215 = arith.constant 1 : i32
      %dma_start3A_216 = arith.constant 0 : i32
      %dma_start3A_217 = tpu.memref_slice %arg9[%dma_start3A_215, %dma_start3A_216] : memref<2x128xi32, #tpu.memory_space<vmem>> -> memref<1x128xi32, #tpu.memory_space<vmem>>
      %dma_start3A_218 = tpu.memref_squeeze %dma_start3A_217 : memref<1x128xi32, #tpu.memory_space<vmem>> -> memref<128xi32, #tpu.memory_space<vmem>>
      %dma_start3A_219 = arith.constant 0 : i32
      %dma_start3A_220 = arith.constant 0 : i32
      %dma_start3A_221 = tpu.memref_slice %arg12[%dma_start3A_219, %dma_start3A_220] : memref<10240x128xf32, #tpu.memory_space<vmem_shared>> -> memref<10240x128xf32, #tpu.memory_space<vmem_shared>>
      tpu.enqueue_indirect_dma source(%arg11 : memref<128x128xf32, #tpu.memory_space<vmem>>) target(%dma_start3A_221 : memref<10240x128xf32, #tpu.memory_space<vmem_shared>>) offsets(%dma_start3A_218 : memref<128xi32, #tpu.memory_space<vmem>>) semaphore(%arg20 : memref<!tpu.dma_semaphore, #tpu.memory_space<semaphore_mem>>) {add = true}
      %scan3A_222 = arith.constant 1 : i32
      %dma_wait3A_223 = arith.constant 1 : i32
      %dma_wait3A_224 = arith.constant 0 : i32
      %dma_wait3A_225 = tpu.memref_slice %arg9[%dma_wait3A_223, %dma_wait3A_224] : memref<2x128xi32, #tpu.memory_space<vmem>> -> memref<1x128xi32, #tpu.memory_space<vmem>>
      %dma_wait3A_226 = tpu.memref_squeeze %dma_wait3A_225 : memref<1x128xi32, #tpu.memory_space<vmem>> -> memref<128xi32, #tpu.memory_space<vmem>>
      %dma_wait3A_227 = arith.constant 0 : i32
      %dma_wait3A_228 = arith.constant 0 : i32
      %dma_wait3A_229 = tpu.memref_slice %arg12[%dma_wait3A_227, %dma_wait3A_228] : memref<10240x128xf32, #tpu.memory_space<vmem_shared>> -> memref<10240x128xf32, #tpu.memory_space<vmem_shared>>
      tpu.wait_indirect_dma semaphore(%arg20 : memref<!tpu.dma_semaphore, #tpu.memory_space<semaphore_mem>>) src(%arg11 : memref<128x128xf32, #tpu.memory_space<vmem>>) dst(%dma_wait3A_229 : memref<10240x128xf32, #tpu.memory_space<vmem_shared>>)
    } else {
    }
    %barrier3A_8 = arith.constant 0 : index
    tpu.barrier barrier_id(%barrier3A_8)
    %mul3A_9 = arith.constant 640 : i32
    %mul3A_10 = arith.muli %arg1, %mul3A_9 : i32
    %mul3A_11 = arith.constant 10240 : i32
    %mul3A_12 = arith.muli %arg0, %mul3A_11 : i32
    %mul3A_13 = arith.constant 640 : i32
    %mul3A_14 = arith.muli %arg1, %mul3A_13 : i32
    %add3A = arith.addi %mul3A_12, %mul3A_14 : i32
    "tpu.region"() ({
      %run_scoped3A = tpu.sem_alloc : memref<!tpu.dma_semaphore, #tpu.memory_space<semaphore_mem>>
      %dma_start3A = arith.constant 0 : i32
      %dma_start3A_15 = tpu.memref_slice %arg5[%add3A, %dma_start3A] : memref<20480x128xf32, #tpu.memory_space<hbm>> -> memref<640x128xf32, #tpu.memory_space<hbm>>
      %dma_start3A_16 = arith.constant 0 : i32
      %dma_start3A_17 = tpu.memref_slice %arg12[%mul3A_10, %dma_start3A_16] : memref<10240x128xf32, #tpu.memory_space<vmem_shared>> -> memref<640x128xf32, #tpu.memory_space<vmem_shared>>
      tpu.enqueue_dma source(%dma_start3A_17 : memref<640x128xf32, #tpu.memory_space<vmem_shared>>) target(%dma_start3A_15 : memref<640x128xf32, #tpu.memory_space<hbm>>) target_semaphore(%run_scoped3A : memref<!tpu.dma_semaphore, #tpu.memory_space<semaphore_mem>>)
      %dma_wait3A = arith.constant 0 : i32
      %dma_wait3A_18 = tpu.memref_slice %arg5[%add3A, %dma_wait3A] : memref<20480x128xf32, #tpu.memory_space<hbm>> -> memref<640x128xf32, #tpu.memory_space<hbm>>
      %dma_wait3A_19 = arith.constant 0 : i32
      %dma_wait3A_20 = tpu.memref_slice %arg12[%mul3A_10, %dma_wait3A_19] : memref<10240x128xf32, #tpu.memory_space<vmem_shared>> -> memref<640x128xf32, #tpu.memory_space<vmem_shared>>
      tpu.wait_dma2 semaphore(%run_scoped3A : memref<!tpu.dma_semaphore, #tpu.memory_space<semaphore_mem>>) src(%dma_wait3A_20 : memref<640x128xf32, #tpu.memory_space<vmem_shared>>) dst(%dma_wait3A_18 : memref<640x128xf32, #tpu.memory_space<hbm>>)
      tpu.yield
    }) : () -> ()
    return
  }
}

#map = affine_map<(d0, d1) -> (0, 0, 0)>
#map1 = affine_map<(d0, d1) -> (0)>
module attributes {stable_mosaic.version = 14 : i64} {
  func.func @_sc_degs(%arg0: i32, %arg1: i32, %arg2: memref<32x80x128xi32, #tpu.memory_space<hbm>>, %arg3: memref<640xf32, #tpu.memory_space<hbm>>, %arg4: memref<128xf32, #tpu.memory_space<hbm>>, %arg5: memref<20480xf32, #tpu.memory_space<hbm>>, %arg6: memref<80x128xi32, #tpu.memory_space<vmem>>, %arg7: memref<128xf32, #tpu.memory_space<vmem>>, %arg8: memref<10240xf32, #tpu.memory_space<vmem_shared>>, %arg9: memref<!tpu.dma_semaphore, #tpu.memory_space<semaphore_mem>>) attributes {dimension_semantics = [#tpu.dimension_semantics<core_parallel>, #tpu.dimension_semantics<subcore_parallel>], iteration_bounds = array<i64: 2, 16>, scalar_prefetch = 0 : i64, scratch_operands = 4 : i64, tpu.core_type = #tpu.core_type<sc_vector_subcore>, window_params = [{transform_indices = #map}, {transform_indices = #map1}, {transform_indices = #map1}, {transform_indices = #map1}]} {
    %mul3A = arith.constant 2 : i32
    %mul3A_0 = arith.muli %arg1, %mul3A : i32
    %add3A = arith.addi %mul3A_0, %arg0 : i32
    %mul3A_1 = arith.constant 640 : i32
    %mul3A_2 = arith.muli %arg1, %mul3A_1 : i32
    "tpu.region"() ({
      %run_scoped3A = tpu.sem_alloc : memref<!tpu.dma_semaphore, #tpu.memory_space<semaphore_mem>>
      %dma_start3A = tpu.memref_slice %arg8[%mul3A_2] : memref<10240xf32, #tpu.memory_space<vmem_shared>> -> memref<640xf32, #tpu.memory_space<vmem_shared>>
      tpu.enqueue_dma source(%arg3 : memref<640xf32, #tpu.memory_space<hbm>>) target(%dma_start3A : memref<640xf32, #tpu.memory_space<vmem_shared>>) target_semaphore(%run_scoped3A : memref<!tpu.dma_semaphore, #tpu.memory_space<semaphore_mem>>)
      %dma_wait3A = tpu.memref_slice %arg8[%mul3A_2] : memref<10240xf32, #tpu.memory_space<vmem_shared>> -> memref<640xf32, #tpu.memory_space<vmem_shared>>
      tpu.wait_dma2 semaphore(%run_scoped3A : memref<!tpu.dma_semaphore, #tpu.memory_space<semaphore_mem>>) src(%arg3 : memref<640xf32, #tpu.memory_space<hbm>>) dst(%dma_wait3A : memref<640xf32, #tpu.memory_space<vmem_shared>>)
      tpu.yield
    }) : () -> ()
    "tpu.region"() ({
      %run_scoped3A = tpu.sem_alloc : memref<!tpu.dma_semaphore, #tpu.memory_space<semaphore_mem>>
      tpu.enqueue_dma source(%arg4 : memref<128xf32, #tpu.memory_space<hbm>>) target(%arg7 : memref<128xf32, #tpu.memory_space<vmem>>) target_semaphore(%run_scoped3A : memref<!tpu.dma_semaphore, #tpu.memory_space<semaphore_mem>>)
      tpu.wait_dma2 semaphore(%run_scoped3A : memref<!tpu.dma_semaphore, #tpu.memory_space<semaphore_mem>>) src(%arg4 : memref<128xf32, #tpu.memory_space<hbm>>) dst(%arg7 : memref<128xf32, #tpu.memory_space<vmem>>)
      tpu.yield
    }) : () -> ()
    "tpu.region"() ({
      %run_scoped3A = tpu.sem_alloc : memref<!tpu.dma_semaphore, #tpu.memory_space<semaphore_mem>>
      %dma_start3A = arith.constant 0 : i32
      %dma_start3A_16 = arith.constant 0 : i32
      %dma_start3A_17 = tpu.memref_slice %arg2[%add3A, %dma_start3A, %dma_start3A_16] : memref<32x80x128xi32, #tpu.memory_space<hbm>> -> memref<1x80x128xi32, #tpu.memory_space<hbm>>
      %dma_start3A_18 = tpu.memref_squeeze %dma_start3A_17 : memref<1x80x128xi32, #tpu.memory_space<hbm>> -> memref<80x128xi32, #tpu.memory_space<hbm>>
      %dma_start3A_19 = arith.constant 0 : i32
      %dma_start3A_20 = arith.constant 0 : i32
      %dma_start3A_21 = tpu.memref_slice %arg2[%add3A, %dma_start3A_19, %dma_start3A_20] : memref<32x80x128xi32, #tpu.memory_space<hbm>> -> memref<1x80x128xi32, #tpu.memory_space<hbm>>
      %dma_start3A_22 = tpu.memref_squeeze %dma_start3A_21 : memref<1x80x128xi32, #tpu.memory_space<hbm>> -> memref<80x128xi32, #tpu.memory_space<hbm>>
      tpu.enqueue_dma source(%dma_start3A_22 : memref<80x128xi32, #tpu.memory_space<hbm>>) target(%arg6 : memref<80x128xi32, #tpu.memory_space<vmem>>) target_semaphore(%run_scoped3A : memref<!tpu.dma_semaphore, #tpu.memory_space<semaphore_mem>>)
      %dma_wait3A = arith.constant 0 : i32
      %dma_wait3A_23 = arith.constant 0 : i32
      %dma_wait3A_24 = tpu.memref_slice %arg2[%add3A, %dma_wait3A, %dma_wait3A_23] : memref<32x80x128xi32, #tpu.memory_space<hbm>> -> memref<1x80x128xi32, #tpu.memory_space<hbm>>
      %dma_wait3A_25 = tpu.memref_squeeze %dma_wait3A_24 : memref<1x80x128xi32, #tpu.memory_space<hbm>> -> memref<80x128xi32, #tpu.memory_space<hbm>>
      %dma_wait3A_26 = arith.constant 0 : i32
      %dma_wait3A_27 = arith.constant 0 : i32
      %dma_wait3A_28 = tpu.memref_slice %arg2[%add3A, %dma_wait3A_26, %dma_wait3A_27] : memref<32x80x128xi32, #tpu.memory_space<hbm>> -> memref<1x80x128xi32, #tpu.memory_space<hbm>>
      %dma_wait3A_29 = tpu.memref_squeeze %dma_wait3A_28 : memref<1x80x128xi32, #tpu.memory_space<hbm>> -> memref<80x128xi32, #tpu.memory_space<hbm>>
      tpu.wait_dma2 semaphore(%run_scoped3A : memref<!tpu.dma_semaphore, #tpu.memory_space<semaphore_mem>>) src(%dma_wait3A_29 : memref<80x128xi32, #tpu.memory_space<hbm>>) dst(%arg6 : memref<80x128xi32, #tpu.memory_space<vmem>>)
      tpu.yield
    }) : () -> ()
    %barrier3A = arith.constant 0 : index
    tpu.barrier barrier_id(%barrier3A)
    %scan3A = arith.constant 0 : i32
    %scan3A_3 = arith.constant 0 : i32
    %scan3A_4 = arith.constant 10 : i32
    %scan3A_5 = arith.addi %scan3A_3, %scan3A_4 : i32
    %scan3A_6 = arith.constant 1 : i32
    scf.for %scan3A_16 = %scan3A_3 to %scan3A_5 step %scan3A_6  : i32 {
      %mul3A_17 = arith.constant 8 : i32
      %mul3A_18 = arith.muli %scan3A_16, %mul3A_17 : i32
      %add3A_19 = arith.constant 0 : i32
      %add3A_20 = arith.addi %mul3A_18, %add3A_19 : i32
      %dma_start3A = arith.constant 0 : i32
      %dma_start3A_21 = tpu.memref_slice %arg6[%add3A_20, %dma_start3A] : memref<80x128xi32, #tpu.memory_space<vmem>> -> memref<1x128xi32, #tpu.memory_space<vmem>>
      %dma_start3A_22 = tpu.memref_squeeze %dma_start3A_21 : memref<1x128xi32, #tpu.memory_space<vmem>> -> memref<128xi32, #tpu.memory_space<vmem>>
      %dma_start3A_23 = arith.constant 0 : i32
      %dma_start3A_24 = tpu.memref_slice %arg8[%dma_start3A_23] : memref<10240xf32, #tpu.memory_space<vmem_shared>> -> memref<10240xf32, #tpu.memory_space<vmem_shared>>
      tpu.enqueue_indirect_dma source(%arg7 : memref<128xf32, #tpu.memory_space<vmem>>) target(%dma_start3A_24 : memref<10240xf32, #tpu.memory_space<vmem_shared>>) offsets(%dma_start3A_22 : memref<128xi32, #tpu.memory_space<vmem>>) semaphore(%arg9 : memref<!tpu.dma_semaphore, #tpu.memory_space<semaphore_mem>>) {add = true}
      %mul3A_25 = arith.constant 8 : i32
      %mul3A_26 = arith.muli %scan3A_16, %mul3A_25 : i32
      %add3A_27 = arith.constant 1 : i32
      %add3A_28 = arith.addi %mul3A_26, %add3A_27 : i32
      %dma_start3A_29 = arith.constant 0 : i32
      %dma_start3A_30 = tpu.memref_slice %arg6[%add3A_28, %dma_start3A_29] : memref<80x128xi32, #tpu.memory_space<vmem>> -> memref<1x128xi32, #tpu.memory_space<vmem>>
      %dma_start3A_31 = tpu.memref_squeeze %dma_start3A_30 : memref<1x128xi32, #tpu.memory_space<vmem>> -> memref<128xi32, #tpu.memory_space<vmem>>
      %dma_start3A_32 = arith.constant 0 : i32
      %dma_start3A_33 = tpu.memref_slice %arg8[%dma_start3A_32] : memref<10240xf32, #tpu.memory_space<vmem_shared>> -> memref<10240xf32, #tpu.memory_space<vmem_shared>>
      tpu.enqueue_indirect_dma source(%arg7 : memref<128xf32, #tpu.memory_space<vmem>>) target(%dma_start3A_33 : memref<10240xf32, #tpu.memory_space<vmem_shared>>) offsets(%dma_start3A_31 : memref<128xi32, #tpu.memory_space<vmem>>) semaphore(%arg9 : memref<!tpu.dma_semaphore, #tpu.memory_space<semaphore_mem>>) {add = true}
      %mul3A_34 = arith.constant 8 : i32
      %mul3A_35 = arith.muli %scan3A_16, %mul3A_34 : i32
      %add3A_36 = arith.constant 2 : i32
      %add3A_37 = arith.addi %mul3A_35, %add3A_36 : i32
      %dma_start3A_38 = arith.constant 0 : i32
      %dma_start3A_39 = tpu.memref_slice %arg6[%add3A_37, %dma_start3A_38] : memref<80x128xi32, #tpu.memory_space<vmem>> -> memref<1x128xi32, #tpu.memory_space<vmem>>
      %dma_start3A_40 = tpu.memref_squeeze %dma_start3A_39 : memref<1x128xi32, #tpu.memory_space<vmem>> -> memref<128xi32, #tpu.memory_space<vmem>>
      %dma_start3A_41 = arith.constant 0 : i32
      %dma_start3A_42 = tpu.memref_slice %arg8[%dma_start3A_41] : memref<10240xf32, #tpu.memory_space<vmem_shared>> -> memref<10240xf32, #tpu.memory_space<vmem_shared>>
      tpu.enqueue_indirect_dma source(%arg7 : memref<128xf32, #tpu.memory_space<vmem>>) target(%dma_start3A_42 : memref<10240xf32, #tpu.memory_space<vmem_shared>>) offsets(%dma_start3A_40 : memref<128xi32, #tpu.memory_space<vmem>>) semaphore(%arg9 : memref<!tpu.dma_semaphore, #tpu.memory_space<semaphore_mem>>) {add = true}
      %mul3A_43 = arith.constant 8 : i32
      %mul3A_44 = arith.muli %scan3A_16, %mul3A_43 : i32
      %add3A_45 = arith.constant 3 : i32
      %add3A_46 = arith.addi %mul3A_44, %add3A_45 : i32
      %dma_start3A_47 = arith.constant 0 : i32
      %dma_start3A_48 = tpu.memref_slice %arg6[%add3A_46, %dma_start3A_47] : memref<80x128xi32, #tpu.memory_space<vmem>> -> memref<1x128xi32, #tpu.memory_space<vmem>>
      %dma_start3A_49 = tpu.memref_squeeze %dma_start3A_48 : memref<1x128xi32, #tpu.memory_space<vmem>> -> memref<128xi32, #tpu.memory_space<vmem>>
      %dma_start3A_50 = arith.constant 0 : i32
      %dma_start3A_51 = tpu.memref_slice %arg8[%dma_start3A_50] : memref<10240xf32, #tpu.memory_space<vmem_shared>> -> memref<10240xf32, #tpu.memory_space<vmem_shared>>
      tpu.enqueue_indirect_dma source(%arg7 : memref<128xf32, #tpu.memory_space<vmem>>) target(%dma_start3A_51 : memref<10240xf32, #tpu.memory_space<vmem_shared>>) offsets(%dma_start3A_49 : memref<128xi32, #tpu.memory_space<vmem>>) semaphore(%arg9 : memref<!tpu.dma_semaphore, #tpu.memory_space<semaphore_mem>>) {add = true}
      %mul3A_52 = arith.constant 8 : i32
      %mul3A_53 = arith.muli %scan3A_16, %mul3A_52 : i32
      %add3A_54 = arith.constant 4 : i32
      %add3A_55 = arith.addi %mul3A_53, %add3A_54 : i32
      %dma_start3A_56 = arith.constant 0 : i32
      %dma_start3A_57 = tpu.memref_slice %arg6[%add3A_55, %dma_start3A_56] : memref<80x128xi32, #tpu.memory_space<vmem>> -> memref<1x128xi32, #tpu.memory_space<vmem>>
      %dma_start3A_58 = tpu.memref_squeeze %dma_start3A_57 : memref<1x128xi32, #tpu.memory_space<vmem>> -> memref<128xi32, #tpu.memory_space<vmem>>
      %dma_start3A_59 = arith.constant 0 : i32
      %dma_start3A_60 = tpu.memref_slice %arg8[%dma_start3A_59] : memref<10240xf32, #tpu.memory_space<vmem_shared>> -> memref<10240xf32, #tpu.memory_space<vmem_shared>>
      tpu.enqueue_indirect_dma source(%arg7 : memref<128xf32, #tpu.memory_space<vmem>>) target(%dma_start3A_60 : memref<10240xf32, #tpu.memory_space<vmem_shared>>) offsets(%dma_start3A_58 : memref<128xi32, #tpu.memory_space<vmem>>) semaphore(%arg9 : memref<!tpu.dma_semaphore, #tpu.memory_space<semaphore_mem>>) {add = true}
      %mul3A_61 = arith.constant 8 : i32
      %mul3A_62 = arith.muli %scan3A_16, %mul3A_61 : i32
      %add3A_63 = arith.constant 5 : i32
      %add3A_64 = arith.addi %mul3A_62, %add3A_63 : i32
      %dma_start3A_65 = arith.constant 0 : i32
      %dma_start3A_66 = tpu.memref_slice %arg6[%add3A_64, %dma_start3A_65] : memref<80x128xi32, #tpu.memory_space<vmem>> -> memref<1x128xi32, #tpu.memory_space<vmem>>
      %dma_start3A_67 = tpu.memref_squeeze %dma_start3A_66 : memref<1x128xi32, #tpu.memory_space<vmem>> -> memref<128xi32, #tpu.memory_space<vmem>>
      %dma_start3A_68 = arith.constant 0 : i32
      %dma_start3A_69 = tpu.memref_slice %arg8[%dma_start3A_68] : memref<10240xf32, #tpu.memory_space<vmem_shared>> -> memref<10240xf32, #tpu.memory_space<vmem_shared>>
      tpu.enqueue_indirect_dma source(%arg7 : memref<128xf32, #tpu.memory_space<vmem>>) target(%dma_start3A_69 : memref<10240xf32, #tpu.memory_space<vmem_shared>>) offsets(%dma_start3A_67 : memref<128xi32, #tpu.memory_space<vmem>>) semaphore(%arg9 : memref<!tpu.dma_semaphore, #tpu.memory_space<semaphore_mem>>) {add = true}
      %mul3A_70 = arith.constant 8 : i32
      %mul3A_71 = arith.muli %scan3A_16, %mul3A_70 : i32
      %add3A_72 = arith.constant 6 : i32
      %add3A_73 = arith.addi %mul3A_71, %add3A_72 : i32
      %dma_start3A_74 = arith.constant 0 : i32
      %dma_start3A_75 = tpu.memref_slice %arg6[%add3A_73, %dma_start3A_74] : memref<80x128xi32, #tpu.memory_space<vmem>> -> memref<1x128xi32, #tpu.memory_space<vmem>>
      %dma_start3A_76 = tpu.memref_squeeze %dma_start3A_75 : memref<1x128xi32, #tpu.memory_space<vmem>> -> memref<128xi32, #tpu.memory_space<vmem>>
      %dma_start3A_77 = arith.constant 0 : i32
      %dma_start3A_78 = tpu.memref_slice %arg8[%dma_start3A_77] : memref<10240xf32, #tpu.memory_space<vmem_shared>> -> memref<10240xf32, #tpu.memory_space<vmem_shared>>
      tpu.enqueue_indirect_dma source(%arg7 : memref<128xf32, #tpu.memory_space<vmem>>) target(%dma_start3A_78 : memref<10240xf32, #tpu.memory_space<vmem_shared>>) offsets(%dma_start3A_76 : memref<128xi32, #tpu.memory_space<vmem>>) semaphore(%arg9 : memref<!tpu.dma_semaphore, #tpu.memory_space<semaphore_mem>>) {add = true}
      %mul3A_79 = arith.constant 8 : i32
      %mul3A_80 = arith.muli %scan3A_16, %mul3A_79 : i32
      %add3A_81 = arith.constant 7 : i32
      %add3A_82 = arith.addi %mul3A_80, %add3A_81 : i32
      %dma_start3A_83 = arith.constant 0 : i32
      %dma_start3A_84 = tpu.memref_slice %arg6[%add3A_82, %dma_start3A_83] : memref<80x128xi32, #tpu.memory_space<vmem>> -> memref<1x128xi32, #tpu.memory_space<vmem>>
      %dma_start3A_85 = tpu.memref_squeeze %dma_start3A_84 : memref<1x128xi32, #tpu.memory_space<vmem>> -> memref<128xi32, #tpu.memory_space<vmem>>
      %dma_start3A_86 = arith.constant 0 : i32
      %dma_start3A_87 = tpu.memref_slice %arg8[%dma_start3A_86] : memref<10240xf32, #tpu.memory_space<vmem_shared>> -> memref<10240xf32, #tpu.memory_space<vmem_shared>>
      tpu.enqueue_indirect_dma source(%arg7 : memref<128xf32, #tpu.memory_space<vmem>>) target(%dma_start3A_87 : memref<10240xf32, #tpu.memory_space<vmem_shared>>) offsets(%dma_start3A_85 : memref<128xi32, #tpu.memory_space<vmem>>) semaphore(%arg9 : memref<!tpu.dma_semaphore, #tpu.memory_space<semaphore_mem>>) {add = true}
      %dma_wait3A = arith.constant 0 : i32
      %dma_wait3A_88 = tpu.memref_slice %arg6[%add3A_20, %dma_wait3A] : memref<80x128xi32, #tpu.memory_space<vmem>> -> memref<1x128xi32, #tpu.memory_space<vmem>>
      %dma_wait3A_89 = tpu.memref_squeeze %dma_wait3A_88 : memref<1x128xi32, #tpu.memory_space<vmem>> -> memref<128xi32, #tpu.memory_space<vmem>>
      %dma_wait3A_90 = arith.constant 0 : i32
      %dma_wait3A_91 = tpu.memref_slice %arg8[%dma_wait3A_90] : memref<10240xf32, #tpu.memory_space<vmem_shared>> -> memref<10240xf32, #tpu.memory_space<vmem_shared>>
      tpu.wait_indirect_dma semaphore(%arg9 : memref<!tpu.dma_semaphore, #tpu.memory_space<semaphore_mem>>) src(%arg7 : memref<128xf32, #tpu.memory_space<vmem>>) dst(%dma_wait3A_91 : memref<10240xf32, #tpu.memory_space<vmem_shared>>)
      %dma_wait3A_92 = arith.constant 0 : i32
      %dma_wait3A_93 = tpu.memref_slice %arg6[%add3A_28, %dma_wait3A_92] : memref<80x128xi32, #tpu.memory_space<vmem>> -> memref<1x128xi32, #tpu.memory_space<vmem>>
      %dma_wait3A_94 = tpu.memref_squeeze %dma_wait3A_93 : memref<1x128xi32, #tpu.memory_space<vmem>> -> memref<128xi32, #tpu.memory_space<vmem>>
      %dma_wait3A_95 = arith.constant 0 : i32
      %dma_wait3A_96 = tpu.memref_slice %arg8[%dma_wait3A_95] : memref<10240xf32, #tpu.memory_space<vmem_shared>> -> memref<10240xf32, #tpu.memory_space<vmem_shared>>
      tpu.wait_indirect_dma semaphore(%arg9 : memref<!tpu.dma_semaphore, #tpu.memory_space<semaphore_mem>>) src(%arg7 : memref<128xf32, #tpu.memory_space<vmem>>) dst(%dma_wait3A_96 : memref<10240xf32, #tpu.memory_space<vmem_shared>>)
      %dma_wait3A_97 = arith.constant 0 : i32
      %dma_wait3A_98 = tpu.memref_slice %arg6[%add3A_37, %dma_wait3A_97] : memref<80x128xi32, #tpu.memory_space<vmem>> -> memref<1x128xi32, #tpu.memory_space<vmem>>
      %dma_wait3A_99 = tpu.memref_squeeze %dma_wait3A_98 : memref<1x128xi32, #tpu.memory_space<vmem>> -> memref<128xi32, #tpu.memory_space<vmem>>
      %dma_wait3A_100 = arith.constant 0 : i32
      %dma_wait3A_101 = tpu.memref_slice %arg8[%dma_wait3A_100] : memref<10240xf32, #tpu.memory_space<vmem_shared>> -> memref<10240xf32, #tpu.memory_space<vmem_shared>>
      tpu.wait_indirect_dma semaphore(%arg9 : memref<!tpu.dma_semaphore, #tpu.memory_space<semaphore_mem>>) src(%arg7 : memref<128xf32, #tpu.memory_space<vmem>>) dst(%dma_wait3A_101 : memref<10240xf32, #tpu.memory_space<vmem_shared>>)
      %dma_wait3A_102 = arith.constant 0 : i32
      %dma_wait3A_103 = tpu.memref_slice %arg6[%add3A_46, %dma_wait3A_102] : memref<80x128xi32, #tpu.memory_space<vmem>> -> memref<1x128xi32, #tpu.memory_space<vmem>>
      %dma_wait3A_104 = tpu.memref_squeeze %dma_wait3A_103 : memref<1x128xi32, #tpu.memory_space<vmem>> -> memref<128xi32, #tpu.memory_space<vmem>>
      %dma_wait3A_105 = arith.constant 0 : i32
      %dma_wait3A_106 = tpu.memref_slice %arg8[%dma_wait3A_105] : memref<10240xf32, #tpu.memory_space<vmem_shared>> -> memref<10240xf32, #tpu.memory_space<vmem_shared>>
      tpu.wait_indirect_dma semaphore(%arg9 : memref<!tpu.dma_semaphore, #tpu.memory_space<semaphore_mem>>) src(%arg7 : memref<128xf32, #tpu.memory_space<vmem>>) dst(%dma_wait3A_106 : memref<10240xf32, #tpu.memory_space<vmem_shared>>)
      %dma_wait3A_107 = arith.constant 0 : i32
      %dma_wait3A_108 = tpu.memref_slice %arg6[%add3A_55, %dma_wait3A_107] : memref<80x128xi32, #tpu.memory_space<vmem>> -> memref<1x128xi32, #tpu.memory_space<vmem>>
      %dma_wait3A_109 = tpu.memref_squeeze %dma_wait3A_108 : memref<1x128xi32, #tpu.memory_space<vmem>> -> memref<128xi32, #tpu.memory_space<vmem>>
      %dma_wait3A_110 = arith.constant 0 : i32
      %dma_wait3A_111 = tpu.memref_slice %arg8[%dma_wait3A_110] : memref<10240xf32, #tpu.memory_space<vmem_shared>> -> memref<10240xf32, #tpu.memory_space<vmem_shared>>
      tpu.wait_indirect_dma semaphore(%arg9 : memref<!tpu.dma_semaphore, #tpu.memory_space<semaphore_mem>>) src(%arg7 : memref<128xf32, #tpu.memory_space<vmem>>) dst(%dma_wait3A_111 : memref<10240xf32, #tpu.memory_space<vmem_shared>>)
      %dma_wait3A_112 = arith.constant 0 : i32
      %dma_wait3A_113 = tpu.memref_slice %arg6[%add3A_64, %dma_wait3A_112] : memref<80x128xi32, #tpu.memory_space<vmem>> -> memref<1x128xi32, #tpu.memory_space<vmem>>
      %dma_wait3A_114 = tpu.memref_squeeze %dma_wait3A_113 : memref<1x128xi32, #tpu.memory_space<vmem>> -> memref<128xi32, #tpu.memory_space<vmem>>
      %dma_wait3A_115 = arith.constant 0 : i32
      %dma_wait3A_116 = tpu.memref_slice %arg8[%dma_wait3A_115] : memref<10240xf32, #tpu.memory_space<vmem_shared>> -> memref<10240xf32, #tpu.memory_space<vmem_shared>>
      tpu.wait_indirect_dma semaphore(%arg9 : memref<!tpu.dma_semaphore, #tpu.memory_space<semaphore_mem>>) src(%arg7 : memref<128xf32, #tpu.memory_space<vmem>>) dst(%dma_wait3A_116 : memref<10240xf32, #tpu.memory_space<vmem_shared>>)
      %dma_wait3A_117 = arith.constant 0 : i32
      %dma_wait3A_118 = tpu.memref_slice %arg6[%add3A_73, %dma_wait3A_117] : memref<80x128xi32, #tpu.memory_space<vmem>> -> memref<1x128xi32, #tpu.memory_space<vmem>>
      %dma_wait3A_119 = tpu.memref_squeeze %dma_wait3A_118 : memref<1x128xi32, #tpu.memory_space<vmem>> -> memref<128xi32, #tpu.memory_space<vmem>>
      %dma_wait3A_120 = arith.constant 0 : i32
      %dma_wait3A_121 = tpu.memref_slice %arg8[%dma_wait3A_120] : memref<10240xf32, #tpu.memory_space<vmem_shared>> -> memref<10240xf32, #tpu.memory_space<vmem_shared>>
      tpu.wait_indirect_dma semaphore(%arg9 : memref<!tpu.dma_semaphore, #tpu.memory_space<semaphore_mem>>) src(%arg7 : memref<128xf32, #tpu.memory_space<vmem>>) dst(%dma_wait3A_121 : memref<10240xf32, #tpu.memory_space<vmem_shared>>)
      %dma_wait3A_122 = arith.constant 0 : i32
      %dma_wait3A_123 = tpu.memref_slice %arg6[%add3A_82, %dma_wait3A_122] : memref<80x128xi32, #tpu.memory_space<vmem>> -> memref<1x128xi32, #tpu.memory_space<vmem>>
      %dma_wait3A_124 = tpu.memref_squeeze %dma_wait3A_123 : memref<1x128xi32, #tpu.memory_space<vmem>> -> memref<128xi32, #tpu.memory_space<vmem>>
      %dma_wait3A_125 = arith.constant 0 : i32
      %dma_wait3A_126 = tpu.memref_slice %arg8[%dma_wait3A_125] : memref<10240xf32, #tpu.memory_space<vmem_shared>> -> memref<10240xf32, #tpu.memory_space<vmem_shared>>
      tpu.wait_indirect_dma semaphore(%arg9 : memref<!tpu.dma_semaphore, #tpu.memory_space<semaphore_mem>>) src(%arg7 : memref<128xf32, #tpu.memory_space<vmem>>) dst(%dma_wait3A_126 : memref<10240xf32, #tpu.memory_space<vmem_shared>>)
    }
    %scan3A_7 = arith.constant 10 : i32
    %barrier3A_8 = arith.constant 0 : index
    tpu.barrier barrier_id(%barrier3A_8)
    %mul3A_9 = arith.constant 640 : i32
    %mul3A_10 = arith.muli %arg1, %mul3A_9 : i32
    %mul3A_11 = arith.constant 10240 : i32
    %mul3A_12 = arith.muli %arg0, %mul3A_11 : i32
    %mul3A_13 = arith.constant 640 : i32
    %mul3A_14 = arith.muli %arg1, %mul3A_13 : i32
    %add3A_15 = arith.addi %mul3A_12, %mul3A_14 : i32
    "tpu.region"() ({
      %run_scoped3A = tpu.sem_alloc : memref<!tpu.dma_semaphore, #tpu.memory_space<semaphore_mem>>
      %dma_start3A = tpu.memref_slice %arg5[%add3A_15] : memref<20480xf32, #tpu.memory_space<hbm>> -> memref<640xf32, #tpu.memory_space<hbm>>
      %dma_start3A_16 = tpu.memref_slice %arg8[%mul3A_10] : memref<10240xf32, #tpu.memory_space<vmem_shared>> -> memref<640xf32, #tpu.memory_space<vmem_shared>>
      tpu.enqueue_dma source(%dma_start3A_16 : memref<640xf32, #tpu.memory_space<vmem_shared>>) target(%dma_start3A : memref<640xf32, #tpu.memory_space<hbm>>) target_semaphore(%run_scoped3A : memref<!tpu.dma_semaphore, #tpu.memory_space<semaphore_mem>>)
      %dma_wait3A = tpu.memref_slice %arg5[%add3A_15] : memref<20480xf32, #tpu.memory_space<hbm>> -> memref<640xf32, #tpu.memory_space<hbm>>
      %dma_wait3A_17 = tpu.memref_slice %arg8[%mul3A_10] : memref<10240xf32, #tpu.memory_space<vmem_shared>> -> memref<640xf32, #tpu.memory_space<vmem_shared>>
      tpu.wait_dma2 semaphore(%run_scoped3A : memref<!tpu.dma_semaphore, #tpu.memory_space<semaphore_mem>>) src(%dma_wait3A_17 : memref<640xf32, #tpu.memory_space<vmem_shared>>) dst(%dma_wait3A : memref<640xf32, #tpu.memory_space<hbm>>)
      tpu.yield
    }) : () -> ()
    return
  }
}

#map = affine_map<(d0, d1) -> (0, 0)>
#map1 = affine_map<(d0, d1) -> (0, 0, 0)>
module attributes {stable_mosaic.version = 14 : i64} {
  func.func @_sc_prop(%arg0: i32, %arg1: i32, %arg2: memref<10240x128xf32, #tpu.memory_space<hbm>>, %arg3: memref<2560x2x128xi32, #tpu.memory_space<hbm>>, %arg4: memref<640x128xf32, #tpu.memory_space<hbm>>, %arg5: memref<20480x128xf32, #tpu.memory_space<hbm>>, %arg6: memref<2x128xi32, #tpu.memory_space<vmem>>, %arg7: memref<2x128xi32, #tpu.memory_space<vmem>>, %arg8: memref<2x128xi32, #tpu.memory_space<vmem>>, %arg9: memref<2x128xi32, #tpu.memory_space<vmem>>, %arg10: memref<128x128xf32, #tpu.memory_space<vmem>>, %arg11: memref<128x128xf32, #tpu.memory_space<vmem>>, %arg12: memref<10240x128xf32, #tpu.memory_space<vmem_shared>>, %arg13: memref<!tpu.dma_semaphore, #tpu.memory_space<semaphore_mem>>, %arg14: memref<!tpu.dma_semaphore, #tpu.memory_space<semaphore_mem>>, %arg15: memref<!tpu.dma_semaphore, #tpu.memory_space<semaphore_mem>>, %arg16: memref<!tpu.dma_semaphore, #tpu.memory_space<semaphore_mem>>, %arg17: memref<!tpu.dma_semaphore, #tpu.memory_space<semaphore_mem>>, %arg18: memref<!tpu.dma_semaphore, #tpu.memory_space<semaphore_mem>>, %arg19: memref<!tpu.dma_semaphore, #tpu.memory_space<semaphore_mem>>, %arg20: memref<!tpu.dma_semaphore, #tpu.memory_space<semaphore_mem>>) attributes {dimension_semantics = [#tpu.dimension_semantics<core_parallel>, #tpu.dimension_semantics<subcore_parallel>], iteration_bounds = array<i64: 2, 16>, scalar_prefetch = 0 : i64, scratch_operands = 15 : i64, tpu.core_type = #tpu.core_type<sc_vector_subcore>, window_params = [{transform_indices = #map}, {transform_indices = #map1}, {transform_indices = #map}, {transform_indices = #map}]} {
    %mul3A = arith.constant 640 : i32
    %mul3A_0 = arith.muli %arg1, %mul3A : i32
    "tpu.region"() ({
      %run_scoped3A = tpu.sem_alloc : memref<!tpu.dma_semaphore, #tpu.memory_space<semaphore_mem>>
      %dma_start3A = arith.constant 0 : i32
      %dma_start3A_15 = tpu.memref_slice %arg12[%mul3A_0, %dma_start3A] : memref<10240x128xf32, #tpu.memory_space<vmem_shared>> -> memref<640x128xf32, #tpu.memory_space<vmem_shared>>
      tpu.enqueue_dma source(%arg4 : memref<640x128xf32, #tpu.memory_space<hbm>>) target(%dma_start3A_15 : memref<640x128xf32, #tpu.memory_space<vmem_shared>>) target_semaphore(%run_scoped3A : memref<!tpu.dma_semaphore, #tpu.memory_space<semaphore_mem>>)
      %dma_wait3A = arith.constant 0 : i32
      %dma_wait3A_16 = tpu.memref_slice %arg12[%mul3A_0, %dma_wait3A] : memref<10240x128xf32, #tpu.memory_space<vmem_shared>> -> memref<640x128xf32, #tpu.memory_space<vmem_shared>>
      tpu.wait_dma2 semaphore(%run_scoped3A : memref<!tpu.dma_semaphore, #tpu.memory_space<semaphore_mem>>) src(%arg4 : memref<640x128xf32, #tpu.memory_space<hbm>>) dst(%dma_wait3A_16 : memref<640x128xf32, #tpu.memory_space<vmem_shared>>)
      tpu.yield
    }) : () -> ()
    %barrier3A = arith.constant 0 : index
    tpu.barrier barrier_id(%barrier3A)
    %eq3A = arith.constant 0 : i32
    %eq3A_1 = arith.cmpi eq, %arg0, %eq3A : i32
    %convert_element_type3A = arith.extui %eq3A_1 : i1 to i32
    %cond3A = arith.constant 0 : i32
    %cond3A_2 = arith.cmpi ne, %convert_element_type3A, %cond3A : i32
    scf.if %cond3A_2 {
      %mul3A_15 = arith.constant 156 : i32
      %mul3A_16 = arith.muli %arg1, %mul3A_15 : i32
      "tpu.region"() ({
        %run_scoped3A = tpu.sem_alloc : memref<!tpu.dma_semaphore, #tpu.memory_space<semaphore_mem>>
        %dma_start3A_44 = arith.constant 0 : i32
        %dma_start3A_45 = arith.constant 0 : i32
        %dma_start3A_46 = tpu.memref_slice %arg3[%mul3A_16, %dma_start3A_44, %dma_start3A_45] : memref<2560x2x128xi32, #tpu.memory_space<hbm>> -> memref<1x2x128xi32, #tpu.memory_space<hbm>>
        %dma_start3A_47 = tpu.memref_squeeze %dma_start3A_46 : memref<1x2x128xi32, #tpu.memory_space<hbm>> -> memref<2x128xi32, #tpu.memory_space<hbm>>
        %dma_start3A_48 = arith.constant 0 : i32
        %dma_start3A_49 = arith.constant 0 : i32
        %dma_start3A_50 = tpu.memref_slice %arg3[%mul3A_16, %dma_start3A_48, %dma_start3A_49] : memref<2560x2x128xi32, #tpu.memory_space<hbm>> -> memref<1x2x128xi32, #tpu.memory_space<hbm>>
        %dma_start3A_51 = tpu.memref_squeeze %dma_start3A_50 : memref<1x2x128xi32, #tpu.memory_space<hbm>> -> memref<2x128xi32, #tpu.memory_space<hbm>>
        tpu.enqueue_dma source(%dma_start3A_51 : memref<2x128xi32, #tpu.memory_space<hbm>>) target(%arg6 : memref<2x128xi32, #tpu.memory_space<vmem>>) target_semaphore(%run_scoped3A : memref<!tpu.dma_semaphore, #tpu.memory_space<semaphore_mem>>)
        %dma_wait3A_52 = arith.constant 0 : i32
        %dma_wait3A_53 = arith.constant 0 : i32
        %dma_wait3A_54 = tpu.memref_slice %arg3[%mul3A_16, %dma_wait3A_52, %dma_wait3A_53] : memref<2560x2x128xi32, #tpu.memory_space<hbm>> -> memref<1x2x128xi32, #tpu.memory_space<hbm>>
        %dma_wait3A_55 = tpu.memref_squeeze %dma_wait3A_54 : memref<1x2x128xi32, #tpu.memory_space<hbm>> -> memref<2x128xi32, #tpu.memory_space<hbm>>
        %dma_wait3A_56 = arith.constant 0 : i32
        %dma_wait3A_57 = arith.constant 0 : i32
        %dma_wait3A_58 = tpu.memref_slice %arg3[%mul3A_16, %dma_wait3A_56, %dma_wait3A_57] : memref<2560x2x128xi32, #tpu.memory_space<hbm>> -> memref<1x2x128xi32, #tpu.memory_space<hbm>>
        %dma_wait3A_59 = tpu.memref_squeeze %dma_wait3A_58 : memref<1x2x128xi32, #tpu.memory_space<hbm>> -> memref<2x128xi32, #tpu.memory_space<hbm>>
        tpu.wait_dma2 semaphore(%run_scoped3A : memref<!tpu.dma_semaphore, #tpu.memory_space<semaphore_mem>>) src(%dma_wait3A_59 : memref<2x128xi32, #tpu.memory_space<hbm>>) dst(%arg6 : memref<2x128xi32, #tpu.memory_space<vmem>>)
        tpu.yield
      }) : () -> ()
      %add3A_17 = arith.constant 1 : i32
      %add3A_18 = arith.addi %mul3A_16, %add3A_17 : i32
      %dma_start3A = arith.constant 0 : i32
      %dma_start3A_19 = arith.constant 0 : i32
      %dma_start3A_20 = tpu.memref_slice %arg3[%add3A_18, %dma_start3A, %dma_start3A_19] : memref<2560x2x128xi32, #tpu.memory_space<hbm>> -> memref<1x2x128xi32, #tpu.memory_space<hbm>>
      %dma_start3A_21 = tpu.memref_squeeze %dma_start3A_20 : memref<1x2x128xi32, #tpu.memory_space<hbm>> -> memref<2x128xi32, #tpu.memory_space<hbm>>
      %dma_start3A_22 = arith.constant 0 : i32
      %dma_start3A_23 = arith.constant 0 : i32
      %dma_start3A_24 = tpu.memref_slice %arg3[%add3A_18, %dma_start3A_22, %dma_start3A_23] : memref<2560x2x128xi32, #tpu.memory_space<hbm>> -> memref<1x2x128xi32, #tpu.memory_space<hbm>>
      %dma_start3A_25 = tpu.memref_squeeze %dma_start3A_24 : memref<1x2x128xi32, #tpu.memory_space<hbm>> -> memref<2x128xi32, #tpu.memory_space<hbm>>
      tpu.enqueue_dma source(%dma_start3A_25 : memref<2x128xi32, #tpu.memory_space<hbm>>) target(%arg7 : memref<2x128xi32, #tpu.memory_space<vmem>>) target_semaphore(%arg14 : memref<!tpu.dma_semaphore, #tpu.memory_space<semaphore_mem>>)
      %dma_start3A_26 = arith.constant 0 : i32
      %dma_start3A_27 = arith.constant 0 : i32
      %dma_start3A_28 = tpu.memref_slice %arg6[%dma_start3A_26, %dma_start3A_27] : memref<2x128xi32, #tpu.memory_space<vmem>> -> memref<1x128xi32, #tpu.memory_space<vmem>>
      %dma_start3A_29 = tpu.memref_squeeze %dma_start3A_28 : memref<1x128xi32, #tpu.memory_space<vmem>> -> memref<128xi32, #tpu.memory_space<vmem>>
      %dma_start3A_30 = arith.constant 0 : i32
      %dma_start3A_31 = arith.constant 0 : i32
      %dma_start3A_32 = tpu.memref_slice %arg2[%dma_start3A_30, %dma_start3A_31] : memref<10240x128xf32, #tpu.memory_space<hbm>> -> memref<10240x128xf32, #tpu.memory_space<hbm>>
      tpu.enqueue_indirect_dma source(%dma_start3A_32 : memref<10240x128xf32, #tpu.memory_space<hbm>>) target(%arg10 : memref<128x128xf32, #tpu.memory_space<vmem>>) offsets(%dma_start3A_29 : memref<128xi32, #tpu.memory_space<vmem>>) semaphore(%arg17 : memref<!tpu.dma_semaphore, #tpu.memory_space<semaphore_mem>>)
      %scan3A = arith.constant 0 : i32
      %scan3A_33 = arith.constant 0 : i32
      %scan3A_34 = arith.constant 39 : i32
      %scan3A_35 = arith.addi %scan3A_33, %scan3A_34 : i32
      %scan3A_36 = arith.constant 1 : i32
      scf.for %scan3A_44 = %scan3A_33 to %scan3A_35 step %scan3A_36  : i32 {
        %mul3A_45 = arith.constant 4 : i32
        %mul3A_46 = arith.muli %scan3A_44, %mul3A_45 : i32
        %add3A_47 = arith.constant 0 : i32
        %add3A_48 = arith.addi %mul3A_46, %add3A_47 : i32
        %dma_wait3A_49 = arith.constant 0 : i32
        %dma_wait3A_50 = arith.constant 0 : i32
        %dma_wait3A_51 = tpu.memref_slice %arg6[%dma_wait3A_49, %dma_wait3A_50] : memref<2x128xi32, #tpu.memory_space<vmem>> -> memref<1x128xi32, #tpu.memory_space<vmem>>
        %dma_wait3A_52 = tpu.memref_squeeze %dma_wait3A_51 : memref<1x128xi32, #tpu.memory_space<vmem>> -> memref<128xi32, #tpu.memory_space<vmem>>
        %dma_wait3A_53 = arith.constant 0 : i32
        %dma_wait3A_54 = arith.constant 0 : i32
        %dma_wait3A_55 = tpu.memref_slice %arg2[%dma_wait3A_53, %dma_wait3A_54] : memref<10240x128xf32, #tpu.memory_space<hbm>> -> memref<10240x128xf32, #tpu.memory_space<hbm>>
        tpu.wait_indirect_dma semaphore(%arg17 : memref<!tpu.dma_semaphore, #tpu.memory_space<semaphore_mem>>) src(%dma_wait3A_55 : memref<10240x128xf32, #tpu.memory_space<hbm>>) dst(%arg10 : memref<128x128xf32, #tpu.memory_space<vmem>>)
        %add3A_56 = arith.addi %mul3A_16, %add3A_48 : i32
        %add3A_57 = arith.constant 2 : i32
        %add3A_58 = arith.addi %add3A_56, %add3A_57 : i32
        %dma_start3A_59 = arith.constant 0 : i32
        %dma_start3A_60 = arith.constant 0 : i32
        %dma_start3A_61 = tpu.memref_slice %arg3[%add3A_58, %dma_start3A_59, %dma_start3A_60] : memref<2560x2x128xi32, #tpu.memory_space<hbm>> -> memref<1x2x128xi32, #tpu.memory_space<hbm>>
        %dma_start3A_62 = tpu.memref_squeeze %dma_start3A_61 : memref<1x2x128xi32, #tpu.memory_space<hbm>> -> memref<2x128xi32, #tpu.memory_space<hbm>>
        %dma_start3A_63 = arith.constant 0 : i32
        %dma_start3A_64 = arith.constant 0 : i32
        %dma_start3A_65 = tpu.memref_slice %arg3[%add3A_58, %dma_start3A_63, %dma_start3A_64] : memref<2560x2x128xi32, #tpu.memory_space<hbm>> -> memref<1x2x128xi32, #tpu.memory_space<hbm>>
        %dma_start3A_66 = tpu.memref_squeeze %dma_start3A_65 : memref<1x2x128xi32, #tpu.memory_space<hbm>> -> memref<2x128xi32, #tpu.memory_space<hbm>>
        tpu.enqueue_dma source(%dma_start3A_66 : memref<2x128xi32, #tpu.memory_space<hbm>>) target(%arg8 : memref<2x128xi32, #tpu.memory_space<vmem>>) target_semaphore(%arg15 : memref<!tpu.dma_semaphore, #tpu.memory_space<semaphore_mem>>)
        %gt3A = arith.constant 0 : i32
        %gt3A_67 = arith.cmpi sgt, %scan3A_44, %gt3A : i32
        %convert_element_type3A_68 = arith.extui %gt3A_67 : i1 to i32
        %cond3A_69 = arith.constant 0 : i32
        %cond3A_70 = arith.cmpi ne, %convert_element_type3A_68, %cond3A_69 : i32
        scf.if %cond3A_70 {
          %dma_wait3A_232 = arith.constant 1 : i32
          %dma_wait3A_233 = arith.constant 0 : i32
          %dma_wait3A_234 = tpu.memref_slice %arg9[%dma_wait3A_232, %dma_wait3A_233] : memref<2x128xi32, #tpu.memory_space<vmem>> -> memref<1x128xi32, #tpu.memory_space<vmem>>
          %dma_wait3A_235 = tpu.memref_squeeze %dma_wait3A_234 : memref<1x128xi32, #tpu.memory_space<vmem>> -> memref<128xi32, #tpu.memory_space<vmem>>
          %dma_wait3A_236 = arith.constant 0 : i32
          %dma_wait3A_237 = arith.constant 0 : i32
          %dma_wait3A_238 = tpu.memref_slice %arg12[%dma_wait3A_236, %dma_wait3A_237] : memref<10240x128xf32, #tpu.memory_space<vmem_shared>> -> memref<10240x128xf32, #tpu.memory_space<vmem_shared>>
          tpu.wait_indirect_dma semaphore(%arg20 : memref<!tpu.dma_semaphore, #tpu.memory_space<semaphore_mem>>) src(%arg11 : memref<128x128xf32, #tpu.memory_space<vmem>>) dst(%dma_wait3A_238 : memref<10240x128xf32, #tpu.memory_space<vmem_shared>>)
        } else {
        }
        %add3A_71 = arith.addi %mul3A_16, %add3A_48 : i32
        %add3A_72 = arith.constant 1 : i32
        %add3A_73 = arith.addi %add3A_71, %add3A_72 : i32
        %dma_wait3A_74 = arith.constant 0 : i32
        %dma_wait3A_75 = arith.constant 0 : i32
        %dma_wait3A_76 = tpu.memref_slice %arg3[%add3A_73, %dma_wait3A_74, %dma_wait3A_75] : memref<2560x2x128xi32, #tpu.memory_space<hbm>> -> memref<1x2x128xi32, #tpu.memory_space<hbm>>
        %dma_wait3A_77 = tpu.memref_squeeze %dma_wait3A_76 : memref<1x2x128xi32, #tpu.memory_space<hbm>> -> memref<2x128xi32, #tpu.memory_space<hbm>>
        %dma_wait3A_78 = arith.constant 0 : i32
        %dma_wait3A_79 = arith.constant 0 : i32
        %dma_wait3A_80 = tpu.memref_slice %arg3[%add3A_73, %dma_wait3A_78, %dma_wait3A_79] : memref<2560x2x128xi32, #tpu.memory_space<hbm>> -> memref<1x2x128xi32, #tpu.memory_space<hbm>>
        %dma_wait3A_81 = tpu.memref_squeeze %dma_wait3A_80 : memref<1x2x128xi32, #tpu.memory_space<hbm>> -> memref<2x128xi32, #tpu.memory_space<hbm>>
        tpu.wait_dma2 semaphore(%arg14 : memref<!tpu.dma_semaphore, #tpu.memory_space<semaphore_mem>>) src(%dma_wait3A_81 : memref<2x128xi32, #tpu.memory_space<hbm>>) dst(%arg7 : memref<2x128xi32, #tpu.memory_space<vmem>>)
        %dma_start3A_82 = arith.constant 0 : i32
        %dma_start3A_83 = arith.constant 0 : i32
        %dma_start3A_84 = tpu.memref_slice %arg7[%dma_start3A_82, %dma_start3A_83] : memref<2x128xi32, #tpu.memory_space<vmem>> -> memref<1x128xi32, #tpu.memory_space<vmem>>
        %dma_start3A_85 = tpu.memref_squeeze %dma_start3A_84 : memref<1x128xi32, #tpu.memory_space<vmem>> -> memref<128xi32, #tpu.memory_space<vmem>>
        %dma_start3A_86 = arith.constant 0 : i32
        %dma_start3A_87 = arith.constant 0 : i32
        %dma_start3A_88 = tpu.memref_slice %arg2[%dma_start3A_86, %dma_start3A_87] : memref<10240x128xf32, #tpu.memory_space<hbm>> -> memref<10240x128xf32, #tpu.memory_space<hbm>>
        tpu.enqueue_indirect_dma source(%dma_start3A_88 : memref<10240x128xf32, #tpu.memory_space<hbm>>) target(%arg11 : memref<128x128xf32, #tpu.memory_space<vmem>>) offsets(%dma_start3A_85 : memref<128xi32, #tpu.memory_space<vmem>>) semaphore(%arg18 : memref<!tpu.dma_semaphore, #tpu.memory_space<semaphore_mem>>)
        %dma_start3A_89 = arith.constant 1 : i32
        %dma_start3A_90 = arith.constant 0 : i32
        %dma_start3A_91 = tpu.memref_slice %arg6[%dma_start3A_89, %dma_start3A_90] : memref<2x128xi32, #tpu.memory_space<vmem>> -> memref<1x128xi32, #tpu.memory_space<vmem>>
        %dma_start3A_92 = tpu.memref_squeeze %dma_start3A_91 : memref<1x128xi32, #tpu.memory_space<vmem>> -> memref<128xi32, #tpu.memory_space<vmem>>
        %dma_start3A_93 = arith.constant 0 : i32
        %dma_start3A_94 = arith.constant 0 : i32
        %dma_start3A_95 = tpu.memref_slice %arg12[%dma_start3A_93, %dma_start3A_94] : memref<10240x128xf32, #tpu.memory_space<vmem_shared>> -> memref<10240x128xf32, #tpu.memory_space<vmem_shared>>
        tpu.enqueue_indirect_dma source(%arg10 : memref<128x128xf32, #tpu.memory_space<vmem>>) target(%dma_start3A_95 : memref<10240x128xf32, #tpu.memory_space<vmem_shared>>) offsets(%dma_start3A_92 : memref<128xi32, #tpu.memory_space<vmem>>) semaphore(%arg19 : memref<!tpu.dma_semaphore, #tpu.memory_space<semaphore_mem>>) {add = true}
        %mul3A_96 = arith.constant 4 : i32
        %mul3A_97 = arith.muli %scan3A_44, %mul3A_96 : i32
        %add3A_98 = arith.constant 1 : i32
        %add3A_99 = arith.addi %mul3A_97, %add3A_98 : i32
        %dma_wait3A_100 = arith.constant 0 : i32
        %dma_wait3A_101 = arith.constant 0 : i32
        %dma_wait3A_102 = tpu.memref_slice %arg7[%dma_wait3A_100, %dma_wait3A_101] : memref<2x128xi32, #tpu.memory_space<vmem>> -> memref<1x128xi32, #tpu.memory_space<vmem>>
        %dma_wait3A_103 = tpu.memref_squeeze %dma_wait3A_102 : memref<1x128xi32, #tpu.memory_space<vmem>> -> memref<128xi32, #tpu.memory_space<vmem>>
        %dma_wait3A_104 = arith.constant 0 : i32
        %dma_wait3A_105 = arith.constant 0 : i32
        %dma_wait3A_106 = tpu.memref_slice %arg2[%dma_wait3A_104, %dma_wait3A_105] : memref<10240x128xf32, #tpu.memory_space<hbm>> -> memref<10240x128xf32, #tpu.memory_space<hbm>>
        tpu.wait_indirect_dma semaphore(%arg18 : memref<!tpu.dma_semaphore, #tpu.memory_space<semaphore_mem>>) src(%dma_wait3A_106 : memref<10240x128xf32, #tpu.memory_space<hbm>>) dst(%arg11 : memref<128x128xf32, #tpu.memory_space<vmem>>)
        %add3A_107 = arith.addi %mul3A_16, %add3A_99 : i32
        %add3A_108 = arith.constant 2 : i32
        %add3A_109 = arith.addi %add3A_107, %add3A_108 : i32
        %dma_start3A_110 = arith.constant 0 : i32
        %dma_start3A_111 = arith.constant 0 : i32
        %dma_start3A_112 = tpu.memref_slice %arg3[%add3A_109, %dma_start3A_110, %dma_start3A_111] : memref<2560x2x128xi32, #tpu.memory_space<hbm>> -> memref<1x2x128xi32, #tpu.memory_space<hbm>>
        %dma_start3A_113 = tpu.memref_squeeze %dma_start3A_112 : memref<1x2x128xi32, #tpu.memory_space<hbm>> -> memref<2x128xi32, #tpu.memory_space<hbm>>
        %dma_start3A_114 = arith.constant 0 : i32
        %dma_start3A_115 = arith.constant 0 : i32
        %dma_start3A_116 = tpu.memref_slice %arg3[%add3A_109, %dma_start3A_114, %dma_start3A_115] : memref<2560x2x128xi32, #tpu.memory_space<hbm>> -> memref<1x2x128xi32, #tpu.memory_space<hbm>>
        %dma_start3A_117 = tpu.memref_squeeze %dma_start3A_116 : memref<1x2x128xi32, #tpu.memory_space<hbm>> -> memref<2x128xi32, #tpu.memory_space<hbm>>
        tpu.enqueue_dma source(%dma_start3A_117 : memref<2x128xi32, #tpu.memory_space<hbm>>) target(%arg9 : memref<2x128xi32, #tpu.memory_space<vmem>>) target_semaphore(%arg16 : memref<!tpu.dma_semaphore, #tpu.memory_space<semaphore_mem>>)
        %dma_wait3A_118 = arith.constant 1 : i32
        %dma_wait3A_119 = arith.constant 0 : i32
        %dma_wait3A_120 = tpu.memref_slice %arg6[%dma_wait3A_118, %dma_wait3A_119] : memref<2x128xi32, #tpu.memory_space<vmem>> -> memref<1x128xi32, #tpu.memory_space<vmem>>
        %dma_wait3A_121 = tpu.memref_squeeze %dma_wait3A_120 : memref<1x128xi32, #tpu.memory_space<vmem>> -> memref<128xi32, #tpu.memory_space<vmem>>
        %dma_wait3A_122 = arith.constant 0 : i32
        %dma_wait3A_123 = arith.constant 0 : i32
        %dma_wait3A_124 = tpu.memref_slice %arg12[%dma_wait3A_122, %dma_wait3A_123] : memref<10240x128xf32, #tpu.memory_space<vmem_shared>> -> memref<10240x128xf32, #tpu.memory_space<vmem_shared>>
        tpu.wait_indirect_dma semaphore(%arg19 : memref<!tpu.dma_semaphore, #tpu.memory_space<semaphore_mem>>) src(%arg10 : memref<128x128xf32, #tpu.memory_space<vmem>>) dst(%dma_wait3A_124 : memref<10240x128xf32, #tpu.memory_space<vmem_shared>>)
        %add3A_125 = arith.addi %mul3A_16, %add3A_99 : i32
        %add3A_126 = arith.constant 1 : i32
        %add3A_127 = arith.addi %add3A_125, %add3A_126 : i32
        %dma_wait3A_128 = arith.constant 0 : i32
        %dma_wait3A_129 = arith.constant 0 : i32
        %dma_wait3A_130 = tpu.memref_slice %arg3[%add3A_127, %dma_wait3A_128, %dma_wait3A_129] : memref<2560x2x128xi32, #tpu.memory_space<hbm>> -> memref<1x2x128xi32, #tpu.memory_space<hbm>>
        %dma_wait3A_131 = tpu.memref_squeeze %dma_wait3A_130 : memref<1x2x128xi32, #tpu.memory_space<hbm>> -> memref<2x128xi32, #tpu.memory_space<hbm>>
        %dma_wait3A_132 = arith.constant 0 : i32
        %dma_wait3A_133 = arith.constant 0 : i32
        %dma_wait3A_134 = tpu.memref_slice %arg3[%add3A_127, %dma_wait3A_132, %dma_wait3A_133] : memref<2560x2x128xi32, #tpu.memory_space<hbm>> -> memref<1x2x128xi32, #tpu.memory_space<hbm>>
        %dma_wait3A_135 = tpu.memref_squeeze %dma_wait3A_134 : memref<1x2x128xi32, #tpu.memory_space<hbm>> -> memref<2x128xi32, #tpu.memory_space<hbm>>
        tpu.wait_dma2 semaphore(%arg15 : memref<!tpu.dma_semaphore, #tpu.memory_space<semaphore_mem>>) src(%dma_wait3A_135 : memref<2x128xi32, #tpu.memory_space<hbm>>) dst(%arg8 : memref<2x128xi32, #tpu.memory_space<vmem>>)
        %dma_start3A_136 = arith.constant 0 : i32
        %dma_start3A_137 = arith.constant 0 : i32
        %dma_start3A_138 = tpu.memref_slice %arg8[%dma_start3A_136, %dma_start3A_137] : memref<2x128xi32, #tpu.memory_space<vmem>> -> memref<1x128xi32, #tpu.memory_space<vmem>>
        %dma_start3A_139 = tpu.memref_squeeze %dma_start3A_138 : memref<1x128xi32, #tpu.memory_space<vmem>> -> memref<128xi32, #tpu.memory_space<vmem>>
        %dma_start3A_140 = arith.constant 0 : i32
        %dma_start3A_141 = arith.constant 0 : i32
        %dma_start3A_142 = tpu.memref_slice %arg2[%dma_start3A_140, %dma_start3A_141] : memref<10240x128xf32, #tpu.memory_space<hbm>> -> memref<10240x128xf32, #tpu.memory_space<hbm>>
        tpu.enqueue_indirect_dma source(%dma_start3A_142 : memref<10240x128xf32, #tpu.memory_space<hbm>>) target(%arg10 : memref<128x128xf32, #tpu.memory_space<vmem>>) offsets(%dma_start3A_139 : memref<128xi32, #tpu.memory_space<vmem>>) semaphore(%arg17 : memref<!tpu.dma_semaphore, #tpu.memory_space<semaphore_mem>>)
        %dma_start3A_143 = arith.constant 1 : i32
        %dma_start3A_144 = arith.constant 0 : i32
        %dma_start3A_145 = tpu.memref_slice %arg7[%dma_start3A_143, %dma_start3A_144] : memref<2x128xi32, #tpu.memory_space<vmem>> -> memref<1x128xi32, #tpu.memory_space<vmem>>
        %dma_start3A_146 = tpu.memref_squeeze %dma_start3A_145 : memref<1x128xi32, #tpu.memory_space<vmem>> -> memref<128xi32, #tpu.memory_space<vmem>>
        %dma_start3A_147 = arith.constant 0 : i32
        %dma_start3A_148 = arith.constant 0 : i32
        %dma_start3A_149 = tpu.memref_slice %arg12[%dma_start3A_147, %dma_start3A_148] : memref<10240x128xf32, #tpu.memory_space<vmem_shared>> -> memref<10240x128xf32, #tpu.memory_space<vmem_shared>>
        tpu.enqueue_indirect_dma source(%arg11 : memref<128x128xf32, #tpu.memory_space<vmem>>) target(%dma_start3A_149 : memref<10240x128xf32, #tpu.memory_space<vmem_shared>>) offsets(%dma_start3A_146 : memref<128xi32, #tpu.memory_space<vmem>>) semaphore(%arg20 : memref<!tpu.dma_semaphore, #tpu.memory_space<semaphore_mem>>) {add = true}
        %mul3A_150 = arith.constant 4 : i32
        %mul3A_151 = arith.muli %scan3A_44, %mul3A_150 : i32
        %add3A_152 = arith.constant 2 : i32
        %add3A_153 = arith.addi %mul3A_151, %add3A_152 : i32
        %dma_wait3A_154 = arith.constant 0 : i32
        %dma_wait3A_155 = arith.constant 0 : i32
        %dma_wait3A_156 = tpu.memref_slice %arg8[%dma_wait3A_154, %dma_wait3A_155] : memref<2x128xi32, #tpu.memory_space<vmem>> -> memref<1x128xi32, #tpu.memory_space<vmem>>
        %dma_wait3A_157 = tpu.memref_squeeze %dma_wait3A_156 : memref<1x128xi32, #tpu.memory_space<vmem>> -> memref<128xi32, #tpu.memory_space<vmem>>
        %dma_wait3A_158 = arith.constant 0 : i32
        %dma_wait3A_159 = arith.constant 0 : i32
        %dma_wait3A_160 = tpu.memref_slice %arg2[%dma_wait3A_158, %dma_wait3A_159] : memref<10240x128xf32, #tpu.memory_space<hbm>> -> memref<10240x128xf32, #tpu.memory_space<hbm>>
        tpu.wait_indirect_dma semaphore(%arg17 : memref<!tpu.dma_semaphore, #tpu.memory_space<semaphore_mem>>) src(%dma_wait3A_160 : memref<10240x128xf32, #tpu.memory_space<hbm>>) dst(%arg10 : memref<128x128xf32, #tpu.memory_space<vmem>>)
        %lt3A = arith.constant 38 : i32
        %lt3A_161 = arith.cmpi slt, %scan3A_44, %lt3A : i32
        %convert_element_type3A_162 = arith.extui %lt3A_161 : i1 to i32
        %cond3A_163 = arith.constant 0 : i32
        %cond3A_164 = arith.cmpi ne, %convert_element_type3A_162, %cond3A_163 : i32
        scf.if %cond3A_164 {
          %add3A_232 = arith.addi %mul3A_16, %add3A_153 : i32
          %add3A_233 = arith.constant 2 : i32
          %add3A_234 = arith.addi %add3A_232, %add3A_233 : i32
          %dma_start3A_235 = arith.constant 0 : i32
          %dma_start3A_236 = arith.constant 0 : i32
          %dma_start3A_237 = tpu.memref_slice %arg3[%add3A_234, %dma_start3A_235, %dma_start3A_236] : memref<2560x2x128xi32, #tpu.memory_space<hbm>> -> memref<1x2x128xi32, #tpu.memory_space<hbm>>
          %dma_start3A_238 = tpu.memref_squeeze %dma_start3A_237 : memref<1x2x128xi32, #tpu.memory_space<hbm>> -> memref<2x128xi32, #tpu.memory_space<hbm>>
          %dma_start3A_239 = arith.constant 0 : i32
          %dma_start3A_240 = arith.constant 0 : i32
          %dma_start3A_241 = tpu.memref_slice %arg3[%add3A_234, %dma_start3A_239, %dma_start3A_240] : memref<2560x2x128xi32, #tpu.memory_space<hbm>> -> memref<1x2x128xi32, #tpu.memory_space<hbm>>
          %dma_start3A_242 = tpu.memref_squeeze %dma_start3A_241 : memref<1x2x128xi32, #tpu.memory_space<hbm>> -> memref<2x128xi32, #tpu.memory_space<hbm>>
          tpu.enqueue_dma source(%dma_start3A_242 : memref<2x128xi32, #tpu.memory_space<hbm>>) target(%arg6 : memref<2x128xi32, #tpu.memory_space<vmem>>) target_semaphore(%arg13 : memref<!tpu.dma_semaphore, #tpu.memory_space<semaphore_mem>>)
        } else {
        }
        %dma_wait3A_165 = arith.constant 1 : i32
        %dma_wait3A_166 = arith.constant 0 : i32
        %dma_wait3A_167 = tpu.memref_slice %arg7[%dma_wait3A_165, %dma_wait3A_166] : memref<2x128xi32, #tpu.memory_space<vmem>> -> memref<1x128xi32, #tpu.memory_space<vmem>>
        %dma_wait3A_168 = tpu.memref_squeeze %dma_wait3A_167 : memref<1x128xi32, #tpu.memory_space<vmem>> -> memref<128xi32, #tpu.memory_space<vmem>>
        %dma_wait3A_169 = arith.constant 0 : i32
        %dma_wait3A_170 = arith.constant 0 : i32
        %dma_wait3A_171 = tpu.memref_slice %arg12[%dma_wait3A_169, %dma_wait3A_170] : memref<10240x128xf32, #tpu.memory_space<vmem_shared>> -> memref<10240x128xf32, #tpu.memory_space<vmem_shared>>
        tpu.wait_indirect_dma semaphore(%arg20 : memref<!tpu.dma_semaphore, #tpu.memory_space<semaphore_mem>>) src(%arg11 : memref<128x128xf32, #tpu.memory_space<vmem>>) dst(%dma_wait3A_171 : memref<10240x128xf32, #tpu.memory_space<vmem_shared>>)
        %add3A_172 = arith.addi %mul3A_16, %add3A_153 : i32
        %add3A_173 = arith.constant 1 : i32
        %add3A_174 = arith.addi %add3A_172, %add3A_173 : i32
        %dma_wait3A_175 = arith.constant 0 : i32
        %dma_wait3A_176 = arith.constant 0 : i32
        %dma_wait3A_177 = tpu.memref_slice %arg3[%add3A_174, %dma_wait3A_175, %dma_wait3A_176] : memref<2560x2x128xi32, #tpu.memory_space<hbm>> -> memref<1x2x128xi32, #tpu.memory_space<hbm>>
        %dma_wait3A_178 = tpu.memref_squeeze %dma_wait3A_177 : memref<1x2x128xi32, #tpu.memory_space<hbm>> -> memref<2x128xi32, #tpu.memory_space<hbm>>
        %dma_wait3A_179 = arith.constant 0 : i32
        %dma_wait3A_180 = arith.constant 0 : i32
        %dma_wait3A_181 = tpu.memref_slice %arg3[%add3A_174, %dma_wait3A_179, %dma_wait3A_180] : memref<2560x2x128xi32, #tpu.memory_space<hbm>> -> memref<1x2x128xi32, #tpu.memory_space<hbm>>
        %dma_wait3A_182 = tpu.memref_squeeze %dma_wait3A_181 : memref<1x2x128xi32, #tpu.memory_space<hbm>> -> memref<2x128xi32, #tpu.memory_space<hbm>>
        tpu.wait_dma2 semaphore(%arg16 : memref<!tpu.dma_semaphore, #tpu.memory_space<semaphore_mem>>) src(%dma_wait3A_182 : memref<2x128xi32, #tpu.memory_space<hbm>>) dst(%arg9 : memref<2x128xi32, #tpu.memory_space<vmem>>)
        %dma_start3A_183 = arith.constant 0 : i32
        %dma_start3A_184 = arith.constant 0 : i32
        %dma_start3A_185 = tpu.memref_slice %arg9[%dma_start3A_183, %dma_start3A_184] : memref<2x128xi32, #tpu.memory_space<vmem>> -> memref<1x128xi32, #tpu.memory_space<vmem>>
        %dma_start3A_186 = tpu.memref_squeeze %dma_start3A_185 : memref<1x128xi32, #tpu.memory_space<vmem>> -> memref<128xi32, #tpu.memory_space<vmem>>
        %dma_start3A_187 = arith.constant 0 : i32
        %dma_start3A_188 = arith.constant 0 : i32
        %dma_start3A_189 = tpu.memref_slice %arg2[%dma_start3A_187, %dma_start3A_188] : memref<10240x128xf32, #tpu.memory_space<hbm>> -> memref<10240x128xf32, #tpu.memory_space<hbm>>
        tpu.enqueue_indirect_dma source(%dma_start3A_189 : memref<10240x128xf32, #tpu.memory_space<hbm>>) target(%arg11 : memref<128x128xf32, #tpu.memory_space<vmem>>) offsets(%dma_start3A_186 : memref<128xi32, #tpu.memory_space<vmem>>) semaphore(%arg18 : memref<!tpu.dma_semaphore, #tpu.memory_space<semaphore_mem>>)
        %dma_start3A_190 = arith.constant 1 : i32
        %dma_start3A_191 = arith.constant 0 : i32
        %dma_start3A_192 = tpu.memref_slice %arg8[%dma_start3A_190, %dma_start3A_191] : memref<2x128xi32, #tpu.memory_space<vmem>> -> memref<1x128xi32, #tpu.memory_space<vmem>>
        %dma_start3A_193 = tpu.memref_squeeze %dma_start3A_192 : memref<1x128xi32, #tpu.memory_space<vmem>> -> memref<128xi32, #tpu.memory_space<vmem>>
        %dma_start3A_194 = arith.constant 0 : i32
        %dma_start3A_195 = arith.constant 0 : i32
        %dma_start3A_196 = tpu.memref_slice %arg12[%dma_start3A_194, %dma_start3A_195] : memref<10240x128xf32, #tpu.memory_space<vmem_shared>> -> memref<10240x128xf32, #tpu.memory_space<vmem_shared>>
        tpu.enqueue_indirect_dma source(%arg10 : memref<128x128xf32, #tpu.memory_space<vmem>>) target(%dma_start3A_196 : memref<10240x128xf32, #tpu.memory_space<vmem_shared>>) offsets(%dma_start3A_193 : memref<128xi32, #tpu.memory_space<vmem>>) semaphore(%arg19 : memref<!tpu.dma_semaphore, #tpu.memory_space<semaphore_mem>>) {add = true}
        %mul3A_197 = arith.constant 4 : i32
        %mul3A_198 = arith.muli %scan3A_44, %mul3A_197 : i32
        %add3A_199 = arith.constant 3 : i32
        %add3A_200 = arith.addi %mul3A_198, %add3A_199 : i32
        %dma_wait3A_201 = arith.constant 0 : i32
        %dma_wait3A_202 = arith.constant 0 : i32
        %dma_wait3A_203 = tpu.memref_slice %arg9[%dma_wait3A_201, %dma_wait3A_202] : memref<2x128xi32, #tpu.memory_space<vmem>> -> memref<1x128xi32, #tpu.memory_space<vmem>>
        %dma_wait3A_204 = tpu.memref_squeeze %dma_wait3A_203 : memref<1x128xi32, #tpu.memory_space<vmem>> -> memref<128xi32, #tpu.memory_space<vmem>>
        %dma_wait3A_205 = arith.constant 0 : i32
        %dma_wait3A_206 = arith.constant 0 : i32
        %dma_wait3A_207 = tpu.memref_slice %arg2[%dma_wait3A_205, %dma_wait3A_206] : memref<10240x128xf32, #tpu.memory_space<hbm>> -> memref<10240x128xf32, #tpu.memory_space<hbm>>
        tpu.wait_indirect_dma semaphore(%arg18 : memref<!tpu.dma_semaphore, #tpu.memory_space<semaphore_mem>>) src(%dma_wait3A_207 : memref<10240x128xf32, #tpu.memory_space<hbm>>) dst(%arg11 : memref<128x128xf32, #tpu.memory_space<vmem>>)
        %lt3A_208 = arith.constant 38 : i32
        %lt3A_209 = arith.cmpi slt, %scan3A_44, %lt3A_208 : i32
        %convert_element_type3A_210 = arith.extui %lt3A_209 : i1 to i32
        %cond3A_211 = arith.constant 0 : i32
        %cond3A_212 = arith.cmpi ne, %convert_element_type3A_210, %cond3A_211 : i32
        scf.if %cond3A_212 {
          %add3A_232 = arith.addi %mul3A_16, %add3A_200 : i32
          %add3A_233 = arith.constant 2 : i32
          %add3A_234 = arith.addi %add3A_232, %add3A_233 : i32
          %dma_start3A_235 = arith.constant 0 : i32
          %dma_start3A_236 = arith.constant 0 : i32
          %dma_start3A_237 = tpu.memref_slice %arg3[%add3A_234, %dma_start3A_235, %dma_start3A_236] : memref<2560x2x128xi32, #tpu.memory_space<hbm>> -> memref<1x2x128xi32, #tpu.memory_space<hbm>>
          %dma_start3A_238 = tpu.memref_squeeze %dma_start3A_237 : memref<1x2x128xi32, #tpu.memory_space<hbm>> -> memref<2x128xi32, #tpu.memory_space<hbm>>
          %dma_start3A_239 = arith.constant 0 : i32
          %dma_start3A_240 = arith.constant 0 : i32
          %dma_start3A_241 = tpu.memref_slice %arg3[%add3A_234, %dma_start3A_239, %dma_start3A_240] : memref<2560x2x128xi32, #tpu.memory_space<hbm>> -> memref<1x2x128xi32, #tpu.memory_space<hbm>>
          %dma_start3A_242 = tpu.memref_squeeze %dma_start3A_241 : memref<1x2x128xi32, #tpu.memory_space<hbm>> -> memref<2x128xi32, #tpu.memory_space<hbm>>
          tpu.enqueue_dma source(%dma_start3A_242 : memref<2x128xi32, #tpu.memory_space<hbm>>) target(%arg7 : memref<2x128xi32, #tpu.memory_space<vmem>>) target_semaphore(%arg14 : memref<!tpu.dma_semaphore, #tpu.memory_space<semaphore_mem>>)
        } else {
        }
        %dma_wait3A_213 = arith.constant 1 : i32
        %dma_wait3A_214 = arith.constant 0 : i32
        %dma_wait3A_215 = tpu.memref_slice %arg8[%dma_wait3A_213, %dma_wait3A_214] : memref<2x128xi32, #tpu.memory_space<vmem>> -> memref<1x128xi32, #tpu.memory_space<vmem>>
        %dma_wait3A_216 = tpu.memref_squeeze %dma_wait3A_215 : memref<1x128xi32, #tpu.memory_space<vmem>> -> memref<128xi32, #tpu.memory_space<vmem>>
        %dma_wait3A_217 = arith.constant 0 : i32
        %dma_wait3A_218 = arith.constant 0 : i32
        %dma_wait3A_219 = tpu.memref_slice %arg12[%dma_wait3A_217, %dma_wait3A_218] : memref<10240x128xf32, #tpu.memory_space<vmem_shared>> -> memref<10240x128xf32, #tpu.memory_space<vmem_shared>>
        tpu.wait_indirect_dma semaphore(%arg19 : memref<!tpu.dma_semaphore, #tpu.memory_space<semaphore_mem>>) src(%arg10 : memref<128x128xf32, #tpu.memory_space<vmem>>) dst(%dma_wait3A_219 : memref<10240x128xf32, #tpu.memory_space<vmem_shared>>)
        %lt3A_220 = arith.constant 38 : i32
        %lt3A_221 = arith.cmpi slt, %scan3A_44, %lt3A_220 : i32
        %convert_element_type3A_222 = arith.extui %lt3A_221 : i1 to i32
        %cond3A_223 = arith.constant 0 : i32
        %cond3A_224 = arith.cmpi ne, %convert_element_type3A_222, %cond3A_223 : i32
        scf.if %cond3A_224 {
          %add3A_232 = arith.addi %mul3A_16, %add3A_200 : i32
          %add3A_233 = arith.constant 1 : i32
          %add3A_234 = arith.addi %add3A_232, %add3A_233 : i32
          %dma_wait3A_235 = arith.constant 0 : i32
          %dma_wait3A_236 = arith.constant 0 : i32
          %dma_wait3A_237 = tpu.memref_slice %arg3[%add3A_234, %dma_wait3A_235, %dma_wait3A_236] : memref<2560x2x128xi32, #tpu.memory_space<hbm>> -> memref<1x2x128xi32, #tpu.memory_space<hbm>>
          %dma_wait3A_238 = tpu.memref_squeeze %dma_wait3A_237 : memref<1x2x128xi32, #tpu.memory_space<hbm>> -> memref<2x128xi32, #tpu.memory_space<hbm>>
          %dma_wait3A_239 = arith.constant 0 : i32
          %dma_wait3A_240 = arith.constant 0 : i32
          %dma_wait3A_241 = tpu.memref_slice %arg3[%add3A_234, %dma_wait3A_239, %dma_wait3A_240] : memref<2560x2x128xi32, #tpu.memory_space<hbm>> -> memref<1x2x128xi32, #tpu.memory_space<hbm>>
          %dma_wait3A_242 = tpu.memref_squeeze %dma_wait3A_241 : memref<1x2x128xi32, #tpu.memory_space<hbm>> -> memref<2x128xi32, #tpu.memory_space<hbm>>
          tpu.wait_dma2 semaphore(%arg13 : memref<!tpu.dma_semaphore, #tpu.memory_space<semaphore_mem>>) src(%dma_wait3A_242 : memref<2x128xi32, #tpu.memory_space<hbm>>) dst(%arg6 : memref<2x128xi32, #tpu.memory_space<vmem>>)
          %dma_start3A_243 = arith.constant 0 : i32
          %dma_start3A_244 = arith.constant 0 : i32
          %dma_start3A_245 = tpu.memref_slice %arg6[%dma_start3A_243, %dma_start3A_244] : memref<2x128xi32, #tpu.memory_space<vmem>> -> memref<1x128xi32, #tpu.memory_space<vmem>>
          %dma_start3A_246 = tpu.memref_squeeze %dma_start3A_245 : memref<1x128xi32, #tpu.memory_space<vmem>> -> memref<128xi32, #tpu.memory_space<vmem>>
          %dma_start3A_247 = arith.constant 0 : i32
          %dma_start3A_248 = arith.constant 0 : i32
          %dma_start3A_249 = tpu.memref_slice %arg2[%dma_start3A_247, %dma_start3A_248] : memref<10240x128xf32, #tpu.memory_space<hbm>> -> memref<10240x128xf32, #tpu.memory_space<hbm>>
          tpu.enqueue_indirect_dma source(%dma_start3A_249 : memref<10240x128xf32, #tpu.memory_space<hbm>>) target(%arg10 : memref<128x128xf32, #tpu.memory_space<vmem>>) offsets(%dma_start3A_246 : memref<128xi32, #tpu.memory_space<vmem>>) semaphore(%arg17 : memref<!tpu.dma_semaphore, #tpu.memory_space<semaphore_mem>>)
        } else {
        }
        %dma_start3A_225 = arith.constant 1 : i32
        %dma_start3A_226 = arith.constant 0 : i32
        %dma_start3A_227 = tpu.memref_slice %arg9[%dma_start3A_225, %dma_start3A_226] : memref<2x128xi32, #tpu.memory_space<vmem>> -> memref<1x128xi32, #tpu.memory_space<vmem>>
        %dma_start3A_228 = tpu.memref_squeeze %dma_start3A_227 : memref<1x128xi32, #tpu.memory_space<vmem>> -> memref<128xi32, #tpu.memory_space<vmem>>
        %dma_start3A_229 = arith.constant 0 : i32
        %dma_start3A_230 = arith.constant 0 : i32
        %dma_start3A_231 = tpu.memref_slice %arg12[%dma_start3A_229, %dma_start3A_230] : memref<10240x128xf32, #tpu.memory_space<vmem_shared>> -> memref<10240x128xf32, #tpu.memory_space<vmem_shared>>
        tpu.enqueue_indirect_dma source(%arg11 : memref<128x128xf32, #tpu.memory_space<vmem>>) target(%dma_start3A_231 : memref<10240x128xf32, #tpu.memory_space<vmem_shared>>) offsets(%dma_start3A_228 : memref<128xi32, #tpu.memory_space<vmem>>) semaphore(%arg20 : memref<!tpu.dma_semaphore, #tpu.memory_space<semaphore_mem>>) {add = true}
      }
      %scan3A_37 = arith.constant 39 : i32
      %dma_wait3A = arith.constant 1 : i32
      %dma_wait3A_38 = arith.constant 0 : i32
      %dma_wait3A_39 = tpu.memref_slice %arg9[%dma_wait3A, %dma_wait3A_38] : memref<2x128xi32, #tpu.memory_space<vmem>> -> memref<1x128xi32, #tpu.memory_space<vmem>>
      %dma_wait3A_40 = tpu.memref_squeeze %dma_wait3A_39 : memref<1x128xi32, #tpu.memory_space<vmem>> -> memref<128xi32, #tpu.memory_space<vmem>>
      %dma_wait3A_41 = arith.constant 0 : i32
      %dma_wait3A_42 = arith.constant 0 : i32
      %dma_wait3A_43 = tpu.memref_slice %arg12[%dma_wait3A_41, %dma_wait3A_42] : memref<10240x128xf32, #tpu.memory_space<vmem_shared>> -> memref<10240x128xf32, #tpu.memory_space<vmem_shared>>
      tpu.wait_indirect_dma semaphore(%arg20 : memref<!tpu.dma_semaphore, #tpu.memory_space<semaphore_mem>>) src(%arg11 : memref<128x128xf32, #tpu.memory_space<vmem>>) dst(%dma_wait3A_43 : memref<10240x128xf32, #tpu.memory_space<vmem_shared>>)
    } else {
    }
    %eq3A_3 = arith.constant 1 : i32
    %eq3A_4 = arith.cmpi eq, %arg0, %eq3A_3 : i32
    %convert_element_type3A_5 = arith.extui %eq3A_4 : i1 to i32
    %cond3A_6 = arith.constant 0 : i32
    %cond3A_7 = arith.cmpi ne, %convert_element_type3A_5, %cond3A_6 : i32
    scf.if %cond3A_7 {
      %mul3A_15 = arith.constant 4 : i32
      %mul3A_16 = arith.muli %arg1, %mul3A_15 : i32
      %add3A_17 = arith.constant 2496 : i32
      %add3A_18 = arith.addi %add3A_17, %mul3A_16 : i32
      "tpu.region"() ({
        %run_scoped3A = tpu.sem_alloc : memref<!tpu.dma_semaphore, #tpu.memory_space<semaphore_mem>>
        %dma_start3A_230 = arith.constant 0 : i32
        %dma_start3A_231 = arith.constant 0 : i32
        %dma_start3A_232 = tpu.memref_slice %arg3[%add3A_18, %dma_start3A_230, %dma_start3A_231] : memref<2560x2x128xi32, #tpu.memory_space<hbm>> -> memref<1x2x128xi32, #tpu.memory_space<hbm>>
        %dma_start3A_233 = tpu.memref_squeeze %dma_start3A_232 : memref<1x2x128xi32, #tpu.memory_space<hbm>> -> memref<2x128xi32, #tpu.memory_space<hbm>>
        %dma_start3A_234 = arith.constant 0 : i32
        %dma_start3A_235 = arith.constant 0 : i32
        %dma_start3A_236 = tpu.memref_slice %arg3[%add3A_18, %dma_start3A_234, %dma_start3A_235] : memref<2560x2x128xi32, #tpu.memory_space<hbm>> -> memref<1x2x128xi32, #tpu.memory_space<hbm>>
        %dma_start3A_237 = tpu.memref_squeeze %dma_start3A_236 : memref<1x2x128xi32, #tpu.memory_space<hbm>> -> memref<2x128xi32, #tpu.memory_space<hbm>>
        tpu.enqueue_dma source(%dma_start3A_237 : memref<2x128xi32, #tpu.memory_space<hbm>>) target(%arg6 : memref<2x128xi32, #tpu.memory_space<vmem>>) target_semaphore(%run_scoped3A : memref<!tpu.dma_semaphore, #tpu.memory_space<semaphore_mem>>)
        %dma_wait3A_238 = arith.constant 0 : i32
        %dma_wait3A_239 = arith.constant 0 : i32
        %dma_wait3A_240 = tpu.memref_slice %arg3[%add3A_18, %dma_wait3A_238, %dma_wait3A_239] : memref<2560x2x128xi32, #tpu.memory_space<hbm>> -> memref<1x2x128xi32, #tpu.memory_space<hbm>>
        %dma_wait3A_241 = tpu.memref_squeeze %dma_wait3A_240 : memref<1x2x128xi32, #tpu.memory_space<hbm>> -> memref<2x128xi32, #tpu.memory_space<hbm>>
        %dma_wait3A_242 = arith.constant 0 : i32
        %dma_wait3A_243 = arith.constant 0 : i32
        %dma_wait3A_244 = tpu.memref_slice %arg3[%add3A_18, %dma_wait3A_242, %dma_wait3A_243] : memref<2560x2x128xi32, #tpu.memory_space<hbm>> -> memref<1x2x128xi32, #tpu.memory_space<hbm>>
        %dma_wait3A_245 = tpu.memref_squeeze %dma_wait3A_244 : memref<1x2x128xi32, #tpu.memory_space<hbm>> -> memref<2x128xi32, #tpu.memory_space<hbm>>
        tpu.wait_dma2 semaphore(%run_scoped3A : memref<!tpu.dma_semaphore, #tpu.memory_space<semaphore_mem>>) src(%dma_wait3A_245 : memref<2x128xi32, #tpu.memory_space<hbm>>) dst(%arg6 : memref<2x128xi32, #tpu.memory_space<vmem>>)
        tpu.yield
      }) : () -> ()
      %add3A_19 = arith.constant 1 : i32
      %add3A_20 = arith.addi %add3A_18, %add3A_19 : i32
      %dma_start3A = arith.constant 0 : i32
      %dma_start3A_21 = arith.constant 0 : i32
      %dma_start3A_22 = tpu.memref_slice %arg3[%add3A_20, %dma_start3A, %dma_start3A_21] : memref<2560x2x128xi32, #tpu.memory_space<hbm>> -> memref<1x2x128xi32, #tpu.memory_space<hbm>>
      %dma_start3A_23 = tpu.memref_squeeze %dma_start3A_22 : memref<1x2x128xi32, #tpu.memory_space<hbm>> -> memref<2x128xi32, #tpu.memory_space<hbm>>
      %dma_start3A_24 = arith.constant 0 : i32
      %dma_start3A_25 = arith.constant 0 : i32
      %dma_start3A_26 = tpu.memref_slice %arg3[%add3A_20, %dma_start3A_24, %dma_start3A_25] : memref<2560x2x128xi32, #tpu.memory_space<hbm>> -> memref<1x2x128xi32, #tpu.memory_space<hbm>>
      %dma_start3A_27 = tpu.memref_squeeze %dma_start3A_26 : memref<1x2x128xi32, #tpu.memory_space<hbm>> -> memref<2x128xi32, #tpu.memory_space<hbm>>
      tpu.enqueue_dma source(%dma_start3A_27 : memref<2x128xi32, #tpu.memory_space<hbm>>) target(%arg7 : memref<2x128xi32, #tpu.memory_space<vmem>>) target_semaphore(%arg14 : memref<!tpu.dma_semaphore, #tpu.memory_space<semaphore_mem>>)
      %dma_start3A_28 = arith.constant 0 : i32
      %dma_start3A_29 = arith.constant 0 : i32
      %dma_start3A_30 = tpu.memref_slice %arg6[%dma_start3A_28, %dma_start3A_29] : memref<2x128xi32, #tpu.memory_space<vmem>> -> memref<1x128xi32, #tpu.memory_space<vmem>>
      %dma_start3A_31 = tpu.memref_squeeze %dma_start3A_30 : memref<1x128xi32, #tpu.memory_space<vmem>> -> memref<128xi32, #tpu.memory_space<vmem>>
      %dma_start3A_32 = arith.constant 0 : i32
      %dma_start3A_33 = arith.constant 0 : i32
      %dma_start3A_34 = tpu.memref_slice %arg2[%dma_start3A_32, %dma_start3A_33] : memref<10240x128xf32, #tpu.memory_space<hbm>> -> memref<10240x128xf32, #tpu.memory_space<hbm>>
      tpu.enqueue_indirect_dma source(%dma_start3A_34 : memref<10240x128xf32, #tpu.memory_space<hbm>>) target(%arg10 : memref<128x128xf32, #tpu.memory_space<vmem>>) offsets(%dma_start3A_31 : memref<128xi32, #tpu.memory_space<vmem>>) semaphore(%arg17 : memref<!tpu.dma_semaphore, #tpu.memory_space<semaphore_mem>>)
      %scan3A = arith.constant 0 : i32
      %scan3A_35 = arith.constant 0 : i32
      %mul3A_36 = arith.constant 4 : i32
      %mul3A_37 = arith.muli %scan3A_35, %mul3A_36 : i32
      %add3A_38 = arith.constant 0 : i32
      %add3A_39 = arith.addi %mul3A_37, %add3A_38 : i32
      %dma_wait3A = arith.constant 0 : i32
      %dma_wait3A_40 = arith.constant 0 : i32
      %dma_wait3A_41 = tpu.memref_slice %arg6[%dma_wait3A, %dma_wait3A_40] : memref<2x128xi32, #tpu.memory_space<vmem>> -> memref<1x128xi32, #tpu.memory_space<vmem>>
      %dma_wait3A_42 = tpu.memref_squeeze %dma_wait3A_41 : memref<1x128xi32, #tpu.memory_space<vmem>> -> memref<128xi32, #tpu.memory_space<vmem>>
      %dma_wait3A_43 = arith.constant 0 : i32
      %dma_wait3A_44 = arith.constant 0 : i32
      %dma_wait3A_45 = tpu.memref_slice %arg2[%dma_wait3A_43, %dma_wait3A_44] : memref<10240x128xf32, #tpu.memory_space<hbm>> -> memref<10240x128xf32, #tpu.memory_space<hbm>>
      tpu.wait_indirect_dma semaphore(%arg17 : memref<!tpu.dma_semaphore, #tpu.memory_space<semaphore_mem>>) src(%dma_wait3A_45 : memref<10240x128xf32, #tpu.memory_space<hbm>>) dst(%arg10 : memref<128x128xf32, #tpu.memory_space<vmem>>)
      %add3A_46 = arith.addi %add3A_18, %add3A_39 : i32
      %add3A_47 = arith.constant 2 : i32
      %add3A_48 = arith.addi %add3A_46, %add3A_47 : i32
      %dma_start3A_49 = arith.constant 0 : i32
      %dma_start3A_50 = arith.constant 0 : i32
      %dma_start3A_51 = tpu.memref_slice %arg3[%add3A_48, %dma_start3A_49, %dma_start3A_50] : memref<2560x2x128xi32, #tpu.memory_space<hbm>> -> memref<1x2x128xi32, #tpu.memory_space<hbm>>
      %dma_start3A_52 = tpu.memref_squeeze %dma_start3A_51 : memref<1x2x128xi32, #tpu.memory_space<hbm>> -> memref<2x128xi32, #tpu.memory_space<hbm>>
      %dma_start3A_53 = arith.constant 0 : i32
      %dma_start3A_54 = arith.constant 0 : i32
      %dma_start3A_55 = tpu.memref_slice %arg3[%add3A_48, %dma_start3A_53, %dma_start3A_54] : memref<2560x2x128xi32, #tpu.memory_space<hbm>> -> memref<1x2x128xi32, #tpu.memory_space<hbm>>
      %dma_start3A_56 = tpu.memref_squeeze %dma_start3A_55 : memref<1x2x128xi32, #tpu.memory_space<hbm>> -> memref<2x128xi32, #tpu.memory_space<hbm>>
      tpu.enqueue_dma source(%dma_start3A_56 : memref<2x128xi32, #tpu.memory_space<hbm>>) target(%arg8 : memref<2x128xi32, #tpu.memory_space<vmem>>) target_semaphore(%arg15 : memref<!tpu.dma_semaphore, #tpu.memory_space<semaphore_mem>>)
      %gt3A = arith.constant 0 : i32
      %gt3A_57 = arith.cmpi sgt, %scan3A_35, %gt3A : i32
      %convert_element_type3A_58 = arith.extui %gt3A_57 : i1 to i32
      %cond3A_59 = arith.constant 0 : i32
      %cond3A_60 = arith.cmpi ne, %convert_element_type3A_58, %cond3A_59 : i32
      scf.if %cond3A_60 {
        %dma_wait3A_230 = arith.constant 1 : i32
        %dma_wait3A_231 = arith.constant 0 : i32
        %dma_wait3A_232 = tpu.memref_slice %arg9[%dma_wait3A_230, %dma_wait3A_231] : memref<2x128xi32, #tpu.memory_space<vmem>> -> memref<1x128xi32, #tpu.memory_space<vmem>>
        %dma_wait3A_233 = tpu.memref_squeeze %dma_wait3A_232 : memref<1x128xi32, #tpu.memory_space<vmem>> -> memref<128xi32, #tpu.memory_space<vmem>>
        %dma_wait3A_234 = arith.constant 0 : i32
        %dma_wait3A_235 = arith.constant 0 : i32
        %dma_wait3A_236 = tpu.memref_slice %arg12[%dma_wait3A_234, %dma_wait3A_235] : memref<10240x128xf32, #tpu.memory_space<vmem_shared>> -> memref<10240x128xf32, #tpu.memory_space<vmem_shared>>
        tpu.wait_indirect_dma semaphore(%arg20 : memref<!tpu.dma_semaphore, #tpu.memory_space<semaphore_mem>>) src(%arg11 : memref<128x128xf32, #tpu.memory_space<vmem>>) dst(%dma_wait3A_236 : memref<10240x128xf32, #tpu.memory_space<vmem_shared>>)
      } else {
      }
      %add3A_61 = arith.addi %add3A_18, %add3A_39 : i32
      %add3A_62 = arith.constant 1 : i32
      %add3A_63 = arith.addi %add3A_61, %add3A_62 : i32
      %dma_wait3A_64 = arith.constant 0 : i32
      %dma_wait3A_65 = arith.constant 0 : i32
      %dma_wait3A_66 = tpu.memref_slice %arg3[%add3A_63, %dma_wait3A_64, %dma_wait3A_65] : memref<2560x2x128xi32, #tpu.memory_space<hbm>> -> memref<1x2x128xi32, #tpu.memory_space<hbm>>
      %dma_wait3A_67 = tpu.memref_squeeze %dma_wait3A_66 : memref<1x2x128xi32, #tpu.memory_space<hbm>> -> memref<2x128xi32, #tpu.memory_space<hbm>>
      %dma_wait3A_68 = arith.constant 0 : i32
      %dma_wait3A_69 = arith.constant 0 : i32
      %dma_wait3A_70 = tpu.memref_slice %arg3[%add3A_63, %dma_wait3A_68, %dma_wait3A_69] : memref<2560x2x128xi32, #tpu.memory_space<hbm>> -> memref<1x2x128xi32, #tpu.memory_space<hbm>>
      %dma_wait3A_71 = tpu.memref_squeeze %dma_wait3A_70 : memref<1x2x128xi32, #tpu.memory_space<hbm>> -> memref<2x128xi32, #tpu.memory_space<hbm>>
      tpu.wait_dma2 semaphore(%arg14 : memref<!tpu.dma_semaphore, #tpu.memory_space<semaphore_mem>>) src(%dma_wait3A_71 : memref<2x128xi32, #tpu.memory_space<hbm>>) dst(%arg7 : memref<2x128xi32, #tpu.memory_space<vmem>>)
      %dma_start3A_72 = arith.constant 0 : i32
      %dma_start3A_73 = arith.constant 0 : i32
      %dma_start3A_74 = tpu.memref_slice %arg7[%dma_start3A_72, %dma_start3A_73] : memref<2x128xi32, #tpu.memory_space<vmem>> -> memref<1x128xi32, #tpu.memory_space<vmem>>
      %dma_start3A_75 = tpu.memref_squeeze %dma_start3A_74 : memref<1x128xi32, #tpu.memory_space<vmem>> -> memref<128xi32, #tpu.memory_space<vmem>>
      %dma_start3A_76 = arith.constant 0 : i32
      %dma_start3A_77 = arith.constant 0 : i32
      %dma_start3A_78 = tpu.memref_slice %arg2[%dma_start3A_76, %dma_start3A_77] : memref<10240x128xf32, #tpu.memory_space<hbm>> -> memref<10240x128xf32, #tpu.memory_space<hbm>>
      tpu.enqueue_indirect_dma source(%dma_start3A_78 : memref<10240x128xf32, #tpu.memory_space<hbm>>) target(%arg11 : memref<128x128xf32, #tpu.memory_space<vmem>>) offsets(%dma_start3A_75 : memref<128xi32, #tpu.memory_space<vmem>>) semaphore(%arg18 : memref<!tpu.dma_semaphore, #tpu.memory_space<semaphore_mem>>)
      %dma_start3A_79 = arith.constant 1 : i32
      %dma_start3A_80 = arith.constant 0 : i32
      %dma_start3A_81 = tpu.memref_slice %arg6[%dma_start3A_79, %dma_start3A_80] : memref<2x128xi32, #tpu.memory_space<vmem>> -> memref<1x128xi32, #tpu.memory_space<vmem>>
      %dma_start3A_82 = tpu.memref_squeeze %dma_start3A_81 : memref<1x128xi32, #tpu.memory_space<vmem>> -> memref<128xi32, #tpu.memory_space<vmem>>
      %dma_start3A_83 = arith.constant 0 : i32
      %dma_start3A_84 = arith.constant 0 : i32
      %dma_start3A_85 = tpu.memref_slice %arg12[%dma_start3A_83, %dma_start3A_84] : memref<10240x128xf32, #tpu.memory_space<vmem_shared>> -> memref<10240x128xf32, #tpu.memory_space<vmem_shared>>
      tpu.enqueue_indirect_dma source(%arg10 : memref<128x128xf32, #tpu.memory_space<vmem>>) target(%dma_start3A_85 : memref<10240x128xf32, #tpu.memory_space<vmem_shared>>) offsets(%dma_start3A_82 : memref<128xi32, #tpu.memory_space<vmem>>) semaphore(%arg19 : memref<!tpu.dma_semaphore, #tpu.memory_space<semaphore_mem>>) {add = true}
      %mul3A_86 = arith.constant 4 : i32
      %mul3A_87 = arith.muli %scan3A_35, %mul3A_86 : i32
      %add3A_88 = arith.constant 1 : i32
      %add3A_89 = arith.addi %mul3A_87, %add3A_88 : i32
      %dma_wait3A_90 = arith.constant 0 : i32
      %dma_wait3A_91 = arith.constant 0 : i32
      %dma_wait3A_92 = tpu.memref_slice %arg7[%dma_wait3A_90, %dma_wait3A_91] : memref<2x128xi32, #tpu.memory_space<vmem>> -> memref<1x128xi32, #tpu.memory_space<vmem>>
      %dma_wait3A_93 = tpu.memref_squeeze %dma_wait3A_92 : memref<1x128xi32, #tpu.memory_space<vmem>> -> memref<128xi32, #tpu.memory_space<vmem>>
      %dma_wait3A_94 = arith.constant 0 : i32
      %dma_wait3A_95 = arith.constant 0 : i32
      %dma_wait3A_96 = tpu.memref_slice %arg2[%dma_wait3A_94, %dma_wait3A_95] : memref<10240x128xf32, #tpu.memory_space<hbm>> -> memref<10240x128xf32, #tpu.memory_space<hbm>>
      tpu.wait_indirect_dma semaphore(%arg18 : memref<!tpu.dma_semaphore, #tpu.memory_space<semaphore_mem>>) src(%dma_wait3A_96 : memref<10240x128xf32, #tpu.memory_space<hbm>>) dst(%arg11 : memref<128x128xf32, #tpu.memory_space<vmem>>)
      %add3A_97 = arith.addi %add3A_18, %add3A_89 : i32
      %add3A_98 = arith.constant 2 : i32
      %add3A_99 = arith.addi %add3A_97, %add3A_98 : i32
      %dma_start3A_100 = arith.constant 0 : i32
      %dma_start3A_101 = arith.constant 0 : i32
      %dma_start3A_102 = tpu.memref_slice %arg3[%add3A_99, %dma_start3A_100, %dma_start3A_101] : memref<2560x2x128xi32, #tpu.memory_space<hbm>> -> memref<1x2x128xi32, #tpu.memory_space<hbm>>
      %dma_start3A_103 = tpu.memref_squeeze %dma_start3A_102 : memref<1x2x128xi32, #tpu.memory_space<hbm>> -> memref<2x128xi32, #tpu.memory_space<hbm>>
      %dma_start3A_104 = arith.constant 0 : i32
      %dma_start3A_105 = arith.constant 0 : i32
      %dma_start3A_106 = tpu.memref_slice %arg3[%add3A_99, %dma_start3A_104, %dma_start3A_105] : memref<2560x2x128xi32, #tpu.memory_space<hbm>> -> memref<1x2x128xi32, #tpu.memory_space<hbm>>
      %dma_start3A_107 = tpu.memref_squeeze %dma_start3A_106 : memref<1x2x128xi32, #tpu.memory_space<hbm>> -> memref<2x128xi32, #tpu.memory_space<hbm>>
      tpu.enqueue_dma source(%dma_start3A_107 : memref<2x128xi32, #tpu.memory_space<hbm>>) target(%arg9 : memref<2x128xi32, #tpu.memory_space<vmem>>) target_semaphore(%arg16 : memref<!tpu.dma_semaphore, #tpu.memory_space<semaphore_mem>>)
      %dma_wait3A_108 = arith.constant 1 : i32
      %dma_wait3A_109 = arith.constant 0 : i32
      %dma_wait3A_110 = tpu.memref_slice %arg6[%dma_wait3A_108, %dma_wait3A_109] : memref<2x128xi32, #tpu.memory_space<vmem>> -> memref<1x128xi32, #tpu.memory_space<vmem>>
      %dma_wait3A_111 = tpu.memref_squeeze %dma_wait3A_110 : memref<1x128xi32, #tpu.memory_space<vmem>> -> memref<128xi32, #tpu.memory_space<vmem>>
      %dma_wait3A_112 = arith.constant 0 : i32
      %dma_wait3A_113 = arith.constant 0 : i32
      %dma_wait3A_114 = tpu.memref_slice %arg12[%dma_wait3A_112, %dma_wait3A_113] : memref<10240x128xf32, #tpu.memory_space<vmem_shared>> -> memref<10240x128xf32, #tpu.memory_space<vmem_shared>>
      tpu.wait_indirect_dma semaphore(%arg19 : memref<!tpu.dma_semaphore, #tpu.memory_space<semaphore_mem>>) src(%arg10 : memref<128x128xf32, #tpu.memory_space<vmem>>) dst(%dma_wait3A_114 : memref<10240x128xf32, #tpu.memory_space<vmem_shared>>)
      %add3A_115 = arith.addi %add3A_18, %add3A_89 : i32
      %add3A_116 = arith.constant 1 : i32
      %add3A_117 = arith.addi %add3A_115, %add3A_116 : i32
      %dma_wait3A_118 = arith.constant 0 : i32
      %dma_wait3A_119 = arith.constant 0 : i32
      %dma_wait3A_120 = tpu.memref_slice %arg3[%add3A_117, %dma_wait3A_118, %dma_wait3A_119] : memref<2560x2x128xi32, #tpu.memory_space<hbm>> -> memref<1x2x128xi32, #tpu.memory_space<hbm>>
      %dma_wait3A_121 = tpu.memref_squeeze %dma_wait3A_120 : memref<1x2x128xi32, #tpu.memory_space<hbm>> -> memref<2x128xi32, #tpu.memory_space<hbm>>
      %dma_wait3A_122 = arith.constant 0 : i32
      %dma_wait3A_123 = arith.constant 0 : i32
      %dma_wait3A_124 = tpu.memref_slice %arg3[%add3A_117, %dma_wait3A_122, %dma_wait3A_123] : memref<2560x2x128xi32, #tpu.memory_space<hbm>> -> memref<1x2x128xi32, #tpu.memory_space<hbm>>
      %dma_wait3A_125 = tpu.memref_squeeze %dma_wait3A_124 : memref<1x2x128xi32, #tpu.memory_space<hbm>> -> memref<2x128xi32, #tpu.memory_space<hbm>>
      tpu.wait_dma2 semaphore(%arg15 : memref<!tpu.dma_semaphore, #tpu.memory_space<semaphore_mem>>) src(%dma_wait3A_125 : memref<2x128xi32, #tpu.memory_space<hbm>>) dst(%arg8 : memref<2x128xi32, #tpu.memory_space<vmem>>)
      %dma_start3A_126 = arith.constant 0 : i32
      %dma_start3A_127 = arith.constant 0 : i32
      %dma_start3A_128 = tpu.memref_slice %arg8[%dma_start3A_126, %dma_start3A_127] : memref<2x128xi32, #tpu.memory_space<vmem>> -> memref<1x128xi32, #tpu.memory_space<vmem>>
      %dma_start3A_129 = tpu.memref_squeeze %dma_start3A_128 : memref<1x128xi32, #tpu.memory_space<vmem>> -> memref<128xi32, #tpu.memory_space<vmem>>
      %dma_start3A_130 = arith.constant 0 : i32
      %dma_start3A_131 = arith.constant 0 : i32
      %dma_start3A_132 = tpu.memref_slice %arg2[%dma_start3A_130, %dma_start3A_131] : memref<10240x128xf32, #tpu.memory_space<hbm>> -> memref<10240x128xf32, #tpu.memory_space<hbm>>
      tpu.enqueue_indirect_dma source(%dma_start3A_132 : memref<10240x128xf32, #tpu.memory_space<hbm>>) target(%arg10 : memref<128x128xf32, #tpu.memory_space<vmem>>) offsets(%dma_start3A_129 : memref<128xi32, #tpu.memory_space<vmem>>) semaphore(%arg17 : memref<!tpu.dma_semaphore, #tpu.memory_space<semaphore_mem>>)
      %dma_start3A_133 = arith.constant 1 : i32
      %dma_start3A_134 = arith.constant 0 : i32
      %dma_start3A_135 = tpu.memref_slice %arg7[%dma_start3A_133, %dma_start3A_134] : memref<2x128xi32, #tpu.memory_space<vmem>> -> memref<1x128xi32, #tpu.memory_space<vmem>>
      %dma_start3A_136 = tpu.memref_squeeze %dma_start3A_135 : memref<1x128xi32, #tpu.memory_space<vmem>> -> memref<128xi32, #tpu.memory_space<vmem>>
      %dma_start3A_137 = arith.constant 0 : i32
      %dma_start3A_138 = arith.constant 0 : i32
      %dma_start3A_139 = tpu.memref_slice %arg12[%dma_start3A_137, %dma_start3A_138] : memref<10240x128xf32, #tpu.memory_space<vmem_shared>> -> memref<10240x128xf32, #tpu.memory_space<vmem_shared>>
      tpu.enqueue_indirect_dma source(%arg11 : memref<128x128xf32, #tpu.memory_space<vmem>>) target(%dma_start3A_139 : memref<10240x128xf32, #tpu.memory_space<vmem_shared>>) offsets(%dma_start3A_136 : memref<128xi32, #tpu.memory_space<vmem>>) semaphore(%arg20 : memref<!tpu.dma_semaphore, #tpu.memory_space<semaphore_mem>>) {add = true}
      %mul3A_140 = arith.constant 4 : i32
      %mul3A_141 = arith.muli %scan3A_35, %mul3A_140 : i32
      %add3A_142 = arith.constant 2 : i32
      %add3A_143 = arith.addi %mul3A_141, %add3A_142 : i32
      %dma_wait3A_144 = arith.constant 0 : i32
      %dma_wait3A_145 = arith.constant 0 : i32
      %dma_wait3A_146 = tpu.memref_slice %arg8[%dma_wait3A_144, %dma_wait3A_145] : memref<2x128xi32, #tpu.memory_space<vmem>> -> memref<1x128xi32, #tpu.memory_space<vmem>>
      %dma_wait3A_147 = tpu.memref_squeeze %dma_wait3A_146 : memref<1x128xi32, #tpu.memory_space<vmem>> -> memref<128xi32, #tpu.memory_space<vmem>>
      %dma_wait3A_148 = arith.constant 0 : i32
      %dma_wait3A_149 = arith.constant 0 : i32
      %dma_wait3A_150 = tpu.memref_slice %arg2[%dma_wait3A_148, %dma_wait3A_149] : memref<10240x128xf32, #tpu.memory_space<hbm>> -> memref<10240x128xf32, #tpu.memory_space<hbm>>
      tpu.wait_indirect_dma semaphore(%arg17 : memref<!tpu.dma_semaphore, #tpu.memory_space<semaphore_mem>>) src(%dma_wait3A_150 : memref<10240x128xf32, #tpu.memory_space<hbm>>) dst(%arg10 : memref<128x128xf32, #tpu.memory_space<vmem>>)
      %lt3A = arith.constant 0 : i32
      %lt3A_151 = arith.cmpi slt, %scan3A_35, %lt3A : i32
      %convert_element_type3A_152 = arith.extui %lt3A_151 : i1 to i32
      %cond3A_153 = arith.constant 0 : i32
      %cond3A_154 = arith.cmpi ne, %convert_element_type3A_152, %cond3A_153 : i32
      scf.if %cond3A_154 {
        %add3A_230 = arith.addi %add3A_18, %add3A_143 : i32
        %add3A_231 = arith.constant 2 : i32
        %add3A_232 = arith.addi %add3A_230, %add3A_231 : i32
        %dma_start3A_233 = arith.constant 0 : i32
        %dma_start3A_234 = arith.constant 0 : i32
        %dma_start3A_235 = tpu.memref_slice %arg3[%add3A_232, %dma_start3A_233, %dma_start3A_234] : memref<2560x2x128xi32, #tpu.memory_space<hbm>> -> memref<1x2x128xi32, #tpu.memory_space<hbm>>
        %dma_start3A_236 = tpu.memref_squeeze %dma_start3A_235 : memref<1x2x128xi32, #tpu.memory_space<hbm>> -> memref<2x128xi32, #tpu.memory_space<hbm>>
        %dma_start3A_237 = arith.constant 0 : i32
        %dma_start3A_238 = arith.constant 0 : i32
        %dma_start3A_239 = tpu.memref_slice %arg3[%add3A_232, %dma_start3A_237, %dma_start3A_238] : memref<2560x2x128xi32, #tpu.memory_space<hbm>> -> memref<1x2x128xi32, #tpu.memory_space<hbm>>
        %dma_start3A_240 = tpu.memref_squeeze %dma_start3A_239 : memref<1x2x128xi32, #tpu.memory_space<hbm>> -> memref<2x128xi32, #tpu.memory_space<hbm>>
        tpu.enqueue_dma source(%dma_start3A_240 : memref<2x128xi32, #tpu.memory_space<hbm>>) target(%arg6 : memref<2x128xi32, #tpu.memory_space<vmem>>) target_semaphore(%arg13 : memref<!tpu.dma_semaphore, #tpu.memory_space<semaphore_mem>>)
      } else {
      }
      %dma_wait3A_155 = arith.constant 1 : i32
      %dma_wait3A_156 = arith.constant 0 : i32
      %dma_wait3A_157 = tpu.memref_slice %arg7[%dma_wait3A_155, %dma_wait3A_156] : memref<2x128xi32, #tpu.memory_space<vmem>> -> memref<1x128xi32, #tpu.memory_space<vmem>>
      %dma_wait3A_158 = tpu.memref_squeeze %dma_wait3A_157 : memref<1x128xi32, #tpu.memory_space<vmem>> -> memref<128xi32, #tpu.memory_space<vmem>>
      %dma_wait3A_159 = arith.constant 0 : i32
      %dma_wait3A_160 = arith.constant 0 : i32
      %dma_wait3A_161 = tpu.memref_slice %arg12[%dma_wait3A_159, %dma_wait3A_160] : memref<10240x128xf32, #tpu.memory_space<vmem_shared>> -> memref<10240x128xf32, #tpu.memory_space<vmem_shared>>
      tpu.wait_indirect_dma semaphore(%arg20 : memref<!tpu.dma_semaphore, #tpu.memory_space<semaphore_mem>>) src(%arg11 : memref<128x128xf32, #tpu.memory_space<vmem>>) dst(%dma_wait3A_161 : memref<10240x128xf32, #tpu.memory_space<vmem_shared>>)
      %add3A_162 = arith.addi %add3A_18, %add3A_143 : i32
      %add3A_163 = arith.constant 1 : i32
      %add3A_164 = arith.addi %add3A_162, %add3A_163 : i32
      %dma_wait3A_165 = arith.constant 0 : i32
      %dma_wait3A_166 = arith.constant 0 : i32
      %dma_wait3A_167 = tpu.memref_slice %arg3[%add3A_164, %dma_wait3A_165, %dma_wait3A_166] : memref<2560x2x128xi32, #tpu.memory_space<hbm>> -> memref<1x2x128xi32, #tpu.memory_space<hbm>>
      %dma_wait3A_168 = tpu.memref_squeeze %dma_wait3A_167 : memref<1x2x128xi32, #tpu.memory_space<hbm>> -> memref<2x128xi32, #tpu.memory_space<hbm>>
      %dma_wait3A_169 = arith.constant 0 : i32
      %dma_wait3A_170 = arith.constant 0 : i32
      %dma_wait3A_171 = tpu.memref_slice %arg3[%add3A_164, %dma_wait3A_169, %dma_wait3A_170] : memref<2560x2x128xi32, #tpu.memory_space<hbm>> -> memref<1x2x128xi32, #tpu.memory_space<hbm>>
      %dma_wait3A_172 = tpu.memref_squeeze %dma_wait3A_171 : memref<1x2x128xi32, #tpu.memory_space<hbm>> -> memref<2x128xi32, #tpu.memory_space<hbm>>
      tpu.wait_dma2 semaphore(%arg16 : memref<!tpu.dma_semaphore, #tpu.memory_space<semaphore_mem>>) src(%dma_wait3A_172 : memref<2x128xi32, #tpu.memory_space<hbm>>) dst(%arg9 : memref<2x128xi32, #tpu.memory_space<vmem>>)
      %dma_start3A_173 = arith.constant 0 : i32
      %dma_start3A_174 = arith.constant 0 : i32
      %dma_start3A_175 = tpu.memref_slice %arg9[%dma_start3A_173, %dma_start3A_174] : memref<2x128xi32, #tpu.memory_space<vmem>> -> memref<1x128xi32, #tpu.memory_space<vmem>>
      %dma_start3A_176 = tpu.memref_squeeze %dma_start3A_175 : memref<1x128xi32, #tpu.memory_space<vmem>> -> memref<128xi32, #tpu.memory_space<vmem>>
      %dma_start3A_177 = arith.constant 0 : i32
      %dma_start3A_178 = arith.constant 0 : i32
      %dma_start3A_179 = tpu.memref_slice %arg2[%dma_start3A_177, %dma_start3A_178] : memref<10240x128xf32, #tpu.memory_space<hbm>> -> memref<10240x128xf32, #tpu.memory_space<hbm>>
      tpu.enqueue_indirect_dma source(%dma_start3A_179 : memref<10240x128xf32, #tpu.memory_space<hbm>>) target(%arg11 : memref<128x128xf32, #tpu.memory_space<vmem>>) offsets(%dma_start3A_176 : memref<128xi32, #tpu.memory_space<vmem>>) semaphore(%arg18 : memref<!tpu.dma_semaphore, #tpu.memory_space<semaphore_mem>>)
      %dma_start3A_180 = arith.constant 1 : i32
      %dma_start3A_181 = arith.constant 0 : i32
      %dma_start3A_182 = tpu.memref_slice %arg8[%dma_start3A_180, %dma_start3A_181] : memref<2x128xi32, #tpu.memory_space<vmem>> -> memref<1x128xi32, #tpu.memory_space<vmem>>
      %dma_start3A_183 = tpu.memref_squeeze %dma_start3A_182 : memref<1x128xi32, #tpu.memory_space<vmem>> -> memref<128xi32, #tpu.memory_space<vmem>>
      %dma_start3A_184 = arith.constant 0 : i32
      %dma_start3A_185 = arith.constant 0 : i32
      %dma_start3A_186 = tpu.memref_slice %arg12[%dma_start3A_184, %dma_start3A_185] : memref<10240x128xf32, #tpu.memory_space<vmem_shared>> -> memref<10240x128xf32, #tpu.memory_space<vmem_shared>>
      tpu.enqueue_indirect_dma source(%arg10 : memref<128x128xf32, #tpu.memory_space<vmem>>) target(%dma_start3A_186 : memref<10240x128xf32, #tpu.memory_space<vmem_shared>>) offsets(%dma_start3A_183 : memref<128xi32, #tpu.memory_space<vmem>>) semaphore(%arg19 : memref<!tpu.dma_semaphore, #tpu.memory_space<semaphore_mem>>) {add = true}
      %mul3A_187 = arith.constant 4 : i32
      %mul3A_188 = arith.muli %scan3A_35, %mul3A_187 : i32
      %add3A_189 = arith.constant 3 : i32
      %add3A_190 = arith.addi %mul3A_188, %add3A_189 : i32
      %dma_wait3A_191 = arith.constant 0 : i32
      %dma_wait3A_192 = arith.constant 0 : i32
      %dma_wait3A_193 = tpu.memref_slice %arg9[%dma_wait3A_191, %dma_wait3A_192] : memref<2x128xi32, #tpu.memory_space<vmem>> -> memref<1x128xi32, #tpu.memory_space<vmem>>
      %dma_wait3A_194 = tpu.memref_squeeze %dma_wait3A_193 : memref<1x128xi32, #tpu.memory_space<vmem>> -> memref<128xi32, #tpu.memory_space<vmem>>
      %dma_wait3A_195 = arith.constant 0 : i32
      %dma_wait3A_196 = arith.constant 0 : i32
      %dma_wait3A_197 = tpu.memref_slice %arg2[%dma_wait3A_195, %dma_wait3A_196] : memref<10240x128xf32, #tpu.memory_space<hbm>> -> memref<10240x128xf32, #tpu.memory_space<hbm>>
      tpu.wait_indirect_dma semaphore(%arg18 : memref<!tpu.dma_semaphore, #tpu.memory_space<semaphore_mem>>) src(%dma_wait3A_197 : memref<10240x128xf32, #tpu.memory_space<hbm>>) dst(%arg11 : memref<128x128xf32, #tpu.memory_space<vmem>>)
      %lt3A_198 = arith.constant 0 : i32
      %lt3A_199 = arith.cmpi slt, %scan3A_35, %lt3A_198 : i32
      %convert_element_type3A_200 = arith.extui %lt3A_199 : i1 to i32
      %cond3A_201 = arith.constant 0 : i32
      %cond3A_202 = arith.cmpi ne, %convert_element_type3A_200, %cond3A_201 : i32
      scf.if %cond3A_202 {
        %add3A_230 = arith.addi %add3A_18, %add3A_190 : i32
        %add3A_231 = arith.constant 2 : i32
        %add3A_232 = arith.addi %add3A_230, %add3A_231 : i32
        %dma_start3A_233 = arith.constant 0 : i32
        %dma_start3A_234 = arith.constant 0 : i32
        %dma_start3A_235 = tpu.memref_slice %arg3[%add3A_232, %dma_start3A_233, %dma_start3A_234] : memref<2560x2x128xi32, #tpu.memory_space<hbm>> -> memref<1x2x128xi32, #tpu.memory_space<hbm>>
        %dma_start3A_236 = tpu.memref_squeeze %dma_start3A_235 : memref<1x2x128xi32, #tpu.memory_space<hbm>> -> memref<2x128xi32, #tpu.memory_space<hbm>>
        %dma_start3A_237 = arith.constant 0 : i32
        %dma_start3A_238 = arith.constant 0 : i32
        %dma_start3A_239 = tpu.memref_slice %arg3[%add3A_232, %dma_start3A_237, %dma_start3A_238] : memref<2560x2x128xi32, #tpu.memory_space<hbm>> -> memref<1x2x128xi32, #tpu.memory_space<hbm>>
        %dma_start3A_240 = tpu.memref_squeeze %dma_start3A_239 : memref<1x2x128xi32, #tpu.memory_space<hbm>> -> memref<2x128xi32, #tpu.memory_space<hbm>>
        tpu.enqueue_dma source(%dma_start3A_240 : memref<2x128xi32, #tpu.memory_space<hbm>>) target(%arg7 : memref<2x128xi32, #tpu.memory_space<vmem>>) target_semaphore(%arg14 : memref<!tpu.dma_semaphore, #tpu.memory_space<semaphore_mem>>)
      } else {
      }
      %dma_wait3A_203 = arith.constant 1 : i32
      %dma_wait3A_204 = arith.constant 0 : i32
      %dma_wait3A_205 = tpu.memref_slice %arg8[%dma_wait3A_203, %dma_wait3A_204] : memref<2x128xi32, #tpu.memory_space<vmem>> -> memref<1x128xi32, #tpu.memory_space<vmem>>
      %dma_wait3A_206 = tpu.memref_squeeze %dma_wait3A_205 : memref<1x128xi32, #tpu.memory_space<vmem>> -> memref<128xi32, #tpu.memory_space<vmem>>
      %dma_wait3A_207 = arith.constant 0 : i32
      %dma_wait3A_208 = arith.constant 0 : i32
      %dma_wait3A_209 = tpu.memref_slice %arg12[%dma_wait3A_207, %dma_wait3A_208] : memref<10240x128xf32, #tpu.memory_space<vmem_shared>> -> memref<10240x128xf32, #tpu.memory_space<vmem_shared>>
      tpu.wait_indirect_dma semaphore(%arg19 : memref<!tpu.dma_semaphore, #tpu.memory_space<semaphore_mem>>) src(%arg10 : memref<128x128xf32, #tpu.memory_space<vmem>>) dst(%dma_wait3A_209 : memref<10240x128xf32, #tpu.memory_space<vmem_shared>>)
      %lt3A_210 = arith.constant 0 : i32
      %lt3A_211 = arith.cmpi slt, %scan3A_35, %lt3A_210 : i32
      %convert_element_type3A_212 = arith.extui %lt3A_211 : i1 to i32
      %cond3A_213 = arith.constant 0 : i32
      %cond3A_214 = arith.cmpi ne, %convert_element_type3A_212, %cond3A_213 : i32
      scf.if %cond3A_214 {
        %add3A_230 = arith.addi %add3A_18, %add3A_190 : i32
        %add3A_231 = arith.constant 1 : i32
        %add3A_232 = arith.addi %add3A_230, %add3A_231 : i32
        %dma_wait3A_233 = arith.constant 0 : i32
        %dma_wait3A_234 = arith.constant 0 : i32
        %dma_wait3A_235 = tpu.memref_slice %arg3[%add3A_232, %dma_wait3A_233, %dma_wait3A_234] : memref<2560x2x128xi32, #tpu.memory_space<hbm>> -> memref<1x2x128xi32, #tpu.memory_space<hbm>>
        %dma_wait3A_236 = tpu.memref_squeeze %dma_wait3A_235 : memref<1x2x128xi32, #tpu.memory_space<hbm>> -> memref<2x128xi32, #tpu.memory_space<hbm>>
        %dma_wait3A_237 = arith.constant 0 : i32
        %dma_wait3A_238 = arith.constant 0 : i32
        %dma_wait3A_239 = tpu.memref_slice %arg3[%add3A_232, %dma_wait3A_237, %dma_wait3A_238] : memref<2560x2x128xi32, #tpu.memory_space<hbm>> -> memref<1x2x128xi32, #tpu.memory_space<hbm>>
        %dma_wait3A_240 = tpu.memref_squeeze %dma_wait3A_239 : memref<1x2x128xi32, #tpu.memory_space<hbm>> -> memref<2x128xi32, #tpu.memory_space<hbm>>
        tpu.wait_dma2 semaphore(%arg13 : memref<!tpu.dma_semaphore, #tpu.memory_space<semaphore_mem>>) src(%dma_wait3A_240 : memref<2x128xi32, #tpu.memory_space<hbm>>) dst(%arg6 : memref<2x128xi32, #tpu.memory_space<vmem>>)
        %dma_start3A_241 = arith.constant 0 : i32
        %dma_start3A_242 = arith.constant 0 : i32
        %dma_start3A_243 = tpu.memref_slice %arg6[%dma_start3A_241, %dma_start3A_242] : memref<2x128xi32, #tpu.memory_space<vmem>> -> memref<1x128xi32, #tpu.memory_space<vmem>>
        %dma_start3A_244 = tpu.memref_squeeze %dma_start3A_243 : memref<1x128xi32, #tpu.memory_space<vmem>> -> memref<128xi32, #tpu.memory_space<vmem>>
        %dma_start3A_245 = arith.constant 0 : i32
        %dma_start3A_246 = arith.constant 0 : i32
        %dma_start3A_247 = tpu.memref_slice %arg2[%dma_start3A_245, %dma_start3A_246] : memref<10240x128xf32, #tpu.memory_space<hbm>> -> memref<10240x128xf32, #tpu.memory_space<hbm>>
        tpu.enqueue_indirect_dma source(%dma_start3A_247 : memref<10240x128xf32, #tpu.memory_space<hbm>>) target(%arg10 : memref<128x128xf32, #tpu.memory_space<vmem>>) offsets(%dma_start3A_244 : memref<128xi32, #tpu.memory_space<vmem>>) semaphore(%arg17 : memref<!tpu.dma_semaphore, #tpu.memory_space<semaphore_mem>>)
      } else {
      }
      %dma_start3A_215 = arith.constant 1 : i32
      %dma_start3A_216 = arith.constant 0 : i32
      %dma_start3A_217 = tpu.memref_slice %arg9[%dma_start3A_215, %dma_start3A_216] : memref<2x128xi32, #tpu.memory_space<vmem>> -> memref<1x128xi32, #tpu.memory_space<vmem>>
      %dma_start3A_218 = tpu.memref_squeeze %dma_start3A_217 : memref<1x128xi32, #tpu.memory_space<vmem>> -> memref<128xi32, #tpu.memory_space<vmem>>
      %dma_start3A_219 = arith.constant 0 : i32
      %dma_start3A_220 = arith.constant 0 : i32
      %dma_start3A_221 = tpu.memref_slice %arg12[%dma_start3A_219, %dma_start3A_220] : memref<10240x128xf32, #tpu.memory_space<vmem_shared>> -> memref<10240x128xf32, #tpu.memory_space<vmem_shared>>
      tpu.enqueue_indirect_dma source(%arg11 : memref<128x128xf32, #tpu.memory_space<vmem>>) target(%dma_start3A_221 : memref<10240x128xf32, #tpu.memory_space<vmem_shared>>) offsets(%dma_start3A_218 : memref<128xi32, #tpu.memory_space<vmem>>) semaphore(%arg20 : memref<!tpu.dma_semaphore, #tpu.memory_space<semaphore_mem>>) {add = true}
      %scan3A_222 = arith.constant 1 : i32
      %dma_wait3A_223 = arith.constant 1 : i32
      %dma_wait3A_224 = arith.constant 0 : i32
      %dma_wait3A_225 = tpu.memref_slice %arg9[%dma_wait3A_223, %dma_wait3A_224] : memref<2x128xi32, #tpu.memory_space<vmem>> -> memref<1x128xi32, #tpu.memory_space<vmem>>
      %dma_wait3A_226 = tpu.memref_squeeze %dma_wait3A_225 : memref<1x128xi32, #tpu.memory_space<vmem>> -> memref<128xi32, #tpu.memory_space<vmem>>
      %dma_wait3A_227 = arith.constant 0 : i32
      %dma_wait3A_228 = arith.constant 0 : i32
      %dma_wait3A_229 = tpu.memref_slice %arg12[%dma_wait3A_227, %dma_wait3A_228] : memref<10240x128xf32, #tpu.memory_space<vmem_shared>> -> memref<10240x128xf32, #tpu.memory_space<vmem_shared>>
      tpu.wait_indirect_dma semaphore(%arg20 : memref<!tpu.dma_semaphore, #tpu.memory_space<semaphore_mem>>) src(%arg11 : memref<128x128xf32, #tpu.memory_space<vmem>>) dst(%dma_wait3A_229 : memref<10240x128xf32, #tpu.memory_space<vmem_shared>>)
    } else {
    }
    %barrier3A_8 = arith.constant 0 : index
    tpu.barrier barrier_id(%barrier3A_8)
    %mul3A_9 = arith.constant 640 : i32
    %mul3A_10 = arith.muli %arg1, %mul3A_9 : i32
    %mul3A_11 = arith.constant 10240 : i32
    %mul3A_12 = arith.muli %arg0, %mul3A_11 : i32
    %mul3A_13 = arith.constant 640 : i32
    %mul3A_14 = arith.muli %arg1, %mul3A_13 : i32
    %add3A = arith.addi %mul3A_12, %mul3A_14 : i32
    "tpu.region"() ({
      %run_scoped3A = tpu.sem_alloc : memref<!tpu.dma_semaphore, #tpu.memory_space<semaphore_mem>>
      %dma_start3A = arith.constant 0 : i32
      %dma_start3A_15 = tpu.memref_slice %arg5[%add3A, %dma_start3A] : memref<20480x128xf32, #tpu.memory_space<hbm>> -> memref<640x128xf32, #tpu.memory_space<hbm>>
      %dma_start3A_16 = arith.constant 0 : i32
      %dma_start3A_17 = tpu.memref_slice %arg12[%mul3A_10, %dma_start3A_16] : memref<10240x128xf32, #tpu.memory_space<vmem_shared>> -> memref<640x128xf32, #tpu.memory_space<vmem_shared>>
      tpu.enqueue_dma source(%dma_start3A_17 : memref<640x128xf32, #tpu.memory_space<vmem_shared>>) target(%dma_start3A_15 : memref<640x128xf32, #tpu.memory_space<hbm>>) target_semaphore(%run_scoped3A : memref<!tpu.dma_semaphore, #tpu.memory_space<semaphore_mem>>)
      %dma_wait3A = arith.constant 0 : i32
      %dma_wait3A_18 = tpu.memref_slice %arg5[%add3A, %dma_wait3A] : memref<20480x128xf32, #tpu.memory_space<hbm>> -> memref<640x128xf32, #tpu.memory_space<hbm>>
      %dma_wait3A_19 = arith.constant 0 : i32
      %dma_wait3A_20 = tpu.memref_slice %arg12[%mul3A_10, %dma_wait3A_19] : memref<10240x128xf32, #tpu.memory_space<vmem_shared>> -> memref<640x128xf32, #tpu.memory_space<vmem_shared>>
      tpu.wait_dma2 semaphore(%run_scoped3A : memref<!tpu.dma_semaphore, #tpu.memory_space<semaphore_mem>>) src(%dma_wait3A_20 : memref<640x128xf32, #tpu.memory_space<vmem_shared>>) dst(%dma_wait3A_18 : memref<640x128xf32, #tpu.memory_space<hbm>>)
      tpu.yield
    }) : () -> ()
    return
  }
}

module attributes {stable_mosaic.version = 14 : i64} {
  func.func @_tc_prep_body(%arg0: i32, %arg1: memref<1280x128xf32, #tpu.memory_space<vmem>>, %arg2: memref<128x128xf32, #tpu.memory_space<vmem>>, %arg3: memref<1280x1xf32, #tpu.memory_space<vmem>>, %arg4: memref<1280x1xf32, #tpu.memory_space<vmem>>, %arg5: memref<1280x128xf32, #tpu.memory_space<vmem>>, %arg6: memref<1280x128xf32, #tpu.memory_space<vmem>>) attributes {dimension_semantics = [#tpu.dimension_semantics<arbitrary>], iteration_bounds = array<i64: 8>, scalar_prefetch = 0 : i64, scratch_operands = 0 : i64, tpu.core_type = #tpu.core_type<tc>, window_params = [{transform_indices = @transform_0, window_bounds = array<i64: 1280, 128>}, {pipeline_mode = #tpu.pipeline_mode<synchronous>, transform_indices = @transform_1, window_bounds = array<i64: 128, 128>}, {transform_indices = @transform_2, window_bounds = array<i64: 1280, 1>}, {transform_indices = @transform_3, window_bounds = array<i64: 1280, 1>}, {transform_indices = @transform_4, window_bounds = array<i64: 1280, 128>}, {transform_indices = @transform_5, window_bounds = array<i64: 1280, 128>}]} {
    %get3A = arith.constant 0 : index
    %get3A_0 = arith.constant 0 : index
    %get3A_1 = vector.load %arg3[%get3A, %get3A_0] : memref<1280x1xf32, #tpu.memory_space<vmem>>, vector<1280x1xf32>
    %get3A_2 = arith.constant 0 : index
    %get3A_3 = arith.constant 0 : index
    %get3A_4 = vector.load %arg4[%get3A_2, %get3A_3] : memref<1280x1xf32, #tpu.memory_space<vmem>>, vector<1280x1xf32>
    %add3A = arith.addf %get3A_1, %get3A_4 : vector<1280x1xf32>
    %max3A = arith.constant 1.000000e+00 : f32
    %max3A_5 = vector.broadcast %max3A : f32 to vector<1280x1xf32>
    %max3A_6 = arith.maximumf %add3A, %max3A_5 : vector<1280x1xf32>
    %rsqrt3A = math.rsqrt %max3A_6 : vector<1280x1xf32>
    %get3A_7 = arith.constant 0 : index
    %get3A_8 = arith.constant 0 : index
    %get3A_9 = vector.load %arg1[%get3A_7, %get3A_8] : memref<1280x128xf32, #tpu.memory_space<vmem>>, vector<1280x128xf32>
    %get3A_10 = arith.constant 0 : index
    %get3A_11 = arith.constant 0 : index
    %get3A_12 = vector.load %arg2[%get3A_10, %get3A_11] : memref<128x128xf32, #tpu.memory_space<vmem>>, vector<128x128xf32>
    %dot_general3A = arith.constant dense<0.000000e+00> : vector<1280x128xf32>
    %dot_general3A_13 = tpu.matmul %get3A_9, %get3A_12, %dot_general3A {dimension_numbers = #tpu.dot_dimension_numbers<[1], [1], [0], [0], [0, 0, 1, 0], [], []>, transpose_lhs_hint = false} : vector<1280x128xf32>, vector<128x128xf32>, vector<1280x128xf32> -> vector<1280x128xf32>
    %mul3A = vector.broadcast %rsqrt3A : vector<1280x1xf32> to vector<1280x128xf32>
    %mul3A_14 = arith.mulf %dot_general3A_13, %mul3A : vector<1280x128xf32>
    %swap3A = arith.constant 0 : index
    %swap3A_15 = arith.constant 0 : index
    %swap3A_16 = vector.load %arg5[%swap3A, %swap3A_15] : memref<1280x128xf32, #tpu.memory_space<vmem>>, vector<1280x128xf32>
    tpu.vector_store %arg5[%swap3A, %swap3A_15], %mul3A_14 {strides = array<i32>} : memref<1280x128xf32, #tpu.memory_space<vmem>>, vector<1280x128xf32>,
    %mul3A_17 = arith.mulf %rsqrt3A, %rsqrt3A : vector<1280x1xf32>
    %mul3A_18 = vector.broadcast %mul3A_17 : vector<1280x1xf32> to vector<1280x128xf32>
    %mul3A_19 = arith.mulf %dot_general3A_13, %mul3A_18 : vector<1280x128xf32>
    %swap3A_20 = arith.constant 0 : index
    %swap3A_21 = arith.constant 0 : index
    %swap3A_22 = vector.load %arg6[%swap3A_20, %swap3A_21] : memref<1280x128xf32, #tpu.memory_space<vmem>>, vector<1280x128xf32>
    tpu.vector_store %arg6[%swap3A_20, %swap3A_21], %mul3A_19 {strides = array<i32>} : memref<1280x128xf32, #tpu.memory_space<vmem>>, vector<1280x128xf32>,
    return
  }
  func.func @transform_0(%arg0: i32) -> (i32, i32) {
    %c0_i32 = arith.constant 0 : i32
    %c0_i32_0 = arith.constant 0 : i32
    return %arg0, %c0_i32 : i32, i32
  }
  func.func @transform_1(%arg0: i32) -> (i32, i32) {
    %c0_i32 = arith.constant 0 : i32
    %c0_i32_0 = arith.constant 0 : i32
    %c0_i32_1 = arith.constant 0 : i32
    return %c0_i32, %c0_i32_0 : i32, i32
  }
  func.func @transform_2(%arg0: i32) -> (i32, i32) {
    %c0_i32 = arith.constant 0 : i32
    %c0_i32_0 = arith.constant 0 : i32
    return %arg0, %c0_i32 : i32, i32
  }
  func.func @transform_3(%arg0: i32) -> (i32, i32) {
    %c0_i32 = arith.constant 0 : i32
    %c0_i32_0 = arith.constant 0 : i32
    return %arg0, %c0_i32 : i32, i32
  }
  func.func @transform_4(%arg0: i32) -> (i32, i32) {
    %c0_i32 = arith.constant 0 : i32
    %c0_i32_0 = arith.constant 0 : i32
    return %arg0, %c0_i32 : i32, i32
  }
  func.func @transform_5(%arg0: i32) -> (i32, i32) {
    %c0_i32 = arith.constant 0 : i32
    %c0_i32_0 = arith.constant 0 : i32
    return %arg0, %c0_i32 : i32, i32
  }
}

module attributes {stable_mosaic.version = 14 : i64} {
  func.func @_tc_comb_body(%arg0: i32, %arg1: memref<1280x128xf32, #tpu.memory_space<vmem>>, %arg2: memref<1280x128xf32, #tpu.memory_space<vmem>>, %arg3: memref<1280x128xf32, #tpu.memory_space<vmem>>, %arg4: memref<1280x1xf32, #tpu.memory_space<vmem>>, %arg5: memref<1280x1xf32, #tpu.memory_space<vmem>>, %arg6: memref<1280x128xf32, #tpu.memory_space<vmem>>, %arg7: memref<1280x128xf32, #tpu.memory_space<vmem>>) attributes {dimension_semantics = [#tpu.dimension_semantics<arbitrary>], iteration_bounds = array<i64: 8>, scalar_prefetch = 0 : i64, scratch_operands = 0 : i64, tpu.core_type = #tpu.core_type<tc>, window_params = [{transform_indices = @transform_0, window_bounds = array<i64: 1280, 128>}, {transform_indices = @transform_1, window_bounds = array<i64: 1280, 128>}, {transform_indices = @transform_2, window_bounds = array<i64: 1280, 128>}, {transform_indices = @transform_3, window_bounds = array<i64: 1280, 1>}, {transform_indices = @transform_4, window_bounds = array<i64: 1280, 1>}, {transform_indices = @transform_5, window_bounds = array<i64: 1280, 128>}, {transform_indices = @transform_6, window_bounds = array<i64: 1280, 128>}]} {
    %get3A = arith.constant 0 : index
    %get3A_0 = arith.constant 0 : index
    %get3A_1 = vector.load %arg4[%get3A, %get3A_0] : memref<1280x1xf32, #tpu.memory_space<vmem>>, vector<1280x1xf32>
    %get3A_2 = arith.constant 0 : index
    %get3A_3 = arith.constant 0 : index
    %get3A_4 = vector.load %arg5[%get3A_2, %get3A_3] : memref<1280x1xf32, #tpu.memory_space<vmem>>, vector<1280x1xf32>
    %add3A = arith.addf %get3A_1, %get3A_4 : vector<1280x1xf32>
    %max3A = arith.constant 1.000000e+00 : f32
    %max3A_5 = vector.broadcast %max3A : f32 to vector<1280x1xf32>
    %max3A_6 = arith.maximumf %add3A, %max3A_5 : vector<1280x1xf32>
    %rsqrt3A = math.rsqrt %max3A_6 : vector<1280x1xf32>
    %get3A_7 = arith.constant 0 : index
    %get3A_8 = arith.constant 0 : index
    %get3A_9 = vector.load %arg1[%get3A_7, %get3A_8] : memref<1280x128xf32, #tpu.memory_space<vmem>>, vector<1280x128xf32>
    %get3A_10 = arith.constant 0 : index
    %get3A_11 = arith.constant 0 : index
    %get3A_12 = vector.load %arg2[%get3A_10, %get3A_11] : memref<1280x128xf32, #tpu.memory_space<vmem>>, vector<1280x128xf32>
    %add3A_13 = arith.addf %get3A_9, %get3A_12 : vector<1280x128xf32>
    %mul3A = vector.broadcast %rsqrt3A : vector<1280x1xf32> to vector<1280x128xf32>
    %mul3A_14 = arith.mulf %mul3A, %add3A_13 : vector<1280x128xf32>
    %get3A_15 = arith.constant 0 : index
    %get3A_16 = arith.constant 0 : index
    %get3A_17 = vector.load %arg3[%get3A_15, %get3A_16] : memref<1280x128xf32, #tpu.memory_space<vmem>>, vector<1280x128xf32>
    %add3A_18 = arith.addf %mul3A_14, %get3A_17 : vector<1280x128xf32>
    %swap3A = arith.constant 0 : index
    %swap3A_19 = arith.constant 0 : index
    %swap3A_20 = vector.load %arg6[%swap3A, %swap3A_19] : memref<1280x128xf32, #tpu.memory_space<vmem>>, vector<1280x128xf32>
    tpu.vector_store %arg6[%swap3A, %swap3A_19], %add3A_18 {strides = array<i32>} : memref<1280x128xf32, #tpu.memory_space<vmem>>, vector<1280x128xf32>,
    %mul3A_21 = vector.broadcast %rsqrt3A : vector<1280x1xf32> to vector<1280x128xf32>
    %mul3A_22 = arith.mulf %add3A_18, %mul3A_21 : vector<1280x128xf32>
    %swap3A_23 = arith.constant 0 : index
    %swap3A_24 = arith.constant 0 : index
    %swap3A_25 = vector.load %arg7[%swap3A_23, %swap3A_24] : memref<1280x128xf32, #tpu.memory_space<vmem>>, vector<1280x128xf32>
    tpu.vector_store %arg7[%swap3A_23, %swap3A_24], %mul3A_22 {strides = array<i32>} : memref<1280x128xf32, #tpu.memory_space<vmem>>, vector<1280x128xf32>,
    return
  }
  func.func @transform_0(%arg0: i32) -> (i32, i32) {
    %c0_i32 = arith.constant 0 : i32
    %c0_i32_0 = arith.constant 0 : i32
    return %arg0, %c0_i32 : i32, i32
  }
  func.func @transform_1(%arg0: i32) -> (i32, i32) {
    %c0_i32 = arith.constant 0 : i32
    %c0_i32_0 = arith.constant 0 : i32
    return %arg0, %c0_i32 : i32, i32
  }
  func.func @transform_2(%arg0: i32) -> (i32, i32) {
    %c0_i32 = arith.constant 0 : i32
    %c0_i32_0 = arith.constant 0 : i32
    return %arg0, %c0_i32 : i32, i32
  }
  func.func @transform_3(%arg0: i32) -> (i32, i32) {
    %c0_i32 = arith.constant 0 : i32
    %c0_i32_0 = arith.constant 0 : i32
    return %arg0, %c0_i32 : i32, i32
  }
  func.func @transform_4(%arg0: i32) -> (i32, i32) {
    %c0_i32 = arith.constant 0 : i32
    %c0_i32_0 = arith.constant 0 : i32
    return %arg0, %c0_i32 : i32, i32
  }
  func.func @transform_5(%arg0: i32) -> (i32, i32) {
    %c0_i32 = arith.constant 0 : i32
    %c0_i32_0 = arith.constant 0 : i32
    return %arg0, %c0_i32 : i32, i32
  }
  func.func @transform_6(%arg0: i32) -> (i32, i32) {
    %c0_i32 = arith.constant 0 : i32
    %c0_i32_0 = arith.constant 0 : i32
    return %arg0, %c0_i32 : i32, i32
  }
}

module attributes {stable_mosaic.version = 14 : i64} {
  func.func @_tc_comb_body(%arg0: i32, %arg1: memref<1280x128xf32, #tpu.memory_space<vmem>>, %arg2: memref<1280x128xf32, #tpu.memory_space<vmem>>, %arg3: memref<1280x128xf32, #tpu.memory_space<vmem>>, %arg4: memref<1280x1xf32, #tpu.memory_space<vmem>>, %arg5: memref<1280x1xf32, #tpu.memory_space<vmem>>, %arg6: memref<1280x128xf32, #tpu.memory_space<vmem>>, %arg7: memref<1280x128xf32, #tpu.memory_space<vmem>>) attributes {dimension_semantics = [#tpu.dimension_semantics<arbitrary>], iteration_bounds = array<i64: 8>, scalar_prefetch = 0 : i64, scratch_operands = 0 : i64, tpu.core_type = #tpu.core_type<tc>, window_params = [{transform_indices = @transform_0, window_bounds = array<i64: 1280, 128>}, {transform_indices = @transform_1, window_bounds = array<i64: 1280, 128>}, {transform_indices = @transform_2, window_bounds = array<i64: 1280, 128>}, {transform_indices = @transform_3, window_bounds = array<i64: 1280, 1>}, {transform_indices = @transform_4, window_bounds = array<i64: 1280, 1>}, {transform_indices = @transform_5, window_bounds = array<i64: 1280, 128>}, {transform_indices = @transform_6, window_bounds = array<i64: 1280, 128>}]} {
    %get3A = arith.constant 0 : index
    %get3A_0 = arith.constant 0 : index
    %get3A_1 = vector.load %arg4[%get3A, %get3A_0] : memref<1280x1xf32, #tpu.memory_space<vmem>>, vector<1280x1xf32>
    %get3A_2 = arith.constant 0 : index
    %get3A_3 = arith.constant 0 : index
    %get3A_4 = vector.load %arg5[%get3A_2, %get3A_3] : memref<1280x1xf32, #tpu.memory_space<vmem>>, vector<1280x1xf32>
    %add3A = arith.addf %get3A_1, %get3A_4 : vector<1280x1xf32>
    %max3A = arith.constant 1.000000e+00 : f32
    %max3A_5 = vector.broadcast %max3A : f32 to vector<1280x1xf32>
    %max3A_6 = arith.maximumf %add3A, %max3A_5 : vector<1280x1xf32>
    %rsqrt3A = math.rsqrt %max3A_6 : vector<1280x1xf32>
    %get3A_7 = arith.constant 0 : index
    %get3A_8 = arith.constant 0 : index
    %get3A_9 = vector.load %arg1[%get3A_7, %get3A_8] : memref<1280x128xf32, #tpu.memory_space<vmem>>, vector<1280x128xf32>
    %get3A_10 = arith.constant 0 : index
    %get3A_11 = arith.constant 0 : index
    %get3A_12 = vector.load %arg2[%get3A_10, %get3A_11] : memref<1280x128xf32, #tpu.memory_space<vmem>>, vector<1280x128xf32>
    %add3A_13 = arith.addf %get3A_9, %get3A_12 : vector<1280x128xf32>
    %mul3A = vector.broadcast %rsqrt3A : vector<1280x1xf32> to vector<1280x128xf32>
    %mul3A_14 = arith.mulf %mul3A, %add3A_13 : vector<1280x128xf32>
    %get3A_15 = arith.constant 0 : index
    %get3A_16 = arith.constant 0 : index
    %get3A_17 = vector.load %arg3[%get3A_15, %get3A_16] : memref<1280x128xf32, #tpu.memory_space<vmem>>, vector<1280x128xf32>
    %add3A_18 = arith.addf %mul3A_14, %get3A_17 : vector<1280x128xf32>
    %swap3A = arith.constant 0 : index
    %swap3A_19 = arith.constant 0 : index
    %swap3A_20 = vector.load %arg6[%swap3A, %swap3A_19] : memref<1280x128xf32, #tpu.memory_space<vmem>>, vector<1280x128xf32>
    tpu.vector_store %arg6[%swap3A, %swap3A_19], %add3A_18 {strides = array<i32>} : memref<1280x128xf32, #tpu.memory_space<vmem>>, vector<1280x128xf32>,
    %mul3A_21 = vector.broadcast %rsqrt3A : vector<1280x1xf32> to vector<1280x128xf32>
    %mul3A_22 = arith.mulf %add3A_18, %mul3A_21 : vector<1280x128xf32>
    %swap3A_23 = arith.constant 0 : index
    %swap3A_24 = arith.constant 0 : index
    %swap3A_25 = vector.load %arg7[%swap3A_23, %swap3A_24] : memref<1280x128xf32, #tpu.memory_space<vmem>>, vector<1280x128xf32>
    tpu.vector_store %arg7[%swap3A_23, %swap3A_24], %mul3A_22 {strides = array<i32>} : memref<1280x128xf32, #tpu.memory_space<vmem>>, vector<1280x128xf32>,
    return
  }
  func.func @transform_0(%arg0: i32) -> (i32, i32) {
    %c0_i32 = arith.constant 0 : i32
    %c0_i32_0 = arith.constant 0 : i32
    return %arg0, %c0_i32 : i32, i32
  }
  func.func @transform_1(%arg0: i32) -> (i32, i32) {
    %c0_i32 = arith.constant 0 : i32
    %c0_i32_0 = arith.constant 0 : i32
    return %arg0, %c0_i32 : i32, i32
  }
  func.func @transform_2(%arg0: i32) -> (i32, i32) {
    %c0_i32 = arith.constant 0 : i32
    %c0_i32_0 = arith.constant 0 : i32
    return %arg0, %c0_i32 : i32, i32
  }
  func.func @transform_3(%arg0: i32) -> (i32, i32) {
    %c0_i32 = arith.constant 0 : i32
    %c0_i32_0 = arith.constant 0 : i32
    return %arg0, %c0_i32 : i32, i32
  }
  func.func @transform_4(%arg0: i32) -> (i32, i32) {
    %c0_i32 = arith.constant 0 : i32
    %c0_i32_0 = arith.constant 0 : i32
    return %arg0, %c0_i32 : i32, i32
  }
  func.func @transform_5(%arg0: i32) -> (i32, i32) {
    %c0_i32 = arith.constant 0 : i32
    %c0_i32_0 = arith.constant 0 : i32
    return %arg0, %c0_i32 : i32, i32
  }
  func.func @transform_6(%arg0: i32) -> (i32, i32) {
    %c0_i32 = arith.constant 0 : i32
    %c0_i32_0 = arith.constant 0 : i32
    return %arg0, %c0_i32 : i32, i32
  }
}

</mosaic_0001>

<sc_bundles>
// kernel: kernel.11.cloned.1.call-start
scs
__scs_entry_jumppad:
0x0: {  	(pc) =	sbr.rel $0x88, $3  }
0x1: {  	(tag) =	ssettag $0x0;
	lr =	simm.s32 $0x1  }
0x2: {  	[smem:$0x3F9E] =	sst lr;
	_ =	strace $0xD0000000  }
0x3: {  	_ = 	snop  }
0x4: {  	_ = 	snop  }
0x5: {  	_ = 	snop  }
0x6: {  	_ = 	snop  }
0x7: {  	_ = 	snop  }
__scs_overlays_trampoline_lowered:
0x8: {  	[smem:$0x3FAD] =	sst s0  }
0x9: {  	[smem:$0x3FAE] =	sst s1  }
0xa: {  	[smem:$0x3FAF] =	sst s2  }
0xb: {  	[smem:$0x3FB0] =	sst s3  }
0xc: {  	[smem:$0x3FB1] =	sst s4  }
0xd: {  	[smem:$0x3FB2] =	sst s5  }
0xe: {  	[smem:$0x3FB3] =	sst s6  }
0xf: {  	[smem:$0x3FB4] =	sst s7  }
0x10: {  	[smem:$0x3FB5] =	sst s8  }
0x11: {  	[smem:$0x3FB6] =	sst s9;
	s0 =	simm.s32 @!p0 $0x0  }
0x12: {  	s1 =	sld [smem:$0x3F9C];
	s0 =	simm.s32 @p0 $0x1  }
0x13: {  	[smem:$0x3FB7] =	sst s0;
	s0 =	simm.s32 @!p1 $0x0  }
0x14: {  	s2 =	sld [smem:$0x3F9B];
	s0 =	simm.s32 @p1 $0x1  }
0x15: {  	[smem:$0x3FB8] =	sst s0;
	s0 =	simm.s32 @!p2 $0x0  }
0x16: {  	s3 =	sld [smem:$0x3FDB];
	s0 =	simm.s32 @p2 $0x1  }
0x17: {  	s4 =	simm.s32 $0x1BF5;
	[smem:$0x3FBA] =	sst s0  }
0x18: {  	s0 =	sld [smem:$0x3F9D];
	_ =	swait.ge [sflag:s4], $0x0  }
0x19: {  	s7 =	sld [smem:$0x3F9E]  }
0x1a: {  	s8 =	sadd.s32 $0xFFFFE003, lr  }
0x1b: {  	s9 =	sadd.s32 $0xFFFFFEF7, lr;
	s5 =	simm.s32 $0xFFFFFFFF;
	p2 =	slt.u32 s8, $0xFFFFF086  }
0x1c: {  	p1 =	slt.u32 s9, $0xF7A;
	s5 =	simm.s32 @!p2 $0x0  }
0x1d: {  	s5 =	simm.s32 @p1 $0x1;
	p0 =	seq.s32 s7, s2  }
0x1e: {  	s7 =	smul.u32 @!p0 $0xF7A, s2;
	p2 =	seq.s32 @!p0 s5, $0x0  }
0x1f: {  	s9 =	smul.u32 $0xF7A, s1;
	s8 =	simm.s32 @!p0 $0x1BF5;
	p2 =	por !p2, p0  }
0x20: {  	[sflag:s8] =	ssyncset.s32 @!p0 $0xFFFFF086;
	s6 =	sadd.s32 @!p0 s3, s7;
	s7 =	simm.s32 @!p0 $0x108  }
0x21: {  	s3 =	sadd.s32 s3, s9;
	s6 =	sadd.s32 @!p0 $0x88, s6;
	s7 =	simm.s32 @p2 $0x1082  }
0x22: {  	[simem:s7], [sflag:s8] =	dma.local @!p0 [hbm:s6], $0xF7A  }
0x23: {  	s9 =	sor.u32 $0xD0000000, s2;
	s6 =	simm.s32 $0x108;
	_ =	swait.ge @!p0 [sflag:s8], $0x0  }
0x24: {  	s3 =	sadd.s32 $0x88, s3;
	s6 =	simm.s32 @!p1 $0x1082;
	[sflag:s4] =	ssyncset.s32 $0xFFFFF086  }
0x25: {  	[simem:s6], [sflag:s4] =	dma.local [hbm:s3], $0xF7A  }
0x26: {  	[smem:$0x3F9E] =	sst s1;
	(tag) =	ssettag s2;
	_ =	strace s9  }
0x27: {  	s1 =	sld [smem:$0x3FAE]  }
0x28: {  	s2 =	sld [smem:$0x3FAF]  }
0x29: {  	s4 =	sld [smem:$0x3FB1]  }
0x2a: {  	p0 =	seq.s32 s5, $0x0;
	s5 =	sld [smem:$0x3FB2]  }
0x2b: {  	s6 =	sld [smem:$0x3FB3]  }
0x2c: {  	s7 =	sld [smem:$0x3FB4]  }
0x2d: {  	s3 =	simm.s32 $0x108;
	s8 =	sld [smem:$0x3FB5]  }
0x2e: {  	s3 =	simm.s32 @!p0 $0x1082;
	s9 =	sld [smem:$0x3FB6]  }
0x2f: {  	lr =	sadd.s32 s0, s3;
	s0 =	sld [smem:$0x3FAD]  }
0x30: {  	s3 =	sld [smem:$0x3FB0]  }
0x31: {  	[smem:$0x3FB9] =	sst s10  }
0x32: {  	s10 =	sld [smem:$0x3FB7];
	_ =	sdelay $0x3  }
0x33: {  	p0 =	seq.s32 s10, $0x1;
	s10 =	sld [smem:$0x3FB9];
	_ =	sdelay $0x3  }
0x34: {  	[smem:$0x3FB9] =	sst s10  }
0x35: {  	s10 =	sld [smem:$0x3FB8];
	_ =	sdelay $0x3  }
0x36: {  	p1 =	seq.s32 s10, $0x1;
	s10 =	sld [smem:$0x3FB9];
	_ =	sdelay $0x3  }
0x37: {  	[smem:$0x3FB9] =	sst s10  }
0x38: {  	s10 =	sld [smem:$0x3FBA]  }
0x39: {  	_ = 	snop;
	(pc) =	sbr.ind lr, $3  }
0x3a: {  	_ = 	snop  }
0x3b: {  	_ = 	snop  }
0x3c: {  	p2 =	seq.s32 s10, $0x1;
	s10 =	sld [smem:$0x3FB9]  }
0x3d: {  	_ =	shalt  }
0x3e: {  	_ =	shalt  }
0x3f: {  	_ =	shalt  }
0x40: {  	_ =	shalt  }
0x41: {  	_ =	shalt  }
0x42: {  	_ =	shalt  }
0x43: {  	_ =	shalt  }
0x44: {  	_ =	shalt  }
0x45: {  	_ =	shalt  }
0x46: {  	_ =	shalt  }
0x47: {  	_ =	shalt  }
0x48: {  	_ =	shalt  }
0x49: {  	_ =	shalt  }
0x4a: {  	_ =	shalt  }
0x4b: {  	_ =	shalt  }
0x4c: {  	_ =	shalt  }
0x4d: {  	_ =	shalt  }
0x4e: {  	_ =	shalt  }
0x4f: {  	_ =	shalt  }
0x50: {  	_ =	shalt  }
0x51: {  	_ =	shalt  }
0x52: {  	_ =	shalt  }
0x53: {  	_ =	shalt  }
0x54: {  	_ =	shalt  }
0x55: {  	_ =	shalt  }
0x56: {  	_ =	shalt  }
0x57: {  	_ =	shalt  }
0x58: {  	_ =	shalt  }
0x59: {  	_ =	shalt  }
0x5a: {  	_ =	shalt  }
0x5b: {  	_ =	shalt  }
0x5c: {  	_ =	shalt  }
0x5d: {  	_ =	shalt  }
0x5e: {  	_ =	shalt  }
0x5f: {  	_ =	shalt  }
0x60: {  	_ =	shalt  }
0x61: {  	_ =	shalt  }
0x62: {  	_ =	shalt  }
0x63: {  	_ =	shalt  }
0x64: {  	_ =	shalt  }
0x65: {  	_ =	shalt  }
0x66: {  	_ =	shalt  }
0x67: {  	_ =	shalt  }
0x68: {  	_ =	shalt  }
0x69: {  	_ =	shalt  }
0x6a: {  	_ =	shalt  }
0x6b: {  	_ =	shalt  }
0x6c: {  	_ =	shalt  }
0x6d: {  	_ =	shalt  }
0x6e: {  	_ =	shalt  }
0x6f: {  	_ =	shalt  }
0x70: {  	_ =	shalt  }
0x71: {  	_ =	shalt  }
0x72: {  	_ =	shalt  }
0x73: {  	_ =	shalt  }
0x74: {  	_ =	shalt  }
0x75: {  	_ =	shalt  }
0x76: {  	_ =	shalt  }
0x77: {  	_ =	shalt  }
0x78: {  	_ =	shalt  }
0x79: {  	_ =	shalt  }
0x7a: {  	_ =	shalt  }
0x7b: {  	_ =	shalt  }
0x7c: {  	_ =	shalt  }
0x7d: {  	_ =	shalt  }
0x7e: {  	_ =	shalt  }
0x7f: {  	_ =	shalt  }
0x80: {  	_ =	shalt  }
0x81: {  	_ =	shalt  }
0x82: {  	_ =	shalt  }
0x83: {  	_ =	shalt  }
0x84: {  	_ =	shalt  }
0x85: {  	_ =	shalt  }
0x86: {  	_ =	shalt  }
0x87: {  	_ =	shalt  }
.Lfunc_end0:
.L_simem_size_0:
called_computation.1_lowered:
.L_overlay_start_0:
0x88: {  	s2 =	sld [smem:$0x3FD9]  }
0x89: {  	s3 =	sld [smem:$0x3FFE];
	_ =	sdelay $0x1  }
0x8a: {  	s1 =	srdreg.scid  }
0x8b: {  	s0 =	sand.u32 $0x1, s1  }
0x8c: {  	s17 =	sshll.u32 s0, $0xA;
	s2 =	sadd.s32 s3, s2  }
0x8d: {  	s2 =	sadd.s32 s2, s17  }
0x8e: {  	[smem:$0x3FC5] =	sst s2  }
0x8f: {  	_ = 	snop  }
0x90: {  	s2 =	sld [smem:$0x3FD0];
	(tm) =	ssettm $0x1  }
0x91: {  	s18 =	sld [smem:$0x3FFB];
	_ =	sdelay $0x3  }
0x92: {  	_ =	strace s18  }
0x93: {  	s3 =	sld [smem:$0x3FFC];
	_ =	sdelay $0x3  }
0x94: {  	_ =	strace s3  }
0x95: {  	s3 =	sld [smem:$0x3FFD];
	_ =	sdelay $0x3  }
0x96: {  	_ =	strace s3  }
0x97: {  	_ =	strace $0x8FFFFFFF  }
0x98: {  	s19 =	sld [smem:$0x3FDB];
	_ =	sdelay $0x1  }
0x99: {  	s4 =	simm.s32 $_scs_section_size  }
0x9a: {  	s5 =	simm.s32 $_size__tile_overlayer_lowered;
	s6 =	simm.s32 $_tile_overlayer_lowered  }
0x9b: {  	s22 =	simm.s32 $0x1BFF;
	s21 =	sshll.u32 s6, $0x1;
	s3 =	sadd.s32 s4, s19  }
0x9c: {  	s7 =	simm.s32 $0x0;
	s20 =	sshll.u32 s5, $0x1;
	s5 =	sadd.s32 s21, s3  }
0x9d: {  	[timem:s7], [sflag:s22] =	dma.local [hbm:s5], s20  }
0x9e: {  	_ =	swait.ge [sflag:s22], s20  }
0x9f: {  	s4 =	ssub.s32 $0x0, s20;
	[sflag:s22] =	ssyncset.done $0x0  }
0xa0: {  	[sflag:s22] =	ssyncadd.s32 s4;
	_ =	sdelay $0x1  }
0xa1: {  	s23 =	simm.s32 $0x1B8B  }
0xa2: {  	_ =	swait.ge [sflag:s23], $0x1  }
0xa3: {  	[sflag:s23] =	ssyncset.done $0x0  }
0xa4: {  	s25 =	simm.s32 $0x1B8E;
	s24 =	sld [smem:$0x3FFE];
	[sflag:s23] =	ssyncadd.s32 $0xFFFFFFFF  }
0xa5: {  	s26 =	simm.s32 $execute0_lowered;
	[smem:$0x3FD2] =	sst s25  }
0xa6: {  	s5 =	sshll.u32 s26, $0x1;
	_ =	strace $0x80000049;
	[dreg:$0x1] =	wrdreg $0xFFFFFFFF  }
0xa7: {  	s28 =	simm.s32 $_size_execute0_lowered;
	s3 =	sadd.s32 s3, s5;
	[dreg:$0x0] =	wrdreg $0x0  }
0xa8: {  	s5 =	sshll.u32 s28, $0x1;
	[dreg:$0x2] =	wrdreg s3  }
0xa9: {  	[dreg:$0x3] =	wrdreg s5  }
0xaa: {  	[dreg:$0x4] =	wrdreg $0xC0  }
0xab: {  	_ =	task [dreg:s7], $0x5FFFF  }
0xac: {  	[dreg:$0x1] =	wrdreg $0xFFFFFFFF  }
0xad: {  	[dreg:$0x0] =	wrdreg $0x60  }
0xae: {  	[dreg:$0x2] =	wrdreg s24  }
0xaf: {  	[dreg:$0x3] =	wrdreg s2  }
0xb0: {  	[dreg:$0x4] =	wrdreg $0x84000  }
0xb1: {  	[dreg:$0x5] =	wrdreg $0x9  }
0xb2: {  	_ =	task.clear_ibuf [dreg:s7], $0x6FFFF;
	_ =	strace $0x90000049  }
0xb3: {  	s29 =	simm.s32 $0x9;
	_ =	strace $0x8000004B  }
0xb4: {  	_ =	swait.ge [sflag:s29], $0x1  }
0xb5: {  	[sflag:s29] =	ssyncadd.s32 $0xFFFFFFFF  }
0xb6: {  	_ =	strace $0x9000004B  }
0xb7: {  	_ =	sfence  }
0xb8: {  	s30 =	sld [smem:$0x0];
	_ =	sdelay $0x2  }
0xb9: {  	s31 =	sshll.u32 s1, $0xD;
	s1 =	sshrl.u32 s1, $0x2  }
0xba: {  	s3 =	sand.u32 $0x4000, s31;
	s1 =	sadd.s32 s1, s30  }
0xbb: {  	s0 =	sor.u32 s3, s0;
	s1 =	sshll.u32 s1, $0x11  }
0xbc: {  	s0 =	sor.u32 s1, s0  }
0xbd: {  	s0 =	sadd.s32 $0x8F2B, s0  }
0xbe: {  	[sflag:s0] =	ssyncadd.remote.s32 $0x1  }
0xbf: {  	_ =	sfence.sel $0xFFFF  }
0xc0: {  	[dreg:$0x0] =	wrdreg $0xFFFFFFFF;
	(pc) =	sbr.abs _section_cstart, $3  }
0xc1: {  	[dreg:$0x1] =	wrdreg $0xFFFFFFFF  }
0xc2: {  	_ =	task.clear_ibuf [dreg:s7], $0x2FFFF;
	_ =	strace $0x9FFFFFFF  }
0xc3: {  	(tm) =	ssettm $0x7FFFFFFF  }
tec
execute0_lowered:
.L_overlay_start_1:
0x0: {  	(tag) =	ssettag $0x1  }
0x1: {  	s0 =	rddreg [dreg:$0x0]  }
0x2: {  	s1 =	rddreg [dreg:$0x1]  }
0x3: {  	s2 =	rddreg [dreg:$0x2]  }
0x4: {  	s4 =	srdreg.scid;
	s12 =	stileid.u32  }
0x5: {  	s3 =	simm.s32 $0x0;
	s16 =	simm.s32 $0x9;
	s17 =	simm.s32 $0x100  }
0x6: {  	s28 =	simm.s32 $0x3;
	s29 =	simm.s32 $0x180;
	s30 =	simm.s32 $0x8  }
0x7: {  	s31 =	simm.s32 $0x4;
	s7 =	sand.u32 $0x1, s4;
	s5 =	smul.u32 $0x2800, s12  }
0x8: {  	[smem:$0x7FF] =	sst s3;
	s4 =	sadd.s32 $0x52200, s0;
	s10 =	smul.u32 $0x50000, s12  }
0x9: {  	s18 =	sadd.s32 $0xA2200, s0;
	s20 =	sshll.u32 s12, $0x6;
	s21 =	smul.u32 $0x1380, s12  }
0xa: {  	s22 =	sshll.u32 s12, $0x7;
	s6 =	smul.u32 $0x28000, s7;
	_ =	strace $0x8000004A  }
0xb: {  	s8 =	ssub.s32 $0x2, s7;
	[dreg:$0x4] =	wrdreg s18;
	p0 =	seq.s32 s7, $0x1  }
0xc: {  	s18 =	simm.s32 $0x80;
	s9 =	sshrl.u32 s8, $0x1;
	s19 =	sshrl.u32 s10, $0x2  }
0xd: {  	s7 =	sadd.s32 s1, s21;
	s1 =	sadd.s32 s22, s1;
	s21 =	simm.s32 $0x200  }
0xe: {  	s22 =	simm.s32 $0x2;
	s6 =	sadd.s32 s5, s6;
	s8 =	ssub.s32 s8, s9  }
0xf: {  	s11 =	sadd.s32 s19, s2;
	s23 =	sadd.s32 $0x20, s7;
	s24 =	sadd.s32 $0x13800, s1  }
0x10: {  	s25 =	sadd.s32 $0x13820, s1;
	s26 =	sadd.s32 $0x13840, s1;
	[dreg:$0x5] =	wrdreg s23  }
0x11: {  	s1 =	sadd.s32 $0x13860, s1;
	s19 =	simm.s32 $0x400;
	[dreg:$0x6] =	wrdreg s24  }
0x12: {  	s9 =	simm.s32 $0x0;
	s0 =	sadd.s32 s6, s0;
	[dreg:$0x7] =	wrdreg s25  }
.Ltmp0:
0x13: {  	s6 =	sor.u32 $0x1C09, s20;
	[dreg:$0x8] =	wrdreg s26;
	(pc) =	sbr.rel .LBB2_1-.Ltmp0, $4  }
0x14: {  	[dreg:$0x9] =	wrdreg s1;
	s14 =	smax.u32 s8, $0x1;
	s15 =	sshrl.u32 s11, $0x3  }
0x15: {  	s20 =	simm.s32 $0x5;
	s23 =	simm.s32 $0x4400;
	s24 =	simm.s32 $0x6  }
0x16: {  	s25 =	simm.s32 $0x300;
	s26 =	simm.s32 $0x7;
	s1 =	simm.s32 $0x380  }
0x17: {  	s8 =	simm.s32 $0x1;
	s13 =	sadd.s32 $0xA4A00, s0;
	s0 =	simm.s32 $0x280  }
.LBB2_5:
0x18: {  	s5 =	rddreg [dreg:$0x6]  }
0x19: {  	[tilespmem:s3], [sflag:$0x9] =	stream.linear.gather [hbm4b:s5+s3], $0x100, $0x38;
	[tilespmem:$0x1C400] =	vst v63  }
0x1a: {  	_ =	swait.ge [sflag:s16], $0x100  }
0x1b: {  	[sflag:s16] =	ssyncset.done $0x0  }
0x1c: {  	s10 =	rddreg [dreg:$0x7];
	[sflag:s16] =	ssyncadd.s32 $0xFFFFFF00  }
0x1d: {  	[tilespmem:s17], [sflag:$0x2] =	stream.linear.gather [hbm4b:s10+s3], $0x100, $0x38;
	[tilespmem:$0x1C400] =	vst v63  }
0x1e: {  	_ = 	snop  }
0x1f: {  	[tilespmem:s19], [sflag:$0x5] =	stream.indirect.gather [hbm4b:s4+s18], $0x80, s3, s18, $0xb8;
	[tilespmem:$0x1C400] =	vst v63  }
0x20: {  	_ =	swait.ge [sflag:s20], $0x4000  }
0x21: {  	[sflag:s20] =	ssyncset.done $0x0  }
0x22: {  	s11 =	rddreg [dreg:$0x8];
	[sflag:s20] =	ssyncadd.s32 $0xFFFFC000  }
0x23: {  	[tilespmem:s21], [sflag:$0x3] =	stream.linear.gather [hbm4b:s11+s3], $0x100, $0x38;
	[tilespmem:$0x1C400] =	vst v63  }
0x24: {  	_ =	swait.ge [sflag:s22], $0x100  }
0x25: {  	[sflag:s22] =	ssyncset.done $0x0  }
0x26: {  	[sflag:s22] =	ssyncadd.s32 $0xFFFFFF00  }
0x27: {  	[tilespmem:s23], [sflag:$0x6] =	stream.indirect.gather [hbm4b:s4+s18], $0x80, s17, s18, $0xb8;
	[tilespmem:$0x1C400] =	vst v63  }
0x28: {  	_ = 	snop  }
0x29: {  	[spmem:s2] =	stream.indirect.scatter.add.f32 [tilespmem:s19], [sflag:$0x7], $0x80, s18, s18, $0xb8;
	[tilespmem:$0x1C400] =	vst v63  }
0x2a: {  	_ =	swait.ge [sflag:s24], $0x4000  }
0x2b: {  	[sflag:s24] =	ssyncset.done $0x0  }
0x2c: {  	s12 =	rddreg [dreg:$0x9];
	[sflag:s24] =	ssyncadd.s32 $0xFFFFC000  }
0x2d: {  	[tilespmem:s25], [sflag:$0x4] =	stream.linear.gather [hbm4b:s12+s3], $0x100, $0x38;
	[tilespmem:$0x1C400] =	vst v63  }
0x2e: {  	_ =	swait.ge [sflag:s26], $0x4000  }
0x2f: {  	[sflag:s26] =	ssyncset.done $0x0  }
0x30: {  	[sflag:s26] =	ssyncadd.s32 $0xFFFFC000  }
0x31: {  	_ =	swait.ge [sflag:s28], $0x100  }
0x32: {  	[sflag:s28] =	ssyncset.done $0x0  }
0x33: {  	[sflag:s28] =	ssyncadd.s32 $0xFFFFFF00  }
0x34: {  	[tilespmem:s19], [sflag:$0x5] =	stream.indirect.gather [hbm4b:s4+s18], $0x80, s21, s18, $0xb8;
	[tilespmem:$0x1C400] =	vst v63  }
0x35: {  	_ = 	snop  }
0x36: {  	[spmem:s2] =	stream.indirect.scatter.add.f32 [tilespmem:s23], [sflag:$0x8], $0x80, s29, s18, $0xb8;
	[tilespmem:$0x1C400] =	vst v63  }
0x37: {  	_ =	swait.ge [sflag:s20], $0x4000  }
0x38: {  	[sflag:s20] =	ssyncset.done $0x0  }
0x39: {  	[sflag:s20] =	ssyncadd.s32 $0xFFFFC000  }
0x3a: {  	_ =	swait.ge [sflag:s30], $0x4000  }
0x3b: {  	[sflag:s30] =	ssyncset.done $0x0  }
0x3c: {  	[sflag:s30] =	ssyncadd.s32 $0xFFFFC000  }
0x3d: {  	_ =	swait.ge [sflag:s31], $0x100  }
0x3e: {  	[sflag:s31] =	ssyncset.done $0x0  }
0x3f: {  	[sflag:s31] =	ssyncadd.s32 $0xFFFFFF00  }
0x40: {  	[tilespmem:s23], [sflag:$0x6] =	stream.indirect.gather [hbm4b:s4+s18], $0x80, s25, s18, $0xb8;
	[tilespmem:$0x1C400] =	vst v63  }
0x41: {  	_ = 	snop  }
0x42: {  	[spmem:s2] =	stream.indirect.scatter.add.f32 [tilespmem:s19], [sflag:$0x7], $0x80, s0, s18, $0xb8;
	[tilespmem:$0x1C400] =	vst v63  }
0x43: {  	_ =	swait.ge [sflag:s24], $0x4000  }
0x44: {  	[sflag:s24] =	ssyncset.done $0x0  }
0x45: {  	[sflag:s24] =	ssyncadd.s32 $0xFFFFC000  }
.LBB2_6:
0x46: {  	_ =	swait.ge [sflag:s26], $0x4000  }
0x47: {  	[sflag:s26] =	ssyncset.done $0x0  }
0x48: {  	[sflag:s26] =	ssyncadd.s32 $0xFFFFC000  }
0x49: {  	[spmem:s2] =	stream.indirect.scatter.add.f32 [tilespmem:s23], [sflag:$0x8], $0x80, s1, s18, $0xb8;
	[tilespmem:$0x1C400] =	vst v63  }
0x4a: {  	_ =	swait.ge [sflag:s30], $0x4000  }
0x4b: {  	s9 =	sadd.s32 $0x1, s9;
	[sflag:s30] =	ssyncset.done $0x0  }
0x4c: {  	p1 =	sne.s32 s9, s14;
	[sflag:s30] =	ssyncadd.s32 $0xFFFFC000  }
.Ltmp1:
0x4d: {  	[bflag:$0x0] =	sbarrier.arrive $0xFFFF;
	(pc) =	sbr.rel @!p1 .LBB2_7-.Ltmp1, $4  }
0x4e: {  	[hbm:s13], [sflag:s6] =	dma.local [spmem:s15], $0x2800  }
0x4f: {  	_ =	swait.ge [sflag:s16], $0x2800  }
0x50: {  	[sflag:s16] =	ssyncset.done $0x0  }
0x51: {  	[sflag:s16] =	ssyncadd.s32 $0xFFFFD800  }
.LBB2_1:
0x52: {  	s5 =	rddreg [dreg:$0x4]  }
0x53: {  	[spmem:s15], [sflag:s6] =	dma.local [hbm:s5], $0x2800  }
.Ltmp2:
0x54: {  	_ =	swait.ge [sflag:s16], $0x2800;
	(pc) =	sbr.rel @p0 .LBB2_5-.Ltmp2, $3  }
0x55: {  	[sflag:s16] =	ssyncset.done $0x0  }
0x56: {  	[sflag:s16] =	ssyncadd.s32 $0xFFFFD800  }
0x57: {  	[bflag:$0x0] =	sbarrier.arrive $0xFFFF;
	_ =	sdelay $0x1  }
0x58: {  	s10 =	simm.s32 $0x0  }
0x59: {  	[tilespmem:s10], [sflag:$0x9] =	stream.linear.gather [hbm4b:s7+s10], $0x100, $0x38;
	[tilespmem:$0x1C400] =	vst v63  }
0x5a: {  	_ =	swait.ge [sflag:s16], $0x100  }
0x5b: {  	[sflag:s16] =	ssyncset.done $0x0  }
0x5c: {  	s5 =	rddreg [dreg:$0x5];
	[sflag:s16] =	ssyncadd.s32 $0xFFFFFF00  }
0x5d: {  	[tilespmem:s17], [sflag:$0x2] =	stream.linear.gather [hbm4b:s5+s10], $0x100, $0x38;
	[tilespmem:$0x1C400] =	vst v63  }
0x5e: {  	_ = 	snop  }
0x5f: {  	[tilespmem:s19], [sflag:$0x5] =	stream.indirect.gather [hbm4b:s4+s18], $0x80, s10, s18, $0xb8;
	[tilespmem:$0x1C400] =	vst v63  }
.LBB2_3:
0x60: {  	_ =	swait.ge [sflag:s20], $0x4000  }
0x61: {  	s11 =	sadd.s32 s10, s7;
	[sflag:s20] =	ssyncset.done $0x0  }
0x62: {  	p1 =	seq.s32 s10, $0x0;
	s12 =	sadd.s32 $0x40, s11;
	[sflag:s20] =	ssyncadd.s32 $0xFFFFC000  }
0x63: {  	[tilespmem:s21], [sflag:$0x3] =	stream.linear.gather [hbm4b:s12+s3], $0x100, $0x38;
	[tilespmem:$0x1C400] =	vst v63  }
0x64: {  	s12 =	simm.s32 @!p1 $0x8  }
0x65: {  	_ =	swait.ge @!p1 [sflag:s12], $0x4000  }
0x66: {  	[sflag:s12] =	ssyncset.done @!p1 $0x0  }
0x67: {  	[sflag:s12] =	ssyncadd.s32 @!p1 $0xFFFFC000  }
0x68: {  	_ =	swait.ge [sflag:s22], $0x100  }
0x69: {  	[sflag:s22] =	ssyncset.done $0x0  }
0x6a: {  	[sflag:s22] =	ssyncadd.s32 $0xFFFFFF00  }
0x6b: {  	[tilespmem:s23], [sflag:$0x6] =	stream.indirect.gather [hbm4b:s4+s18], $0x80, s17, s18, $0xb8;
	[tilespmem:$0x1C400] =	vst v63  }
0x6c: {  	_ = 	snop  }
0x6d: {  	[spmem:s2] =	stream.indirect.scatter.add.f32 [tilespmem:s19], [sflag:$0x7], $0x80, s18, s18, $0xb8;
	[tilespmem:$0x1C400] =	vst v63  }
0x6e: {  	_ =	swait.ge [sflag:s24], $0x4000  }
0x6f: {  	[sflag:s24] =	ssyncset.done $0x0  }
0x70: {  	s5 =	sadd.s32 $0x60, s11;
	[sflag:s24] =	ssyncadd.s32 $0xFFFFC000  }
0x71: {  	[tilespmem:s25], [sflag:$0x4] =	stream.linear.gather [hbm4b:s5+s3], $0x100, $0x38;
	[tilespmem:$0x1C400] =	vst v63  }
0x72: {  	_ =	swait.ge [sflag:s26], $0x4000  }
0x73: {  	[sflag:s26] =	ssyncset.done $0x0  }
0x74: {  	[sflag:s26] =	ssyncadd.s32 $0xFFFFC000  }
0x75: {  	_ =	swait.ge [sflag:s28], $0x100  }
0x76: {  	[sflag:s28] =	ssyncset.done $0x0  }
0x77: {  	[sflag:s28] =	ssyncadd.s32 $0xFFFFFF00  }
0x78: {  	[tilespmem:s19], [sflag:$0x5] =	stream.indirect.gather [hbm4b:s4+s18], $0x80, s21, s18, $0xb8;
	[tilespmem:$0x1C400] =	vst v63  }
0x79: {  	_ = 	snop  }
0x7a: {  	[spmem:s2] =	stream.indirect.scatter.add.f32 [tilespmem:s23], [sflag:$0x8], $0x80, s29, s18, $0xb8;
	[tilespmem:$0x1C400] =	vst v63  }
0x7b: {  	p1 =	seq.s32 s10, $0x1300;
	_ =	swait.ge [sflag:s20], $0x4000  }
0x7c: {  	s12 =	sadd.s32 @!p1 s10, s7;
	[sflag:s20] =	ssyncset.done $0x0  }
0x7d: {  	s12 =	sadd.s32 @!p1 $0x80, s12;
	s5 =	simm.s32 @!p1 $0x0;
	[sflag:s20] =	ssyncadd.s32 $0xFFFFC000  }
0x7e: {  	[tilespmem:s5], [sflag:$0x1] =	stream.linear.gather @!p1 [hbm4b:s12+s5], $0x100, $0x38;
	[tilespmem:$0x1C400] =	vst v63  }
0x7f: {  	_ =	swait.ge [sflag:s30], $0x4000  }
0x80: {  	[sflag:s30] =	ssyncset.done $0x0  }
0x81: {  	[sflag:s30] =	ssyncadd.s32 $0xFFFFC000  }
0x82: {  	_ =	swait.ge [sflag:s31], $0x100  }
0x83: {  	[sflag:s31] =	ssyncset.done $0x0  }
0x84: {  	[sflag:s31] =	ssyncadd.s32 $0xFFFFFF00  }
0x85: {  	[tilespmem:s23], [sflag:$0x6] =	stream.indirect.gather [hbm4b:s4+s18], $0x80, s25, s18, $0xb8;
	[tilespmem:$0x1C400] =	vst v63  }
.Ltmp3:
0x86: {  	_ = 	snop;
	(pc) =	sbr.rel @p1 .LBB2_6-.Ltmp3, $4  }
0x87: {  	[spmem:s2] =	stream.indirect.scatter.add.f32 [tilespmem:s19], [sflag:$0x7], $0x80, s0, s18, $0xb8;
	[tilespmem:$0x1C400] =	vst v63  }
0x88: {  	_ =	swait.ge [sflag:s24], $0x4000  }
0x89: {  	[sflag:s24] =	ssyncset.done $0x0  }
0x8a: {  	[sflag:s24] =	ssyncadd.s32 $0xFFFFC000  }
0x8b: {  	s5 =	sadd.s32 $0xA0, s11  }
0x8c: {  	[tilespmem:s17], [sflag:$0x2] =	stream.linear.gather [hbm4b:s5+s3], $0x100, $0x38;
	[tilespmem:$0x1C400] =	vst v63  }
0x8d: {  	_ =	swait.ge [sflag:s26], $0x4000  }
0x8e: {  	[sflag:s26] =	ssyncset.done $0x0  }
0x8f: {  	[sflag:s26] =	ssyncadd.s32 $0xFFFFC000  }
0x90: {  	_ =	swait.ge [sflag:s8], $0x100  }
.Ltmp4:
0x91: {  	[sflag:s8] =	ssyncset.done $0x0;
	(pc) =	sbr.rel .LBB2_3-.Ltmp4, $4  }
0x92: {  	[sflag:s8] =	ssyncadd.s32 $0xFFFFFF00  }
0x93: {  	[tilespmem:s19], [sflag:$0x5] =	stream.indirect.gather [hbm4b:s4+s18], $0x80, s3, s18, $0xb8;
	[tilespmem:$0x1C400] =	vst v63  }
0x94: {  	s10 =	sadd.s32 $0x80, s10  }
0x95: {  	[spmem:s2] =	stream.indirect.scatter.add.f32 [tilespmem:s23], [sflag:$0x8], $0x80, s1, s18, $0xb8;
	[tilespmem:$0x1C400] =	vst v63  }
.LBB2_7:
0x96: {  	_ =	sfence.sel $0x180000  }
0x97: {  	[bflag:$0x0] =	sbarrier.arrive $0xFFFF  }
0x98: {  	_ =	strace $0x9000004A  }
0x99: {  	s0 =	stileid.u32;
	[bflag:$0x2] =	sbarrier.arrive $0xFFFF  }
0x9a: {  	p0 =	sne.s32 s0, $0x0;
	s0 =	rddreg [dreg:$0x3]  }
0x9b: {  	s0 =	sadd.s32 @!p0 $0x100000, s0  }
0x9c: {  	[sflag:s0] =	ssyncadd.tile.s32 @!p0 $0x1;
	_ =	shalt  }
.Lfunc_end2:
_tile_overlayer_lowered:
.L_overlay_start_2:
0x9d: {  	(tag) =	ssettag $0x2  }
0x9e: {  	s0 =	rddreg [dreg:$0x0];
	s2 =	stileid.u32  }
0x9f: {  	s1 =	rddreg [dreg:$0x1];
	p0 =	sne.s32 s2, $0x0  }
0xa0: {  	s3 =	rddreg [dreg:$0x2];
	[bflag:$0x3] =	sbarrier.arrive $0xFFFF;
	s2 =	simm.s32 @!p0 $0x1C09  }
0xa1: {  	[timem:s3], [sflag:s2] =	dma.local @!p0 [hbm:s0], s1  }
0xa2: {  	s0 =	simm.s32 @!p0 $0x9  }
0xa3: {  	_ =	swait.ge @!p0 [sflag:s0], s1  }
0xa4: {  	s1 =	ssub.s32 @!p0 $0x0, s1;
	[sflag:s0] =	ssyncset.done @!p0 $0x0  }
0xa5: {  	[sflag:s0] =	ssyncadd.s32 @!p0 s1  }
0xa6: {  	[bflag:$0x3] =	sbarrier.arrive $0xFFFF  }
0xa7: {  	_ =	shalt  }

// kernel: kernel.14.cloned.1.call-start
scs
__scs_entry_jumppad:
0x0: {  	(pc) =	sbr.rel $0x88, $3  }
0x1: {  	(tag) =	ssettag $0x0;
	lr =	simm.s32 $0x1  }
0x2: {  	[smem:$0x3F9E] =	sst lr;
	_ =	strace $0xD0000000  }
0x3: {  	_ = 	snop  }
0x4: {  	_ = 	snop  }
0x5: {  	_ = 	snop  }
0x6: {  	_ = 	snop  }
0x7: {  	_ = 	snop  }
__scs_overlays_trampoline_lowered:
0x8: {  	[smem:$0x3FAD] =	sst s0  }
0x9: {  	[smem:$0x3FAE] =	sst s1  }
0xa: {  	[smem:$0x3FAF] =	sst s2  }
0xb: {  	[smem:$0x3FB0] =	sst s3  }
0xc: {  	[smem:$0x3FB1] =	sst s4  }
0xd: {  	[smem:$0x3FB2] =	sst s5  }
0xe: {  	[smem:$0x3FB3] =	sst s6  }
0xf: {  	[smem:$0x3FB4] =	sst s7  }
0x10: {  	[smem:$0x3FB5] =	sst s8  }
0x11: {  	[smem:$0x3FB6] =	sst s9;
	s0 =	simm.s32 @!p0 $0x0  }
0x12: {  	s1 =	sld [smem:$0x3F9C];
	s0 =	simm.s32 @p0 $0x1  }
0x13: {  	[smem:$0x3FB7] =	sst s0;
	s0 =	simm.s32 @!p1 $0x0  }
0x14: {  	s2 =	sld [smem:$0x3F9B];
	s0 =	simm.s32 @p1 $0x1  }
0x15: {  	[smem:$0x3FB8] =	sst s0;
	s0 =	simm.s32 @!p2 $0x0  }
0x16: {  	s3 =	sld [smem:$0x3FDB];
	s0 =	simm.s32 @p2 $0x1  }
0x17: {  	s4 =	simm.s32 $0x1BF5;
	[smem:$0x3FBA] =	sst s0  }
0x18: {  	s0 =	sld [smem:$0x3F9D];
	_ =	swait.ge [sflag:s4], $0x0  }
0x19: {  	s7 =	sld [smem:$0x3F9E]  }
0x1a: {  	s8 =	sadd.s32 $0xFFFFE003, lr  }
0x1b: {  	s9 =	sadd.s32 $0xFFFFFEF7, lr;
	s5 =	simm.s32 $0xFFFFFFFF;
	p2 =	slt.u32 s8, $0xFFFFF086  }
0x1c: {  	p1 =	slt.u32 s9, $0xF7A;
	s5 =	simm.s32 @!p2 $0x0  }
0x1d: {  	s5 =	simm.s32 @p1 $0x1;
	p0 =	seq.s32 s7, s2  }
0x1e: {  	s7 =	smul.u32 @!p0 $0xF7A, s2;
	p2 =	seq.s32 @!p0 s5, $0x0  }
0x1f: {  	s9 =	smul.u32 $0xF7A, s1;
	s8 =	simm.s32 @!p0 $0x1BF5;
	p2 =	por !p2, p0  }
0x20: {  	[sflag:s8] =	ssyncset.s32 @!p0 $0xFFFFF086;
	s6 =	sadd.s32 @!p0 s3, s7;
	s7 =	simm.s32 @!p0 $0x108  }
0x21: {  	s3 =	sadd.s32 s3, s9;
	s6 =	sadd.s32 @!p0 $0x88, s6;
	s7 =	simm.s32 @p2 $0x1082  }
0x22: {  	[simem:s7], [sflag:s8] =	dma.local @!p0 [hbm:s6], $0xF7A  }
0x23: {  	s9 =	sor.u32 $0xD0000000, s2;
	s6 =	simm.s32 $0x108;
	_ =	swait.ge @!p0 [sflag:s8], $0x0  }
0x24: {  	s3 =	sadd.s32 $0x88, s3;
	s6 =	simm.s32 @!p1 $0x1082;
	[sflag:s4] =	ssyncset.s32 $0xFFFFF086  }
0x25: {  	[simem:s6], [sflag:s4] =	dma.local [hbm:s3], $0xF7A  }
0x26: {  	[smem:$0x3F9E] =	sst s1;
	(tag) =	ssettag s2;
	_ =	strace s9  }
0x27: {  	s1 =	sld [smem:$0x3FAE]  }
0x28: {  	s2 =	sld [smem:$0x3FAF]  }
0x29: {  	s4 =	sld [smem:$0x3FB1]  }
0x2a: {  	p0 =	seq.s32 s5, $0x0;
	s5 =	sld [smem:$0x3FB2]  }
0x2b: {  	s6 =	sld [smem:$0x3FB3]  }
0x2c: {  	s7 =	sld [smem:$0x3FB4]  }
0x2d: {  	s3 =	simm.s32 $0x108;
	s8 =	sld [smem:$0x3FB5]  }
0x2e: {  	s3 =	simm.s32 @!p0 $0x1082;
	s9 =	sld [smem:$0x3FB6]  }
0x2f: {  	lr =	sadd.s32 s0, s3;
	s0 =	sld [smem:$0x3FAD]  }
0x30: {  	s3 =	sld [smem:$0x3FB0]  }
0x31: {  	[smem:$0x3FB9] =	sst s10  }
0x32: {  	s10 =	sld [smem:$0x3FB7];
	_ =	sdelay $0x3  }
0x33: {  	p0 =	seq.s32 s10, $0x1;
	s10 =	sld [smem:$0x3FB9];
	_ =	sdelay $0x3  }
0x34: {  	[smem:$0x3FB9] =	sst s10  }
0x35: {  	s10 =	sld [smem:$0x3FB8];
	_ =	sdelay $0x3  }
0x36: {  	p1 =	seq.s32 s10, $0x1;
	s10 =	sld [smem:$0x3FB9];
	_ =	sdelay $0x3  }
0x37: {  	[smem:$0x3FB9] =	sst s10  }
0x38: {  	s10 =	sld [smem:$0x3FBA]  }
0x39: {  	_ = 	snop;
	(pc) =	sbr.ind lr, $3  }
0x3a: {  	_ = 	snop  }
0x3b: {  	_ = 	snop  }
0x3c: {  	p2 =	seq.s32 s10, $0x1;
	s10 =	sld [smem:$0x3FB9]  }
0x3d: {  	_ =	shalt  }
0x3e: {  	_ =	shalt  }
0x3f: {  	_ =	shalt  }
0x40: {  	_ =	shalt  }
0x41: {  	_ =	shalt  }
0x42: {  	_ =	shalt  }
0x43: {  	_ =	shalt  }
0x44: {  	_ =	shalt  }
0x45: {  	_ =	shalt  }
0x46: {  	_ =	shalt  }
0x47: {  	_ =	shalt  }
0x48: {  	_ =	shalt  }
0x49: {  	_ =	shalt  }
0x4a: {  	_ =	shalt  }
0x4b: {  	_ =	shalt  }
0x4c: {  	_ =	shalt  }
0x4d: {  	_ =	shalt  }
0x4e: {  	_ =	shalt  }
0x4f: {  	_ =	shalt  }
0x50: {  	_ =	shalt  }
0x51: {  	_ =	shalt  }
0x52: {  	_ =	shalt  }
0x53: {  	_ =	shalt  }
0x54: {  	_ =	shalt  }
0x55: {  	_ =	shalt  }
0x56: {  	_ =	shalt  }
0x57: {  	_ =	shalt  }
0x58: {  	_ =	shalt  }
0x59: {  	_ =	shalt  }
0x5a: {  	_ =	shalt  }
0x5b: {  	_ =	shalt  }
0x5c: {  	_ =	shalt  }
0x5d: {  	_ =	shalt  }
0x5e: {  	_ =	shalt  }
0x5f: {  	_ =	shalt  }
0x60: {  	_ =	shalt  }
0x61: {  	_ =	shalt  }
0x62: {  	_ =	shalt  }
0x63: {  	_ =	shalt  }
0x64: {  	_ =	shalt  }
0x65: {  	_ =	shalt  }
0x66: {  	_ =	shalt  }
0x67: {  	_ =	shalt  }
0x68: {  	_ =	shalt  }
0x69: {  	_ =	shalt  }
0x6a: {  	_ =	shalt  }
0x6b: {  	_ =	shalt  }
0x6c: {  	_ =	shalt  }
0x6d: {  	_ =	shalt  }
0x6e: {  	_ =	shalt  }
0x6f: {  	_ =	shalt  }
0x70: {  	_ =	shalt  }
0x71: {  	_ =	shalt  }
0x72: {  	_ =	shalt  }
0x73: {  	_ =	shalt  }
0x74: {  	_ =	shalt  }
0x75: {  	_ =	shalt  }
0x76: {  	_ =	shalt  }
0x77: {  	_ =	shalt  }
0x78: {  	_ =	shalt  }
0x79: {  	_ =	shalt  }
0x7a: {  	_ =	shalt  }
0x7b: {  	_ =	shalt  }
0x7c: {  	_ =	shalt  }
0x7d: {  	_ =	shalt  }
0x7e: {  	_ =	shalt  }
0x7f: {  	_ =	shalt  }
0x80: {  	_ =	shalt  }
0x81: {  	_ =	shalt  }
0x82: {  	_ =	shalt  }
0x83: {  	_ =	shalt  }
0x84: {  	_ =	shalt  }
0x85: {  	_ =	shalt  }
0x86: {  	_ =	shalt  }
0x87: {  	_ =	shalt  }
.Lfunc_end0:
.L_simem_size_0:
called_computation.2_lowered:
.L_overlay_start_0:
0x88: {  	s2 =	sld [smem:$0x3FD9]  }
0x89: {  	s3 =	sld [smem:$0x3FFE];
	_ =	sdelay $0x1  }
0x8a: {  	s1 =	srdreg.scid  }
0x8b: {  	s0 =	sand.u32 $0x1, s1  }
0x8c: {  	s17 =	sshll.u32 s0, $0xA;
	s2 =	sadd.s32 s3, s2  }
0x8d: {  	s2 =	sadd.s32 s2, s17  }
0x8e: {  	[smem:$0x3FC5] =	sst s2  }
0x8f: {  	_ = 	snop  }
0x90: {  	s2 =	sld [smem:$0x3FD0];
	(tm) =	ssettm $0x1  }
0x91: {  	s18 =	sld [smem:$0x3FFB];
	_ =	sdelay $0x3  }
0x92: {  	_ =	strace s18  }
0x93: {  	s3 =	sld [smem:$0x3FFC];
	_ =	sdelay $0x3  }
0x94: {  	_ =	strace s3  }
0x95: {  	s3 =	sld [smem:$0x3FFD];
	_ =	sdelay $0x3  }
0x96: {  	_ =	strace s3  }
0x97: {  	_ =	strace $0x8FFFFFFF  }
0x98: {  	s19 =	sld [smem:$0x3FDB];
	_ =	sdelay $0x1  }
0x99: {  	s4 =	simm.s32 $_scs_section_size  }
0x9a: {  	s5 =	simm.s32 $_size__tile_overlayer_lowered;
	s6 =	simm.s32 $_tile_overlayer_lowered  }
0x9b: {  	s22 =	simm.s32 $0x1BFF;
	s21 =	sshll.u32 s6, $0x1;
	s3 =	sadd.s32 s4, s19  }
0x9c: {  	s7 =	simm.s32 $0x0;
	s20 =	sshll.u32 s5, $0x1;
	s5 =	sadd.s32 s21, s3  }
0x9d: {  	[timem:s7], [sflag:s22] =	dma.local [hbm:s5], s20  }
0x9e: {  	_ =	swait.ge [sflag:s22], s20  }
0x9f: {  	s4 =	ssub.s32 $0x0, s20;
	[sflag:s22] =	ssyncset.done $0x0  }
0xa0: {  	[sflag:s22] =	ssyncadd.s32 s4;
	_ =	sdelay $0x1  }
0xa1: {  	s23 =	simm.s32 $0x1B8B  }
0xa2: {  	_ =	swait.ge [sflag:s23], $0x1  }
0xa3: {  	[sflag:s23] =	ssyncset.done $0x0  }
0xa4: {  	s25 =	simm.s32 $0x1B8E;
	s24 =	sld [smem:$0x3FFE];
	[sflag:s23] =	ssyncadd.s32 $0xFFFFFFFF  }
0xa5: {  	s26 =	simm.s32 $execute0_lowered;
	[smem:$0x3FD2] =	sst s25  }
0xa6: {  	s5 =	sshll.u32 s26, $0x1;
	_ =	strace $0x8000004C;
	[dreg:$0x1] =	wrdreg $0xFFFFFFFF  }
0xa7: {  	s28 =	simm.s32 $_size_execute0_lowered;
	s3 =	sadd.s32 s3, s5;
	[dreg:$0x0] =	wrdreg $0x0  }
0xa8: {  	s5 =	sshll.u32 s28, $0x1;
	[dreg:$0x2] =	wrdreg s3  }
0xa9: {  	[dreg:$0x3] =	wrdreg s5  }
0xaa: {  	[dreg:$0x4] =	wrdreg $0xC0  }
0xab: {  	_ =	task [dreg:s7], $0x5FFFF  }
0xac: {  	[dreg:$0x1] =	wrdreg $0xFFFFFFFF  }
0xad: {  	[dreg:$0x0] =	wrdreg $0x60  }
0xae: {  	[dreg:$0x2] =	wrdreg s24  }
0xaf: {  	[dreg:$0x3] =	wrdreg s2  }
0xb0: {  	[dreg:$0x4] =	wrdreg $0x84000  }
0xb1: {  	[dreg:$0x5] =	wrdreg $0x9  }
0xb2: {  	_ =	task.clear_ibuf [dreg:s7], $0x6FFFF;
	_ =	strace $0x9000004C  }
0xb3: {  	s29 =	simm.s32 $0x9;
	_ =	strace $0x8000004E  }
0xb4: {  	_ =	swait.ge [sflag:s29], $0x1  }
0xb5: {  	[sflag:s29] =	ssyncadd.s32 $0xFFFFFFFF  }
0xb6: {  	_ =	strace $0x9000004E  }
0xb7: {  	_ =	sfence  }
0xb8: {  	s30 =	sld [smem:$0x0];
	_ =	sdelay $0x2  }
0xb9: {  	s31 =	sshll.u32 s1, $0xD;
	s1 =	sshrl.u32 s1, $0x2  }
0xba: {  	s3 =	sand.u32 $0x4000, s31;
	s1 =	sadd.s32 s1, s30  }
0xbb: {  	s0 =	sor.u32 s3, s0;
	s1 =	sshll.u32 s1, $0x11  }
0xbc: {  	s0 =	sor.u32 s1, s0  }
0xbd: {  	s0 =	sadd.s32 $0x8F2B, s0  }
0xbe: {  	[sflag:s0] =	ssyncadd.remote.s32 $0x1  }
0xbf: {  	_ =	sfence.sel $0xFFFF  }
0xc0: {  	[dreg:$0x0] =	wrdreg $0xFFFFFFFF;
	(pc) =	sbr.abs _section_cstart, $3  }
0xc1: {  	[dreg:$0x1] =	wrdreg $0xFFFFFFFF  }
0xc2: {  	_ =	task.clear_ibuf [dreg:s7], $0x2FFFF;
	_ =	strace $0x9FFFFFFF  }
0xc3: {  	(tm) =	ssettm $0x7FFFFFFF  }
tec
execute0_lowered:
.L_overlay_start_1:
0x0: {  	(tag) =	ssettag $0x1  }
0x1: {  	s0 =	rddreg [dreg:$0x0]  }
0x2: {  	s1 =	rddreg [dreg:$0x1]  }
0x3: {  	s2 =	rddreg [dreg:$0x2]  }
0x4: {  	s4 =	srdreg.scid;
	s12 =	stileid.u32  }
0x5: {  	s3 =	simm.s32 $0x0;
	s16 =	simm.s32 $0x9;
	s17 =	simm.s32 $0x100  }
0x6: {  	s28 =	simm.s32 $0x3;
	s29 =	simm.s32 $0x180;
	s30 =	simm.s32 $0x8  }
0x7: {  	s31 =	simm.s32 $0x4;
	s7 =	sand.u32 $0x1, s4;
	s5 =	smul.u32 $0x2800, s12  }
0x8: {  	[smem:$0x7FF] =	sst s3;
	s4 =	sadd.s32 $0x52200, s0;
	s10 =	smul.u32 $0x50000, s12  }
0x9: {  	s18 =	sadd.s32 $0xA2200, s0;
	s20 =	sshll.u32 s12, $0x6;
	s21 =	smul.u32 $0x1380, s12  }
0xa: {  	s22 =	sshll.u32 s12, $0x7;
	s6 =	smul.u32 $0x28000, s7;
	_ =	strace $0x8000004D  }
0xb: {  	s8 =	ssub.s32 $0x2, s7;
	[dreg:$0x4] =	wrdreg s18;
	p0 =	seq.s32 s7, $0x1  }
0xc: {  	s18 =	simm.s32 $0x80;
	s9 =	sshrl.u32 s8, $0x1;
	s19 =	sshrl.u32 s10, $0x2  }
0xd: {  	s7 =	sadd.s32 s1, s21;
	s1 =	sadd.s32 s22, s1;
	s21 =	simm.s32 $0x200  }
0xe: {  	s22 =	simm.s32 $0x2;
	s6 =	sadd.s32 s5, s6;
	s8 =	ssub.s32 s8, s9  }
0xf: {  	s11 =	sadd.s32 s19, s2;
	s23 =	sadd.s32 $0x20, s7;
	s24 =	sadd.s32 $0x13800, s1  }
0x10: {  	s25 =	sadd.s32 $0x13820, s1;
	s26 =	sadd.s32 $0x13840, s1;
	[dreg:$0x5] =	wrdreg s23  }
0x11: {  	s1 =	sadd.s32 $0x13860, s1;
	s19 =	simm.s32 $0x400;
	[dreg:$0x6] =	wrdreg s24  }
0x12: {  	s9 =	simm.s32 $0x0;
	s0 =	sadd.s32 s6, s0;
	[dreg:$0x7] =	wrdreg s25  }
.Ltmp0:
0x13: {  	s6 =	sor.u32 $0x1C09, s20;
	[dreg:$0x8] =	wrdreg s26;
	(pc) =	sbr.rel .LBB2_1-.Ltmp0, $4  }
0x14: {  	[dreg:$0x9] =	wrdreg s1;
	s14 =	smax.u32 s8, $0x1;
	s15 =	sshrl.u32 s11, $0x3  }
0x15: {  	s20 =	simm.s32 $0x5;
	s23 =	simm.s32 $0x4400;
	s24 =	simm.s32 $0x6  }
0x16: {  	s25 =	simm.s32 $0x300;
	s26 =	simm.s32 $0x7;
	s1 =	simm.s32 $0x380  }
0x17: {  	s8 =	simm.s32 $0x1;
	s13 =	sadd.s32 $0xA4A00, s0;
	s0 =	simm.s32 $0x280  }
.LBB2_5:
0x18: {  	s5 =	rddreg [dreg:$0x6]  }
0x19: {  	[tilespmem:s3], [sflag:$0x9] =	stream.linear.gather [hbm4b:s5+s3], $0x100, $0x38;
	[tilespmem:$0x1C400] =	vst v63  }
0x1a: {  	_ =	swait.ge [sflag:s16], $0x100  }
0x1b: {  	[sflag:s16] =	ssyncset.done $0x0  }
0x1c: {  	s10 =	rddreg [dreg:$0x7];
	[sflag:s16] =	ssyncadd.s32 $0xFFFFFF00  }
0x1d: {  	[tilespmem:s17], [sflag:$0x2] =	stream.linear.gather [hbm4b:s10+s3], $0x100, $0x38;
	[tilespmem:$0x1C400] =	vst v63  }
0x1e: {  	_ = 	snop  }
0x1f: {  	[tilespmem:s19], [sflag:$0x5] =	stream.indirect.gather [hbm4b:s4+s18], $0x80, s3, s18, $0xb8;
	[tilespmem:$0x1C400] =	vst v63  }
0x20: {  	_ =	swait.ge [sflag:s20], $0x4000  }
0x21: {  	[sflag:s20] =	ssyncset.done $0x0  }
0x22: {  	s11 =	rddreg [dreg:$0x8];
	[sflag:s20] =	ssyncadd.s32 $0xFFFFC000  }
0x23: {  	[tilespmem:s21], [sflag:$0x3] =	stream.linear.gather [hbm4b:s11+s3], $0x100, $0x38;
	[tilespmem:$0x1C400] =	vst v63  }
0x24: {  	_ =	swait.ge [sflag:s22], $0x100  }
0x25: {  	[sflag:s22] =	ssyncset.done $0x0  }
0x26: {  	[sflag:s22] =	ssyncadd.s32 $0xFFFFFF00  }
0x27: {  	[tilespmem:s23], [sflag:$0x6] =	stream.indirect.gather [hbm4b:s4+s18], $0x80, s17, s18, $0xb8;
	[tilespmem:$0x1C400] =	vst v63  }
0x28: {  	_ = 	snop  }
0x29: {  	[spmem:s2] =	stream.indirect.scatter.add.f32 [tilespmem:s19], [sflag:$0x7], $0x80, s18, s18, $0xb8;
	[tilespmem:$0x1C400] =	vst v63  }
0x2a: {  	_ =	swait.ge [sflag:s24], $0x4000  }
0x2b: {  	[sflag:s24] =	ssyncset.done $0x0  }
0x2c: {  	s12 =	rddreg [dreg:$0x9];
	[sflag:s24] =	ssyncadd.s32 $0xFFFFC000  }
0x2d: {  	[tilespmem:s25], [sflag:$0x4] =	stream.linear.gather [hbm4b:s12+s3], $0x100, $0x38;
	[tilespmem:$0x1C400] =	vst v63  }
0x2e: {  	_ =	swait.ge [sflag:s26], $0x4000  }
0x2f: {  	[sflag:s26] =	ssyncset.done $0x0  }
0x30: {  	[sflag:s26] =	ssyncadd.s32 $0xFFFFC000  }
0x31: {  	_ =	swait.ge [sflag:s28], $0x100  }
0x32: {  	[sflag:s28] =	ssyncset.done $0x0  }
0x33: {  	[sflag:s28] =	ssyncadd.s32 $0xFFFFFF00  }
0x34: {  	[tilespmem:s19], [sflag:$0x5] =	stream.indirect.gather [hbm4b:s4+s18], $0x80, s21, s18, $0xb8;
	[tilespmem:$0x1C400] =	vst v63  }
0x35: {  	_ = 	snop  }
0x36: {  	[spmem:s2] =	stream.indirect.scatter.add.f32 [tilespmem:s23], [sflag:$0x8], $0x80, s29, s18, $0xb8;
	[tilespmem:$0x1C400] =	vst v63  }
0x37: {  	_ =	swait.ge [sflag:s20], $0x4000  }
0x38: {  	[sflag:s20] =	ssyncset.done $0x0  }
0x39: {  	[sflag:s20] =	ssyncadd.s32 $0xFFFFC000  }
0x3a: {  	_ =	swait.ge [sflag:s30], $0x4000  }
0x3b: {  	[sflag:s30] =	ssyncset.done $0x0  }
0x3c: {  	[sflag:s30] =	ssyncadd.s32 $0xFFFFC000  }
0x3d: {  	_ =	swait.ge [sflag:s31], $0x100  }
0x3e: {  	[sflag:s31] =	ssyncset.done $0x0  }
0x3f: {  	[sflag:s31] =	ssyncadd.s32 $0xFFFFFF00  }
0x40: {  	[tilespmem:s23], [sflag:$0x6] =	stream.indirect.gather [hbm4b:s4+s18], $0x80, s25, s18, $0xb8;
	[tilespmem:$0x1C400] =	vst v63  }
0x41: {  	_ = 	snop  }
0x42: {  	[spmem:s2] =	stream.indirect.scatter.add.f32 [tilespmem:s19], [sflag:$0x7], $0x80, s0, s18, $0xb8;
	[tilespmem:$0x1C400] =	vst v63  }
0x43: {  	_ =	swait.ge [sflag:s24], $0x4000  }
0x44: {  	[sflag:s24] =	ssyncset.done $0x0  }
0x45: {  	[sflag:s24] =	ssyncadd.s32 $0xFFFFC000  }
.LBB2_6:
0x46: {  	_ =	swait.ge [sflag:s26], $0x4000  }
0x47: {  	[sflag:s26] =	ssyncset.done $0x0  }
0x48: {  	[sflag:s26] =	ssyncadd.s32 $0xFFFFC000  }
0x49: {  	[spmem:s2] =	stream.indirect.scatter.add.f32 [tilespmem:s23], [sflag:$0x8], $0x80, s1, s18, $0xb8;
	[tilespmem:$0x1C400] =	vst v63  }
0x4a: {  	_ =	swait.ge [sflag:s30], $0x4000  }
0x4b: {  	s9 =	sadd.s32 $0x1, s9;
	[sflag:s30] =	ssyncset.done $0x0  }
0x4c: {  	p1 =	sne.s32 s9, s14;
	[sflag:s30] =	ssyncadd.s32 $0xFFFFC000  }
.Ltmp1:
0x4d: {  	[bflag:$0x0] =	sbarrier.arrive $0xFFFF;
	(pc) =	sbr.rel @!p1 .LBB2_7-.Ltmp1, $4  }
0x4e: {  	[hbm:s13], [sflag:s6] =	dma.local [spmem:s15], $0x2800  }
0x4f: {  	_ =	swait.ge [sflag:s16], $0x2800  }
0x50: {  	[sflag:s16] =	ssyncset.done $0x0  }
0x51: {  	[sflag:s16] =	ssyncadd.s32 $0xFFFFD800  }
.LBB2_1:
0x52: {  	s5 =	rddreg [dreg:$0x4]  }
0x53: {  	[spmem:s15], [sflag:s6] =	dma.local [hbm:s5], $0x2800  }
.Ltmp2:
0x54: {  	_ =	swait.ge [sflag:s16], $0x2800;
	(pc) =	sbr.rel @p0 .LBB2_5-.Ltmp2, $3  }
0x55: {  	[sflag:s16] =	ssyncset.done $0x0  }
0x56: {  	[sflag:s16] =	ssyncadd.s32 $0xFFFFD800  }
0x57: {  	[bflag:$0x0] =	sbarrier.arrive $0xFFFF;
	_ =	sdelay $0x1  }
0x58: {  	s10 =	simm.s32 $0x0  }
0x59: {  	[tilespmem:s10], [sflag:$0x9] =	stream.linear.gather [hbm4b:s7+s10], $0x100, $0x38;
	[tilespmem:$0x1C400] =	vst v63  }
0x5a: {  	_ =	swait.ge [sflag:s16], $0x100  }
0x5b: {  	[sflag:s16] =	ssyncset.done $0x0  }
0x5c: {  	s5 =	rddreg [dreg:$0x5];
	[sflag:s16] =	ssyncadd.s32 $0xFFFFFF00  }
0x5d: {  	[tilespmem:s17], [sflag:$0x2] =	stream.linear.gather [hbm4b:s5+s10], $0x100, $0x38;
	[tilespmem:$0x1C400] =	vst v63  }
0x5e: {  	_ = 	snop  }
0x5f: {  	[tilespmem:s19], [sflag:$0x5] =	stream.indirect.gather [hbm4b:s4+s18], $0x80, s10, s18, $0xb8;
	[tilespmem:$0x1C400] =	vst v63  }
.LBB2_3:
0x60: {  	_ =	swait.ge [sflag:s20], $0x4000  }
0x61: {  	s11 =	sadd.s32 s10, s7;
	[sflag:s20] =	ssyncset.done $0x0  }
0x62: {  	p1 =	seq.s32 s10, $0x0;
	s12 =	sadd.s32 $0x40, s11;
	[sflag:s20] =	ssyncadd.s32 $0xFFFFC000  }
0x63: {  	[tilespmem:s21], [sflag:$0x3] =	stream.linear.gather [hbm4b:s12+s3], $0x100, $0x38;
	[tilespmem:$0x1C400] =	vst v63  }
0x64: {  	s12 =	simm.s32 @!p1 $0x8  }
0x65: {  	_ =	swait.ge @!p1 [sflag:s12], $0x4000  }
0x66: {  	[sflag:s12] =	ssyncset.done @!p1 $0x0  }
0x67: {  	[sflag:s12] =	ssyncadd.s32 @!p1 $0xFFFFC000  }
0x68: {  	_ =	swait.ge [sflag:s22], $0x100  }
0x69: {  	[sflag:s22] =	ssyncset.done $0x0  }
0x6a: {  	[sflag:s22] =	ssyncadd.s32 $0xFFFFFF00  }
0x6b: {  	[tilespmem:s23], [sflag:$0x6] =	stream.indirect.gather [hbm4b:s4+s18], $0x80, s17, s18, $0xb8;
	[tilespmem:$0x1C400] =	vst v63  }
0x6c: {  	_ = 	snop  }
0x6d: {  	[spmem:s2] =	stream.indirect.scatter.add.f32 [tilespmem:s19], [sflag:$0x7], $0x80, s18, s18, $0xb8;
	[tilespmem:$0x1C400] =	vst v63  }
0x6e: {  	_ =	swait.ge [sflag:s24], $0x4000  }
0x6f: {  	[sflag:s24] =	ssyncset.done $0x0  }
0x70: {  	s5 =	sadd.s32 $0x60, s11;
	[sflag:s24] =	ssyncadd.s32 $0xFFFFC000  }
0x71: {  	[tilespmem:s25], [sflag:$0x4] =	stream.linear.gather [hbm4b:s5+s3], $0x100, $0x38;
	[tilespmem:$0x1C400] =	vst v63  }
0x72: {  	_ =	swait.ge [sflag:s26], $0x4000  }
0x73: {  	[sflag:s26] =	ssyncset.done $0x0  }
0x74: {  	[sflag:s26] =	ssyncadd.s32 $0xFFFFC000  }
0x75: {  	_ =	swait.ge [sflag:s28], $0x100  }
0x76: {  	[sflag:s28] =	ssyncset.done $0x0  }
0x77: {  	[sflag:s28] =	ssyncadd.s32 $0xFFFFFF00  }
0x78: {  	[tilespmem:s19], [sflag:$0x5] =	stream.indirect.gather [hbm4b:s4+s18], $0x80, s21, s18, $0xb8;
	[tilespmem:$0x1C400] =	vst v63  }
0x79: {  	_ = 	snop  }
0x7a: {  	[spmem:s2] =	stream.indirect.scatter.add.f32 [tilespmem:s23], [sflag:$0x8], $0x80, s29, s18, $0xb8;
	[tilespmem:$0x1C400] =	vst v63  }
0x7b: {  	p1 =	seq.s32 s10, $0x1300;
	_ =	swait.ge [sflag:s20], $0x4000  }
0x7c: {  	s12 =	sadd.s32 @!p1 s10, s7;
	[sflag:s20] =	ssyncset.done $0x0  }
0x7d: {  	s12 =	sadd.s32 @!p1 $0x80, s12;
	s5 =	simm.s32 @!p1 $0x0;
	[sflag:s20] =	ssyncadd.s32 $0xFFFFC000  }
0x7e: {  	[tilespmem:s5], [sflag:$0x1] =	stream.linear.gather @!p1 [hbm4b:s12+s5], $0x100, $0x38;
	[tilespmem:$0x1C400] =	vst v63  }
0x7f: {  	_ =	swait.ge [sflag:s30], $0x4000  }
0x80: {  	[sflag:s30] =	ssyncset.done $0x0  }
0x81: {  	[sflag:s30] =	ssyncadd.s32 $0xFFFFC000  }
0x82: {  	_ =	swait.ge [sflag:s31], $0x100  }
0x83: {  	[sflag:s31] =	ssyncset.done $0x0  }
0x84: {  	[sflag:s31] =	ssyncadd.s32 $0xFFFFFF00  }
0x85: {  	[tilespmem:s23], [sflag:$0x6] =	stream.indirect.gather [hbm4b:s4+s18], $0x80, s25, s18, $0xb8;
	[tilespmem:$0x1C400] =	vst v63  }
.Ltmp3:
0x86: {  	_ = 	snop;
	(pc) =	sbr.rel @p1 .LBB2_6-.Ltmp3, $4  }
0x87: {  	[spmem:s2] =	stream.indirect.scatter.add.f32 [tilespmem:s19], [sflag:$0x7], $0x80, s0, s18, $0xb8;
	[tilespmem:$0x1C400] =	vst v63  }
0x88: {  	_ =	swait.ge [sflag:s24], $0x4000  }
0x89: {  	[sflag:s24] =	ssyncset.done $0x0  }
0x8a: {  	[sflag:s24] =	ssyncadd.s32 $0xFFFFC000  }
0x8b: {  	s5 =	sadd.s32 $0xA0, s11  }
0x8c: {  	[tilespmem:s17], [sflag:$0x2] =	stream.linear.gather [hbm4b:s5+s3], $0x100, $0x38;
	[tilespmem:$0x1C400] =	vst v63  }
0x8d: {  	_ =	swait.ge [sflag:s26], $0x4000  }
0x8e: {  	[sflag:s26] =	ssyncset.done $0x0  }
0x8f: {  	[sflag:s26] =	ssyncadd.s32 $0xFFFFC000  }
0x90: {  	_ =	swait.ge [sflag:s8], $0x100  }
.Ltmp4:
0x91: {  	[sflag:s8] =	ssyncset.done $0x0;
	(pc) =	sbr.rel .LBB2_3-.Ltmp4, $4  }
0x92: {  	[sflag:s8] =	ssyncadd.s32 $0xFFFFFF00  }
0x93: {  	[tilespmem:s19], [sflag:$0x5] =	stream.indirect.gather [hbm4b:s4+s18], $0x80, s3, s18, $0xb8;
	[tilespmem:$0x1C400] =	vst v63  }
0x94: {  	s10 =	sadd.s32 $0x80, s10  }
0x95: {  	[spmem:s2] =	stream.indirect.scatter.add.f32 [tilespmem:s23], [sflag:$0x8], $0x80, s1, s18, $0xb8;
	[tilespmem:$0x1C400] =	vst v63  }
.LBB2_7:
0x96: {  	_ =	sfence.sel $0x180000  }
0x97: {  	[bflag:$0x0] =	sbarrier.arrive $0xFFFF  }
0x98: {  	_ =	strace $0x9000004D  }
0x99: {  	s0 =	stileid.u32;
	[bflag:$0x2] =	sbarrier.arrive $0xFFFF  }
0x9a: {  	p0 =	sne.s32 s0, $0x0;
	s0 =	rddreg [dreg:$0x3]  }
0x9b: {  	s0 =	sadd.s32 @!p0 $0x100000, s0  }
0x9c: {  	[sflag:s0] =	ssyncadd.tile.s32 @!p0 $0x1;
	_ =	shalt  }
.Lfunc_end2:
_tile_overlayer_lowered:
.L_overlay_start_2:
0x9d: {  	(tag) =	ssettag $0x2  }
0x9e: {  	s0 =	rddreg [dreg:$0x0];
	s2 =	stileid.u32  }
0x9f: {  	s1 =	rddreg [dreg:$0x1];
	p0 =	sne.s32 s2, $0x0  }
0xa0: {  	s3 =	rddreg [dreg:$0x2];
	[bflag:$0x3] =	sbarrier.arrive $0xFFFF;
	s2 =	simm.s32 @!p0 $0x1C09  }
0xa1: {  	[timem:s3], [sflag:s2] =	dma.local @!p0 [hbm:s0], s1  }
0xa2: {  	s0 =	simm.s32 @!p0 $0x9  }
0xa3: {  	_ =	swait.ge @!p0 [sflag:s0], s1  }
0xa4: {  	s1 =	ssub.s32 @!p0 $0x0, s1;
	[sflag:s0] =	ssyncset.done @!p0 $0x0  }
0xa5: {  	[sflag:s0] =	ssyncadd.s32 @!p0 s1  }
0xa6: {  	[bflag:$0x3] =	sbarrier.arrive $0xFFFF  }
0xa7: {  	_ =	shalt  }

// kernel: kernel.8.cloned.1.call-start
scs
__scs_entry_jumppad:
0x0: {  	(pc) =	sbr.rel $0x88, $3  }
0x1: {  	(tag) =	ssettag $0x0;
	lr =	simm.s32 $0x1  }
0x2: {  	[smem:$0x3F9E] =	sst lr;
	_ =	strace $0xD0000000  }
0x3: {  	_ = 	snop  }
0x4: {  	_ = 	snop  }
0x5: {  	_ = 	snop  }
0x6: {  	_ = 	snop  }
0x7: {  	_ = 	snop  }
__scs_overlays_trampoline_lowered:
0x8: {  	[smem:$0x3FAD] =	sst s0  }
0x9: {  	[smem:$0x3FAE] =	sst s1  }
0xa: {  	[smem:$0x3FAF] =	sst s2  }
0xb: {  	[smem:$0x3FB0] =	sst s3  }
0xc: {  	[smem:$0x3FB1] =	sst s4  }
0xd: {  	[smem:$0x3FB2] =	sst s5  }
0xe: {  	[smem:$0x3FB3] =	sst s6  }
0xf: {  	[smem:$0x3FB4] =	sst s7  }
0x10: {  	[smem:$0x3FB5] =	sst s8  }
0x11: {  	[smem:$0x3FB6] =	sst s9;
	s0 =	simm.s32 @!p0 $0x0  }
0x12: {  	s1 =	sld [smem:$0x3F9C];
	s0 =	simm.s32 @p0 $0x1  }
0x13: {  	[smem:$0x3FB7] =	sst s0;
	s0 =	simm.s32 @!p1 $0x0  }
0x14: {  	s2 =	sld [smem:$0x3F9B];
	s0 =	simm.s32 @p1 $0x1  }
0x15: {  	[smem:$0x3FB8] =	sst s0;
	s0 =	simm.s32 @!p2 $0x0  }
0x16: {  	s3 =	sld [smem:$0x3FDB];
	s0 =	simm.s32 @p2 $0x1  }
0x17: {  	s4 =	simm.s32 $0x1BF5;
	[smem:$0x3FBA] =	sst s0  }
0x18: {  	s0 =	sld [smem:$0x3F9D];
	_ =	swait.ge [sflag:s4], $0x0  }
0x19: {  	s7 =	sld [smem:$0x3F9E]  }
0x1a: {  	s8 =	sadd.s32 $0xFFFFE003, lr  }
0x1b: {  	s9 =	sadd.s32 $0xFFFFFEF7, lr;
	s5 =	simm.s32 $0xFFFFFFFF;
	p2 =	slt.u32 s8, $0xFFFFF086  }
0x1c: {  	p1 =	slt.u32 s9, $0xF7A;
	s5 =	simm.s32 @!p2 $0x0  }
0x1d: {  	s5 =	simm.s32 @p1 $0x1;
	p0 =	seq.s32 s7, s2  }
0x1e: {  	s7 =	smul.u32 @!p0 $0xF7A, s2;
	p2 =	seq.s32 @!p0 s5, $0x0  }
0x1f: {  	s9 =	smul.u32 $0xF7A, s1;
	s8 =	simm.s32 @!p0 $0x1BF5;
	p2 =	por !p2, p0  }
0x20: {  	[sflag:s8] =	ssyncset.s32 @!p0 $0xFFFFF086;
	s6 =	sadd.s32 @!p0 s3, s7;
	s7 =	simm.s32 @!p0 $0x108  }
0x21: {  	s3 =	sadd.s32 s3, s9;
	s6 =	sadd.s32 @!p0 $0x88, s6;
	s7 =	simm.s32 @p2 $0x1082  }
0x22: {  	[simem:s7], [sflag:s8] =	dma.local @!p0 [hbm:s6], $0xF7A  }
0x23: {  	s9 =	sor.u32 $0xD0000000, s2;
	s6 =	simm.s32 $0x108;
	_ =	swait.ge @!p0 [sflag:s8], $0x0  }
0x24: {  	s3 =	sadd.s32 $0x88, s3;
	s6 =	simm.s32 @!p1 $0x1082;
	[sflag:s4] =	ssyncset.s32 $0xFFFFF086  }
0x25: {  	[simem:s6], [sflag:s4] =	dma.local [hbm:s3], $0xF7A  }
0x26: {  	[smem:$0x3F9E] =	sst s1;
	(tag) =	ssettag s2;
	_ =	strace s9  }
0x27: {  	s1 =	sld [smem:$0x3FAE]  }
0x28: {  	s2 =	sld [smem:$0x3FAF]  }
0x29: {  	s4 =	sld [smem:$0x3FB1]  }
0x2a: {  	p0 =	seq.s32 s5, $0x0;
	s5 =	sld [smem:$0x3FB2]  }
0x2b: {  	s6 =	sld [smem:$0x3FB3]  }
0x2c: {  	s7 =	sld [smem:$0x3FB4]  }
0x2d: {  	s3 =	simm.s32 $0x108;
	s8 =	sld [smem:$0x3FB5]  }
0x2e: {  	s3 =	simm.s32 @!p0 $0x1082;
	s9 =	sld [smem:$0x3FB6]  }
0x2f: {  	lr =	sadd.s32 s0, s3;
	s0 =	sld [smem:$0x3FAD]  }
0x30: {  	s3 =	sld [smem:$0x3FB0]  }
0x31: {  	[smem:$0x3FB9] =	sst s10  }
0x32: {  	s10 =	sld [smem:$0x3FB7];
	_ =	sdelay $0x3  }
0x33: {  	p0 =	seq.s32 s10, $0x1;
	s10 =	sld [smem:$0x3FB9];
	_ =	sdelay $0x3  }
0x34: {  	[smem:$0x3FB9] =	sst s10  }
0x35: {  	s10 =	sld [smem:$0x3FB8];
	_ =	sdelay $0x3  }
0x36: {  	p1 =	seq.s32 s10, $0x1;
	s10 =	sld [smem:$0x3FB9];
	_ =	sdelay $0x3  }
0x37: {  	[smem:$0x3FB9] =	sst s10  }
0x38: {  	s10 =	sld [smem:$0x3FBA]  }
0x39: {  	_ = 	snop;
	(pc) =	sbr.ind lr, $3  }
0x3a: {  	_ = 	snop  }
0x3b: {  	_ = 	snop  }
0x3c: {  	p2 =	seq.s32 s10, $0x1;
	s10 =	sld [smem:$0x3FB9]  }
0x3d: {  	_ =	shalt  }
0x3e: {  	_ =	shalt  }
0x3f: {  	_ =	shalt  }
0x40: {  	_ =	shalt  }
0x41: {  	_ =	shalt  }
0x42: {  	_ =	shalt  }
0x43: {  	_ =	shalt  }
0x44: {  	_ =	shalt  }
0x45: {  	_ =	shalt  }
0x46: {  	_ =	shalt  }
0x47: {  	_ =	shalt  }
0x48: {  	_ =	shalt  }
0x49: {  	_ =	shalt  }
0x4a: {  	_ =	shalt  }
0x4b: {  	_ =	shalt  }
0x4c: {  	_ =	shalt  }
0x4d: {  	_ =	shalt  }
0x4e: {  	_ =	shalt  }
0x4f: {  	_ =	shalt  }
0x50: {  	_ =	shalt  }
0x51: {  	_ =	shalt  }
0x52: {  	_ =	shalt  }
0x53: {  	_ =	shalt  }
0x54: {  	_ =	shalt  }
0x55: {  	_ =	shalt  }
0x56: {  	_ =	shalt  }
0x57: {  	_ =	shalt  }
0x58: {  	_ =	shalt  }
0x59: {  	_ =	shalt  }
0x5a: {  	_ =	shalt  }
0x5b: {  	_ =	shalt  }
0x5c: {  	_ =	shalt  }
0x5d: {  	_ =	shalt  }
0x5e: {  	_ =	shalt  }
0x5f: {  	_ =	shalt  }
0x60: {  	_ =	shalt  }
0x61: {  	_ =	shalt  }
0x62: {  	_ =	shalt  }
0x63: {  	_ =	shalt  }
0x64: {  	_ =	shalt  }
0x65: {  	_ =	shalt  }
0x66: {  	_ =	shalt  }
0x67: {  	_ =	shalt  }
0x68: {  	_ =	shalt  }
0x69: {  	_ =	shalt  }
0x6a: {  	_ =	shalt  }
0x6b: {  	_ =	shalt  }
0x6c: {  	_ =	shalt  }
0x6d: {  	_ =	shalt  }
0x6e: {  	_ =	shalt  }
0x6f: {  	_ =	shalt  }
0x70: {  	_ =	shalt  }
0x71: {  	_ =	shalt  }
0x72: {  	_ =	shalt  }
0x73: {  	_ =	shalt  }
0x74: {  	_ =	shalt  }
0x75: {  	_ =	shalt  }
0x76: {  	_ =	shalt  }
0x77: {  	_ =	shalt  }
0x78: {  	_ =	shalt  }
0x79: {  	_ =	shalt  }
0x7a: {  	_ =	shalt  }
0x7b: {  	_ =	shalt  }
0x7c: {  	_ =	shalt  }
0x7d: {  	_ =	shalt  }
0x7e: {  	_ =	shalt  }
0x7f: {  	_ =	shalt  }
0x80: {  	_ =	shalt  }
0x81: {  	_ =	shalt  }
0x82: {  	_ =	shalt  }
0x83: {  	_ =	shalt  }
0x84: {  	_ =	shalt  }
0x85: {  	_ =	shalt  }
0x86: {  	_ =	shalt  }
0x87: {  	_ =	shalt  }
.Lfunc_end0:
.L_simem_size_0:
called_computation_lowered:
.L_overlay_start_0:
0x88: {  	s2 =	sld [smem:$0x3FD9]  }
0x89: {  	s3 =	sld [smem:$0x3FFE];
	_ =	sdelay $0x1  }
0x8a: {  	s1 =	srdreg.scid  }
0x8b: {  	s0 =	sand.u32 $0x1, s1  }
0x8c: {  	s16 =	sshll.u32 s0, $0xA;
	s2 =	sadd.s32 s3, s2  }
0x8d: {  	s2 =	sadd.s32 s2, s16  }
0x8e: {  	[smem:$0x3FC5] =	sst s2  }
0x8f: {  	_ = 	snop  }
0x90: {  	(tm) =	ssettm $0x1  }
0x91: {  	s17 =	sld [smem:$0x3FFB];
	_ =	sdelay $0x3  }
0x92: {  	_ =	strace s17  }
0x93: {  	s2 =	sld [smem:$0x3FFC];
	_ =	sdelay $0x3  }
0x94: {  	_ =	strace s2  }
0x95: {  	s2 =	sld [smem:$0x3FFD];
	_ =	sdelay $0x3  }
0x96: {  	_ =	strace s2  }
0x97: {  	_ =	strace $0x8FFFFFFF  }
0x98: {  	s18 =	sld [smem:$0x3FDB];
	_ =	sdelay $0x1  }
0x99: {  	s19 =	simm.s32 $_scs_section_size  }
0x9a: {  	s4 =	simm.s32 $_size__tile_overlayer_lowered;
	s5 =	simm.s32 $_tile_overlayer_lowered  }
0x9b: {  	s22 =	simm.s32 $0x1BFF;
	s21 =	sshll.u32 s5, $0x1;
	s2 =	sadd.s32 s19, s18  }
0x9c: {  	s6 =	simm.s32 $0x0;
	s20 =	sshll.u32 s4, $0x1;
	s4 =	sadd.s32 s21, s2  }
0x9d: {  	[timem:s6], [sflag:s22] =	dma.local [hbm:s4], s20  }
0x9e: {  	_ =	swait.ge [sflag:s22], s20  }
0x9f: {  	s3 =	ssub.s32 $0x0, s20;
	[sflag:s22] =	ssyncset.done $0x0  }
0xa0: {  	[sflag:s22] =	ssyncadd.s32 s3;
	_ =	sdelay $0x1  }
0xa1: {  	s23 =	simm.s32 $0x1B8B  }
0xa2: {  	_ =	swait.ge [sflag:s23], $0x1  }
0xa3: {  	[sflag:s23] =	ssyncset.done $0x0  }
0xa4: {  	s25 =	simm.s32 $0x1B8E;
	s24 =	sld [smem:$0x3FFE];
	[sflag:s23] =	ssyncadd.s32 $0xFFFFFFFF  }
0xa5: {  	s26 =	simm.s32 $execute0_lowered;
	[smem:$0x3FD2] =	sst s25  }
0xa6: {  	s4 =	sshll.u32 s26, $0x1;
	_ =	strace $0x80000046;
	[dreg:$0x1] =	wrdreg $0xFFFFFFFF  }
0xa7: {  	s28 =	simm.s32 $_size_execute0_lowered;
	s2 =	sadd.s32 s2, s4;
	[dreg:$0x0] =	wrdreg $0x0  }
0xa8: {  	s4 =	sshll.u32 s28, $0x1;
	[dreg:$0x2] =	wrdreg s2  }
0xa9: {  	[dreg:$0x3] =	wrdreg s4  }
0xaa: {  	[dreg:$0x4] =	wrdreg $0xC0  }
0xab: {  	_ =	task [dreg:s6], $0x5FFFF  }
0xac: {  	[dreg:$0x1] =	wrdreg $0xFFFFFFFF  }
0xad: {  	[dreg:$0x0] =	wrdreg $0x60  }
0xae: {  	[dreg:$0x2] =	wrdreg s24  }
0xaf: {  	[dreg:$0x3] =	wrdreg $0x28800  }
0xb0: {  	[dreg:$0x4] =	wrdreg $0x9  }
0xb1: {  	_ =	task.clear_ibuf [dreg:s6], $0x5FFFF;
	_ =	strace $0x90000046  }
0xb2: {  	s29 =	simm.s32 $0x9;
	_ =	strace $0x80000048  }
0xb3: {  	_ =	swait.ge [sflag:s29], $0x1  }
0xb4: {  	[sflag:s29] =	ssyncadd.s32 $0xFFFFFFFF  }
0xb5: {  	_ =	strace $0x90000048  }
0xb6: {  	_ =	sfence  }
0xb7: {  	s30 =	sld [smem:$0x0];
	_ =	sdelay $0x2  }
0xb8: {  	s31 =	sshll.u32 s1, $0xD;
	s1 =	sshrl.u32 s1, $0x2  }
0xb9: {  	s3 =	sand.u32 $0x4000, s31;
	s1 =	sadd.s32 s1, s30  }
0xba: {  	s0 =	sor.u32 s3, s0;
	s1 =	sshll.u32 s1, $0x11  }
0xbb: {  	s0 =	sor.u32 s1, s0  }
0xbc: {  	s0 =	sadd.s32 $0x8F2B, s0  }
0xbd: {  	[sflag:s0] =	ssyncadd.remote.s32 $0x1  }
0xbe: {  	_ =	sfence.sel $0xFFFF  }
0xbf: {  	[dreg:$0x0] =	wrdreg $0xFFFFFFFF;
	(pc) =	sbr.abs _section_cstart, $3  }
0xc0: {  	[dreg:$0x1] =	wrdreg $0xFFFFFFFF  }
0xc1: {  	_ =	task.clear_ibuf [dreg:s6], $0x2FFFF;
	_ =	strace $0x9FFFFFFF  }
0xc2: {  	(tm) =	ssettm $0x7FFFFFFF  }
0xc3: {  	_ =	shalt  }
tec
execute0_lowered:
.L_overlay_start_1:
0x0: {  	(tag) =	ssettag $0x1  }
0x1: {  	s1 =	srdreg.scid;
	s7 =	rddreg [dreg:$0x0]  }
0x2: {  	s0 =	stileid.u32;
	s2 =	rddreg [dreg:$0x1];
	s3 =	simm.s32 $0x0  }
0x3: {  	s14 =	simm.s32 $0x1;
	s15 =	simm.s32 $0x0;
	s6 =	sand.u32 $0x1, s1  }
0x4: {  	s30 =	sshll.u32 s0, $0x1;
	s8 =	smul.u32 $0x280, s0;
	[smem:$0x7FF] =	sst s3  }
0x5: {  	s11 =	sshll.u32 s0, $0x6;
	s1 =	sor.u32 s6, s30;
	s5 =	smul.u32 $0x2800, s6  }
0x6: {  	s6 =	ssub.s32 $0x2, s6;
	s4 =	smul.u32 $0x500, s1;
	s1 =	rddreg [dreg:$0x2]  }
0x7: {  	_ =	strace $0x80000047;
	s31 =	sshrl.u32 s6, $0x1;
	s13 =	sadd.s32 s8, s2  }
0x8: {  	s10 =	sadd.s32 s8, s5;
	s5 =	sadd.s32 $0xC200, s7;
	s12 =	ssub.s32 s6, s31  }
0x9: {  	s6 =	sor.u32 $0x1C02, s11;
	s11 =	simm.s32 $0x2;
	s10 =	sshrl.u32 s10, $0x3  }
0xa: {  	s9 =	sadd.s32 s4, s7;
	s4 =	sadd.s32 $0xC400, s7;
	s10 =	sadd.s32 s10, s7  }
0xb: {  	s7 =	sadd.s32 $0x2200, s9;
	s9 =	smax.u32 s12, $0x1;
	s12 =	simm.s32 $0x2800  }
0xc: {  	s8 =	sadd.s32 $0xC600, s10;
	s10 =	sshrl.u32 s13, $0x3;
	s13 =	simm.s32 $0x80  }
.LBB2_1:
0xd: {  	[spmem:s10], [sflag:s6] =	dma.local [hbm:s4], $0x50  }
0xe: {  	_ =	swait.ge [sflag:s11], $0x50  }
0xf: {  	[sflag:s11] =	ssyncset.done $0x0  }
0x10: {  	[sflag:s11] =	ssyncadd.s32 $0xFFFFFFB0  }
0x11: {  	[tilespmem:s12], [sflag:$0x2] =	stream.linear.gather [hbm4b:s5+s3], $0x80, $0x38;
	[tilespmem:$0x2B00] =	vst v63  }
0x12: {  	_ =	swait.ge [sflag:s11], $0x80  }
0x13: {  	[sflag:s11] =	ssyncset.done $0x0  }
0x14: {  	[sflag:s11] =	ssyncadd.s32 $0xFFFFFF80  }
0x15: {  	[tilespmem:s3], [sflag:$0x2] =	stream.linear.gather [hbm4b:s7+s3], $0x2800, $0x38;
	[tilespmem:$0x2B00] =	vst v63  }
0x16: {  	_ =	swait.ge [sflag:s11], $0x2800  }
0x17: {  	[sflag:s11] =	ssyncset.done $0x0  }
0x18: {  	[sflag:s11] =	ssyncadd.s32 $0xFFFFD800  }
0x19: {  	s16 =	simm.s32 $0x0;
	[bflag:$0x0] =	sbarrier.arrive $0xFFFF  }
0x1a: {  	[spmem:s2] =	stream.indirect.scatter.add.f32 [tilespmem:s12], [sflag:$0x1], $0x1, s16, s13, $0xb8;
	[tilespmem:$0x2B00] =	vst v63  }
0x1b: {  	s24 =	simm.s32 $0x80  }
0x1c: {  	[spmem:s2] =	stream.indirect.scatter.add.f32 [tilespmem:s12], [sflag:$0x1], $0x1, s24, s13, $0xb8;
	[tilespmem:$0x2B00] =	vst v63  }
0x1d: {  	s25 =	simm.s32 $0x100  }
0x1e: {  	[spmem:s2] =	stream.indirect.scatter.add.f32 [tilespmem:s12], [sflag:$0x1], $0x1, s25, s13, $0xb8;
	[tilespmem:$0x2B00] =	vst v63  }
0x1f: {  	s26 =	simm.s32 $0x180  }
0x20: {  	[spmem:s2] =	stream.indirect.scatter.add.f32 [tilespmem:s12], [sflag:$0x1], $0x1, s26, s13, $0xb8;
	[tilespmem:$0x2B00] =	vst v63  }
0x21: {  	s28 =	simm.s32 $0x200  }
0x22: {  	[spmem:s2] =	stream.indirect.scatter.add.f32 [tilespmem:s12], [sflag:$0x1], $0x1, s28, s13, $0xb8;
	[tilespmem:$0x2B00] =	vst v63  }
0x23: {  	s29 =	simm.s32 $0x280  }
0x24: {  	[spmem:s2] =	stream.indirect.scatter.add.f32 [tilespmem:s12], [sflag:$0x1], $0x1, s29, s13, $0xb8;
	[tilespmem:$0x2B00] =	vst v63  }
0x25: {  	s30 =	simm.s32 $0x300  }
0x26: {  	[spmem:s2] =	stream.indirect.scatter.add.f32 [tilespmem:s12], [sflag:$0x1], $0x1, s30, s13, $0xb8;
	[tilespmem:$0x2B00] =	vst v63  }
0x27: {  	s31 =	simm.s32 $0x380  }
0x28: {  	[spmem:s2] =	stream.indirect.scatter.add.f32 [tilespmem:s12], [sflag:$0x1], $0x1, s31, s13, $0xb8;
	[tilespmem:$0x2B00] =	vst v63  }
0x29: {  	_ =	swait.ge [sflag:s14], $0x80  }
0x2a: {  	[sflag:s14] =	ssyncset.done $0x0  }
0x2b: {  	[sflag:s14] =	ssyncadd.s32 $0xFFFFFF80  }
0x2c: {  	_ =	swait.ge [sflag:s14], $0x80  }
0x2d: {  	[sflag:s14] =	ssyncset.done $0x0  }
0x2e: {  	[sflag:s14] =	ssyncadd.s32 $0xFFFFFF80  }
0x2f: {  	_ =	swait.ge [sflag:s14], $0x80  }
0x30: {  	[sflag:s14] =	ssyncset.done $0x0  }
0x31: {  	[sflag:s14] =	ssyncadd.s32 $0xFFFFFF80  }
0x32: {  	_ =	swait.ge [sflag:s14], $0x80  }
0x33: {  	[sflag:s14] =	ssyncset.done $0x0  }
0x34: {  	[sflag:s14] =	ssyncadd.s32 $0xFFFFFF80  }
0x35: {  	_ =	swait.ge [sflag:s14], $0x80  }
0x36: {  	[sflag:s14] =	ssyncset.done $0x0  }
0x37: {  	[sflag:s14] =	ssyncadd.s32 $0xFFFFFF80  }
0x38: {  	_ =	swait.ge [sflag:s14], $0x80  }
0x39: {  	[sflag:s14] =	ssyncset.done $0x0  }
0x3a: {  	[sflag:s14] =	ssyncadd.s32 $0xFFFFFF80  }
0x3b: {  	_ =	swait.ge [sflag:s14], $0x80  }
0x3c: {  	[sflag:s14] =	ssyncset.done $0x0  }
0x3d: {  	[sflag:s14] =	ssyncadd.s32 $0xFFFFFF80  }
0x3e: {  	_ =	swait.ge [sflag:s14], $0x80  }
0x3f: {  	s18 =	simm.s32 $0x2000;
	s16 =	simm.s32 $0x1000;
	[sflag:s14] =	ssyncset.done $0x0  }
.LBB2_2:
0x40: {  	s19 =	sshra.s32 s16, $0x2  }
0x41: {  	[sflag:s14] =	ssyncadd.s32 $0xFFFFFF80;
	s16 =	smov.u32 s18;
	s17 =	sadd.s32 $0x1000, s18  }
0x42: {  	[spmem:s2] =	stream.indirect.scatter.add.f32 [tilespmem:s12], [sflag:$0x1], $0x1, s19, s13, $0xb8;
	[tilespmem:$0x2B00] =	vst v63  }
0x43: {  	p0 =	sne.s32 s18, $0x9000;
	s18 =	sadd.s32 $0x80, s19  }
0x44: {  	[spmem:s2] =	stream.indirect.scatter.add.f32 [tilespmem:s12], [sflag:$0x1], $0x1, s18, s13, $0xb8;
	[tilespmem:$0x2B00] =	vst v63  }
0x45: {  	s18 =	sadd.s32 $0x100, s19  }
0x46: {  	[spmem:s2] =	stream.indirect.scatter.add.f32 [tilespmem:s12], [sflag:$0x1], $0x1, s18, s13, $0xb8;
	[tilespmem:$0x2B00] =	vst v63  }
0x47: {  	s18 =	sadd.s32 $0x180, s19  }
0x48: {  	[spmem:s2] =	stream.indirect.scatter.add.f32 [tilespmem:s12], [sflag:$0x1], $0x1, s18, s13, $0xb8;
	[tilespmem:$0x2B00] =	vst v63  }
0x49: {  	s18 =	sadd.s32 $0x200, s19  }
0x4a: {  	[spmem:s2] =	stream.indirect.scatter.add.f32 [tilespmem:s12], [sflag:$0x1], $0x1, s18, s13, $0xb8;
	[tilespmem:$0x2B00] =	vst v63  }
0x4b: {  	s18 =	sadd.s32 $0x280, s19  }
0x4c: {  	[spmem:s2] =	stream.indirect.scatter.add.f32 [tilespmem:s12], [sflag:$0x1], $0x1, s18, s13, $0xb8;
	[tilespmem:$0x2B00] =	vst v63  }
0x4d: {  	s18 =	sadd.s32 $0x300, s19  }
0x4e: {  	[spmem:s2] =	stream.indirect.scatter.add.f32 [tilespmem:s12], [sflag:$0x1], $0x1, s18, s13, $0xb8;
	[tilespmem:$0x2B00] =	vst v63  }
0x4f: {  	s18 =	sadd.s32 $0x380, s19  }
0x50: {  	[spmem:s2] =	stream.indirect.scatter.add.f32 [tilespmem:s12], [sflag:$0x1], $0x1, s18, s13, $0xb8;
	[tilespmem:$0x2B00] =	vst v63  }
0x51: {  	_ =	swait.ge [sflag:s14], $0x80  }
0x52: {  	[sflag:s14] =	ssyncset.done $0x0  }
0x53: {  	[sflag:s14] =	ssyncadd.s32 $0xFFFFFF80  }
0x54: {  	_ =	swait.ge [sflag:s14], $0x80  }
0x55: {  	[sflag:s14] =	ssyncset.done $0x0  }
0x56: {  	[sflag:s14] =	ssyncadd.s32 $0xFFFFFF80  }
0x57: {  	_ =	swait.ge [sflag:s14], $0x80  }
0x58: {  	[sflag:s14] =	ssyncset.done $0x0  }
0x59: {  	[sflag:s14] =	ssyncadd.s32 $0xFFFFFF80  }
0x5a: {  	_ =	swait.ge [sflag:s14], $0x80  }
0x5b: {  	[sflag:s14] =	ssyncset.done $0x0  }
0x5c: {  	[sflag:s14] =	ssyncadd.s32 $0xFFFFFF80  }
0x5d: {  	_ =	swait.ge [sflag:s14], $0x80  }
0x5e: {  	[sflag:s14] =	ssyncset.done $0x0  }
0x5f: {  	[sflag:s14] =	ssyncadd.s32 $0xFFFFFF80  }
0x60: {  	_ =	swait.ge [sflag:s14], $0x80  }
0x61: {  	[sflag:s14] =	ssyncset.done $0x0  }
0x62: {  	[sflag:s14] =	ssyncadd.s32 $0xFFFFFF80  }
.Ltmp0:
0x63: {  	_ =	swait.ge [sflag:s14], $0x80;
	(pc) =	sbr.rel @p0 .LBB2_2-.Ltmp0, $4  }
0x64: {  	[sflag:s14] =	ssyncset.done $0x0  }
0x65: {  	[sflag:s14] =	ssyncadd.s32 $0xFFFFFF80  }
0x66: {  	_ =	swait.ge [sflag:s14], $0x80  }
0x67: {  	s18 =	smov.u32 s17;
	[sflag:s14] =	ssyncset.done $0x0  }
0x68: {  	s16 =	sshra.s32 s16, $0x2;
	[sflag:s14] =	ssyncadd.s32 $0xFFFFFF80  }
0x69: {  	[spmem:s2] =	stream.indirect.scatter.add.f32 [tilespmem:s12], [sflag:$0x1], $0x1, s16, s13, $0xb8;
	[tilespmem:$0x2B00] =	vst v63  }
0x6a: {  	s17 =	sadd.s32 $0x80, s16  }
0x6b: {  	[spmem:s2] =	stream.indirect.scatter.add.f32 [tilespmem:s12], [sflag:$0x1], $0x1, s17, s13, $0xb8;
	[tilespmem:$0x2B00] =	vst v63  }
0x6c: {  	s26 =	sadd.s32 $0x100, s16  }
0x6d: {  	[spmem:s2] =	stream.indirect.scatter.add.f32 [tilespmem:s12], [sflag:$0x1], $0x1, s26, s13, $0xb8;
	[tilespmem:$0x2B00] =	vst v63  }
0x6e: {  	s28 =	sadd.s32 $0x180, s16  }
0x6f: {  	[spmem:s2] =	stream.indirect.scatter.add.f32 [tilespmem:s12], [sflag:$0x1], $0x1, s28, s13, $0xb8;
	[tilespmem:$0x2B00] =	vst v63  }
0x70: {  	s29 =	sadd.s32 $0x200, s16  }
0x71: {  	[spmem:s2] =	stream.indirect.scatter.add.f32 [tilespmem:s12], [sflag:$0x1], $0x1, s29, s13, $0xb8;
	[tilespmem:$0x2B00] =	vst v63  }
0x72: {  	s30 =	sadd.s32 $0x280, s16  }
0x73: {  	[spmem:s2] =	stream.indirect.scatter.add.f32 [tilespmem:s12], [sflag:$0x1], $0x1, s30, s13, $0xb8;
	[tilespmem:$0x2B00] =	vst v63  }
0x74: {  	s31 =	sadd.s32 $0x300, s16  }
0x75: {  	[spmem:s2] =	stream.indirect.scatter.add.f32 [tilespmem:s12], [sflag:$0x1], $0x1, s31, s13, $0xb8;
	[tilespmem:$0x2B00] =	vst v63  }
0x76: {  	s16 =	sadd.s32 $0x380, s16  }
0x77: {  	[spmem:s2] =	stream.indirect.scatter.add.f32 [tilespmem:s12], [sflag:$0x1], $0x1, s16, s13, $0xb8;
	[tilespmem:$0x2B00] =	vst v63  }
0x78: {  	_ =	swait.ge [sflag:s14], $0x80  }
0x79: {  	[sflag:s14] =	ssyncset.done $0x0  }
0x7a: {  	[sflag:s14] =	ssyncadd.s32 $0xFFFFFF80  }
0x7b: {  	_ =	swait.ge [sflag:s14], $0x80  }
0x7c: {  	[sflag:s14] =	ssyncset.done $0x0  }
0x7d: {  	[sflag:s14] =	ssyncadd.s32 $0xFFFFFF80  }
0x7e: {  	_ =	swait.ge [sflag:s14], $0x80  }
0x7f: {  	[sflag:s14] =	ssyncset.done $0x0  }
0x80: {  	[sflag:s14] =	ssyncadd.s32 $0xFFFFFF80  }
0x81: {  	_ =	swait.ge [sflag:s14], $0x80  }
0x82: {  	[sflag:s14] =	ssyncset.done $0x0  }
0x83: {  	[sflag:s14] =	ssyncadd.s32 $0xFFFFFF80  }
0x84: {  	_ =	swait.ge [sflag:s14], $0x80  }
0x85: {  	[sflag:s14] =	ssyncset.done $0x0  }
0x86: {  	[sflag:s14] =	ssyncadd.s32 $0xFFFFFF80  }
0x87: {  	_ =	swait.ge [sflag:s14], $0x80  }
0x88: {  	[sflag:s14] =	ssyncset.done $0x0  }
0x89: {  	[sflag:s14] =	ssyncadd.s32 $0xFFFFFF80  }
0x8a: {  	_ =	swait.ge [sflag:s14], $0x80  }
0x8b: {  	[sflag:s14] =	ssyncset.done $0x0  }
0x8c: {  	[sflag:s14] =	ssyncadd.s32 $0xFFFFFF80  }
0x8d: {  	_ =	swait.ge [sflag:s14], $0x80  }
0x8e: {  	s15 =	sadd.s32 $0x1, s15;
	[sflag:s14] =	ssyncset.done $0x0  }
0x8f: {  	p0 =	sne.s32 s15, s9;
	[sflag:s14] =	ssyncadd.s32 $0xFFFFFF80  }
.Ltmp1:
0x90: {  	[bflag:$0x0] =	sbarrier.arrive $0xFFFF;
	(pc) =	sbr.rel @p0 .LBB2_1-.Ltmp1, $4  }
0x91: {  	[hbm:s8], [sflag:s6] =	dma.local [spmem:s10], $0x50  }
0x92: {  	_ =	swait.ge [sflag:s11], $0x50  }
0x93: {  	[sflag:s11] =	ssyncset.done $0x0  }
0x94: {  	[sflag:s11] =	ssyncadd.s32 $0xFFFFFFB0  }
0x95: {  	_ =	sfence.sel $0x180000  }
0x96: {  	[bflag:$0x0] =	sbarrier.arrive $0xFFFF  }
0x97: {  	p0 =	sne.s32 s0, $0x0;
	_ =	strace $0x90000047  }
0x98: {  	s0 =	sadd.s32 @!p0 $0x100000, s1;
	[bflag:$0x2] =	sbarrier.arrive $0xFFFF  }
0x99: {  	[sflag:s0] =	ssyncadd.tile.s32 @!p0 $0x1;
	_ =	shalt  }
.Lfunc_end2:
_tile_overlayer_lowered:
.L_overlay_start_2:
0x9a: {  	(tag) =	ssettag $0x2  }
0x9b: {  	s0 =	rddreg [dreg:$0x0];
	s2 =	stileid.u32  }
0x9c: {  	s1 =	rddreg [dreg:$0x1];
	p0 =	sne.s32 s2, $0x0  }
0x9d: {  	s3 =	rddreg [dreg:$0x2];
	[bflag:$0x3] =	sbarrier.arrive $0xFFFF;
	s2 =	simm.s32 @!p0 $0x1C02  }
0x9e: {  	[timem:s3], [sflag:s2] =	dma.local @!p0 [hbm:s0], s1  }
0x9f: {  	s0 =	simm.s32 @!p0 $0x2  }
0xa0: {  	_ =	swait.ge @!p0 [sflag:s0], s1  }
0xa1: {  	s1 =	ssub.s32 @!p0 $0x0, s1;
	[sflag:s0] =	ssyncset.done @!p0 $0x0  }
0xa2: {  	[sflag:s0] =	ssyncadd.s32 @!p0 s1  }
0xa3: {  	[bflag:$0x3] =	sbarrier.arrive $0xFFFF  }
0xa4: {  	_ =	shalt  }

</sc_bundles>
